<compile_context>
chip_gen: v7x
topology: tpu7x:2x2x1
jax: 0.10.2.dev20260603
libtpu: 0.0.44.dev20260713+nightly
codegen_flags: <defaults>
</compile_context>

<pallas_src>
import jax
import jax.numpy as jnp
from jax import lax
from jax.experimental import pallas as pl
from jax.experimental.pallas import tpu as pltpu
from jax.experimental.pallas import tpu_sc as plsc

N_NODES = 10000
E_EDGES = 320000
D = 128
R = 8

NC = 2
NS = 16
NW = NC * NS
B = 64
E_PAD = 327680
EROWS = E_PAD // B
RPW = EROWS // NW
CHR = 8
NCH = RPW // CHR
N_PAD = 10240
ZCH = N_PAD // B
ZPT = ZCH // NS

MBLK = 1024
NMB = -(-N_NODES // MBLK)


def _relmm_body(x_ref, w_ref, o_ref):
    o_ref[0] = jnp.dot(x_ref[...], w_ref[0], preferred_element_type=jnp.float32)


def _relation_matmul(node_feat, weight):
    return pl.pallas_call(
        _relmm_body,
        grid=(R, NMB),
        in_specs=[
            pl.BlockSpec((MBLK, D), lambda r, m: (m, 0)),
            pl.BlockSpec((1, D, D), lambda r, m: (r, 0, 0)),
        ],
        out_specs=pl.BlockSpec((1, MBLK, D), lambda r, m: (r, m, 0)),
        out_shape=jax.ShapeDtypeStruct((R, N_NODES, D), jnp.float32),
    )(node_feat, weight)


def _final_body(acc_ref, deg_ref, x_ref, w_ref, b_ref, o_ref):
    loop_msg = jnp.dot(x_ref[...], w_ref[...], preferred_element_type=jnp.float32)
    agg = acc_ref[0] + acc_ref[1] + loop_msg
    deg = deg_ref[0, :, 0:1] + deg_ref[1, :, 0:1]
    norm = 1.0 / (deg + 1.0)
    o_ref[...] = jnp.maximum(agg * norm + b_ref[...], 0.0)


def _final_update(acc, deg, node_feat, loop_weight, bias):
    return pl.pallas_call(
        _final_body,
        grid=(NMB,),
        in_specs=[
            pl.BlockSpec((NC, MBLK, D), lambda m: (0, m, 0)),
            pl.BlockSpec((NC, MBLK, D), lambda m: (0, m, 0)),
            pl.BlockSpec((MBLK, D), lambda m: (m, 0)),
            pl.BlockSpec((D, D), lambda m: (0, 0)),
            pl.BlockSpec((1, D), lambda m: (0, 0)),
        ],
        out_specs=pl.BlockSpec((MBLK, D), lambda m: (m, 0)),
        out_shape=jax.ShapeDtypeStruct((N_NODES, D), jnp.float32),
    )(acc, deg, node_feat, loop_weight, bias.reshape(1, D))


def _sc_body(table, fid2, dst2, ident3, zrow_h, ones_h,
             acc_out, deg_out,
             idx_v, dst_v, zidx_v, rows_v, rows_w, acc_s, sem_a, sem_b):
    cid = lax.axis_index("c")
    sid = lax.axis_index("s")
    wid = sid * NC + cid

    pltpu.sync_copy(ident3.at[sid], zidx_v)
    pltpu.sync_copy(zrow_h, rows_v)

    for p in range(ZPT):
        pltpu.sync_copy(rows_v, acc_s.at[zidx_v.at[p]])

    plsc.subcore_barrier()

    @pl.loop(0, NCH)
    def _chunk(c):
        row0 = wid * RPW + c * CHR
        pltpu.sync_copy(fid2.at[pl.ds(row0, CHR)], idx_v)
        pltpu.sync_copy(dst2.at[pl.ds(row0, CHR)], dst_v)
        bufs = (rows_v, rows_w)
        sems = (sem_a, sem_b)
        descs = [None] * CHR
        descs[0] = pltpu.async_copy(table.at[idx_v.at[0]], bufs[0], sems[0])
        for j in range(CHR):
            if j + 1 < CHR:
                descs[j + 1] = pltpu.async_copy(
                    table.at[idx_v.at[j + 1]], bufs[(j + 1) % 2],
                    sems[(j + 1) % 2])
            descs[j].wait()
            pltpu.sync_copy(bufs[j % 2], acc_s.at[dst_v.at[j]], add=True)

    plsc.subcore_barrier()

    for p in range(ZPT):
        base = (sid * ZPT + p) * B
        pltpu.async_copy(acc_s.at[zidx_v.at[p]], rows_v, sem_a).wait()
        pltpu.sync_copy(rows_v, acc_out.at[cid, pl.ds(base, B)])

    plsc.subcore_barrier()

    pltpu.sync_copy(zrow_h, rows_v)
    for p in range(ZPT):
        pltpu.sync_copy(rows_v, acc_s.at[zidx_v.at[p]])

    plsc.subcore_barrier()

    pltpu.sync_copy(ones_h, rows_v)

    @pl.loop(0, NCH)
    def _dchunk(c):
        row0 = wid * RPW + c * CHR
        pltpu.sync_copy(dst2.at[pl.ds(row0, CHR)], dst_v)
        for j in range(CHR):
            pltpu.sync_copy(rows_v, acc_s.at[dst_v.at[j]], add=True)

    plsc.subcore_barrier()

    for p in range(ZPT):
        base = (sid * ZPT + p) * B
        pltpu.async_copy(acc_s.at[zidx_v.at[p]], rows_v, sem_a).wait()
        pltpu.sync_copy(rows_v, deg_out.at[cid, pl.ds(base, B)])


def _sc_gather_scatter(table, fid2, dst2, ident3):
    zrow_h = jnp.zeros((B, D), jnp.float32)
    ones_h = jnp.ones((B, D), jnp.float32)
    mesh = plsc.VectorSubcoreMesh(core_axis_name="c", subcore_axis_name="s",
                                  num_cores=NC, num_subcores=NS)
    f = pl.kernel(
        _sc_body,
        mesh=mesh,
        out_type=[
            jax.ShapeDtypeStruct((NC, N_PAD, D), jnp.float32),
            jax.ShapeDtypeStruct((NC, N_PAD, D), jnp.float32),
        ],
        scratch_types=[
            pltpu.VMEM((CHR, B), jnp.int32),
            pltpu.VMEM((CHR, B), jnp.int32),
            pltpu.VMEM((ZPT, B), jnp.int32),
            pltpu.VMEM((B, D), jnp.float32),
            pltpu.VMEM((B, D), jnp.float32),
            pltpu.VMEM_SHARED((N_PAD, D), jnp.float32),
            pltpu.SemaphoreType.DMA,
            pltpu.SemaphoreType.DMA,
        ],
    )
    return f(table, fid2, dst2, ident3, zrow_h, ones_h)


def _pad2d(x, fill):
    pad = jnp.full((E_PAD - E_EDGES,), fill, jnp.int32)
    return jnp.concatenate([x.astype(jnp.int32), pad]).reshape(EROWS, B)


def kernel(node_feat, edge_index, edge_type, weight, loop_weight, bias):
    fused = (edge_type.astype(jnp.int32) * N_NODES
             + edge_index[0].astype(jnp.int32))
    npad = E_PAD - E_EDGES
    pad_idx = jnp.arange(npad, dtype=jnp.int32) % (R * N_NODES)
    pad_dst = N_NODES + (jnp.arange(npad, dtype=jnp.int32) % (N_PAD - N_NODES))
    fid2 = jnp.concatenate([fused, pad_idx]).reshape(EROWS, B)
    dst2 = jnp.concatenate([edge_index[1].astype(jnp.int32),
                            pad_dst]).reshape(EROWS, B)
    ident3 = jnp.arange(N_PAD, dtype=jnp.int32).reshape(NS, ZPT, B)

    h_all = _relation_matmul(node_feat, weight)
    table = h_all.reshape(R * N_NODES, D)
    acc, deg = _sc_gather_scatter(table, fid2, dst2, ident3)
    out = _final_update(acc, deg, node_feat, loop_weight, bias)
    return (out, edge_type)

# --- scband reference (transcript-rebuilt; emitter-appended) ---
"""Pipeline reference for scband-rgcnlayer-68049461838045 (READ-ONLY COPY).

The authoritative reference and input builder live on the scoring server;
editing this copy changes nothing except your own understanding.
"""

import jax, jax.numpy as jnp
import numpy as np

N_NODES = 10000
N_EDGES = 320000
D_IN = 128
D_OUT = 128
NUM_RELS = 8


def setup_inputs(seed: int = 0) -> dict:
    key = jax.random.key(seed)
    k1, k2, k3, k4, k5 = jax.random.split(key, 5)
    node_feat = jax.random.normal(k1, (N_NODES, D_IN), dtype=jnp.float32)
    edge_index = jax.random.randint(k2, (2, N_EDGES), 0, N_NODES, dtype=jnp.int64)
    edge_type = jax.random.randint(k3, (N_EDGES,), 0, NUM_RELS, dtype=jnp.int64)
    # learned parameters (basis regularizer with num_bases == num_rels -> no w_comp)
    weight = jax.random.uniform(k4, (NUM_RELS, D_IN, D_OUT), dtype=jnp.float32, minval=-0.08, maxval=0.08)
    loop_weight = jax.random.uniform(k5, (D_IN, D_OUT), dtype=jnp.float32, minval=-0.08, maxval=0.08)
    bias = jnp.zeros((D_OUT,), dtype=jnp.float32)
    return {
        "node_feat": node_feat,
        "edge_index": edge_index,
        "edge_type": edge_type,
        "weight": weight,
        "loop_weight": loop_weight,
        "bias": bias,
    }


def reference(node_feat, edge_index, edge_type, weight, loop_weight, bias):
    # RGCNLayer forward: regularizer='basis' (num_bases==num_rels), edge_norm='in',
    # self_loop=True, bias=True, batch_norm=False, act='relu', dropout=0 (identity).
    N = node_feat.shape[0]
    src = edge_index[0]
    dst = edge_index[1]

    # in-degree norm: in_norm = 1 / (in_deg + 1) because self_loop=True
    in_deg = jnp.zeros((N,), dtype=jnp.float32).at[dst].add(1.0)
    in_norm = (1.0 / (in_deg + 1.0))[:, None]  # [N, 1]
    norm = in_norm[dst]  # copy dst norm to edges, [E, 1]

    # basis message: msg_e = x[src_e] @ W[type_e]  (computed per-relation then gathered;
    # mathematically identical to per-edge bmm in _basis_message_func)
    h_all = jnp.einsum('ni,rio->rno', node_feat, weight)  # [R, N, D_OUT]
    msg = h_all[edge_type, src] * norm  # [E, D_OUT]

    # sum-reduce messages onto dst nodes (fn.sum)
    agg = jnp.zeros((N, h_all.shape[-1]), dtype=node_feat.dtype).at[dst].add(msg)

    # node update: self-loop message scaled by in_norm, bias, relu
    loop_msg = node_feat @ loop_weight
    out = agg + loop_msg * in_norm
    out = out + bias
    out = jax.nn.relu(out)
    return (out, edge_type)

if __name__ == "__main__":
    import jax
    _d = setup_inputs()
    print(jax.jit(kernel)(*tuple(_d.values())))

</pallas_src>

<mosaic_0001>
#map = affine_map<(d0, d1) -> (0, 0)>
#map1 = affine_map<(d0, d1) -> (0, 0, 0)>
module attributes {stable_mosaic.version = 14 : i64} {
  func.func @_sc_body(%arg0: i32, %arg1: i32, %arg2: memref<80000x128xf32, #tpu.memory_space<hbm>>, %arg3: memref<5120x64xi32, #tpu.memory_space<hbm>>, %arg4: memref<5120x64xi32, #tpu.memory_space<hbm>>, %arg5: memref<16x10x64xi32, #tpu.memory_space<hbm>>, %arg6: memref<64x128xf32, #tpu.memory_space<hbm>>, %arg7: memref<64x128xf32, #tpu.memory_space<hbm>>, %arg8: memref<2x10240x128xf32, #tpu.memory_space<hbm>>, %arg9: memref<2x10240x128xf32, #tpu.memory_space<hbm>>, %arg10: memref<8x64xi32, #tpu.memory_space<vmem>>, %arg11: memref<8x64xi32, #tpu.memory_space<vmem>>, %arg12: memref<10x64xi32, #tpu.memory_space<vmem>>, %arg13: memref<64x128xf32, #tpu.memory_space<vmem>>, %arg14: memref<64x128xf32, #tpu.memory_space<vmem>>, %arg15: memref<10240x128xf32, #tpu.memory_space<vmem_shared>>, %arg16: memref<!tpu.dma_semaphore, #tpu.memory_space<semaphore_mem>>, %arg17: memref<!tpu.dma_semaphore, #tpu.memory_space<semaphore_mem>>) attributes {dimension_semantics = [#tpu.dimension_semantics<core_parallel>, #tpu.dimension_semantics<subcore_parallel>], iteration_bounds = array<i64: 2, 16>, scalar_prefetch = 0 : i64, scratch_operands = 8 : i64, tpu.core_type = #tpu.core_type<sc_vector_subcore>, window_params = [{transform_indices = #map}, {transform_indices = #map}, {transform_indices = #map}, {transform_indices = #map1}, {transform_indices = #map}, {transform_indices = #map}, {transform_indices = #map1}, {transform_indices = #map1}]} {
    %mul3A = arith.constant 2 : i32
    %mul3A_0 = arith.muli %arg1, %mul3A : i32
    %add3A = arith.addi %mul3A_0, %arg0 : i32
    "tpu.region"() ({
      %run_scoped3A_431 = tpu.sem_alloc : memref<!tpu.dma_semaphore, #tpu.memory_space<semaphore_mem>>
      %dma_start3A_432 = arith.constant 0 : i32
      %dma_start3A_433 = arith.constant 0 : i32
      %dma_start3A_434 = tpu.memref_slice %arg5[%arg1, %dma_start3A_432, %dma_start3A_433] : memref<16x10x64xi32, #tpu.memory_space<hbm>> -> memref<1x10x64xi32, #tpu.memory_space<hbm>>
      %dma_start3A_435 = tpu.memref_squeeze %dma_start3A_434 : memref<1x10x64xi32, #tpu.memory_space<hbm>> -> memref<10x64xi32, #tpu.memory_space<hbm>>
      %dma_start3A_436 = arith.constant 0 : i32
      %dma_start3A_437 = arith.constant 0 : i32
      %dma_start3A_438 = tpu.memref_slice %arg5[%arg1, %dma_start3A_436, %dma_start3A_437] : memref<16x10x64xi32, #tpu.memory_space<hbm>> -> memref<1x10x64xi32, #tpu.memory_space<hbm>>
      %dma_start3A_439 = tpu.memref_squeeze %dma_start3A_438 : memref<1x10x64xi32, #tpu.memory_space<hbm>> -> memref<10x64xi32, #tpu.memory_space<hbm>>
      tpu.enqueue_dma source(%dma_start3A_439 : memref<10x64xi32, #tpu.memory_space<hbm>>) target(%arg12 : memref<10x64xi32, #tpu.memory_space<vmem>>) target_semaphore(%run_scoped3A_431 : memref<!tpu.dma_semaphore, #tpu.memory_space<semaphore_mem>>)
      %dma_wait3A_440 = arith.constant 0 : i32
      %dma_wait3A_441 = arith.constant 0 : i32
      %dma_wait3A_442 = tpu.memref_slice %arg5[%arg1, %dma_wait3A_440, %dma_wait3A_441] : memref<16x10x64xi32, #tpu.memory_space<hbm>> -> memref<1x10x64xi32, #tpu.memory_space<hbm>>
      %dma_wait3A_443 = tpu.memref_squeeze %dma_wait3A_442 : memref<1x10x64xi32, #tpu.memory_space<hbm>> -> memref<10x64xi32, #tpu.memory_space<hbm>>
      %dma_wait3A_444 = arith.constant 0 : i32
      %dma_wait3A_445 = arith.constant 0 : i32
      %dma_wait3A_446 = tpu.memref_slice %arg5[%arg1, %dma_wait3A_444, %dma_wait3A_445] : memref<16x10x64xi32, #tpu.memory_space<hbm>> -> memref<1x10x64xi32, #tpu.memory_space<hbm>>
      %dma_wait3A_447 = tpu.memref_squeeze %dma_wait3A_446 : memref<1x10x64xi32, #tpu.memory_space<hbm>> -> memref<10x64xi32, #tpu.memory_space<hbm>>
      tpu.wait_dma2 semaphore(%run_scoped3A_431 : memref<!tpu.dma_semaphore, #tpu.memory_space<semaphore_mem>>) src(%dma_wait3A_447 : memref<10x64xi32, #tpu.memory_space<hbm>>) dst(%arg12 : memref<10x64xi32, #tpu.memory_space<vmem>>)
      tpu.yield
    }) : () -> ()
    "tpu.region"() ({
      %run_scoped3A_431 = tpu.sem_alloc : memref<!tpu.dma_semaphore, #tpu.memory_space<semaphore_mem>>
      tpu.enqueue_dma source(%arg6 : memref<64x128xf32, #tpu.memory_space<hbm>>) target(%arg13 : memref<64x128xf32, #tpu.memory_space<vmem>>) target_semaphore(%run_scoped3A_431 : memref<!tpu.dma_semaphore, #tpu.memory_space<semaphore_mem>>)
      tpu.wait_dma2 semaphore(%run_scoped3A_431 : memref<!tpu.dma_semaphore, #tpu.memory_space<semaphore_mem>>) src(%arg6 : memref<64x128xf32, #tpu.memory_space<hbm>>) dst(%arg13 : memref<64x128xf32, #tpu.memory_space<vmem>>)
      tpu.yield
    }) : () -> ()
    %run_scoped3A = arith.constant 0 : i32
    "tpu.region"() ({
      %run_scoped3A_431 = tpu.sem_alloc : memref<!tpu.dma_semaphore, #tpu.memory_space<semaphore_mem>>
      %dma_start3A_432 = arith.constant 0 : i32
      %dma_start3A_433 = tpu.memref_slice %arg12[%run_scoped3A, %dma_start3A_432] : memref<10x64xi32, #tpu.memory_space<vmem>> -> memref<1x64xi32, #tpu.memory_space<vmem>>
      %dma_start3A_434 = tpu.memref_squeeze %dma_start3A_433 : memref<1x64xi32, #tpu.memory_space<vmem>> -> memref<64xi32, #tpu.memory_space<vmem>>
      %dma_start3A_435 = arith.constant 0 : i32
      %dma_start3A_436 = arith.constant 0 : i32
      %dma_start3A_437 = tpu.memref_slice %arg15[%dma_start3A_435, %dma_start3A_436] : memref<10240x128xf32, #tpu.memory_space<vmem_shared>> -> memref<10240x128xf32, #tpu.memory_space<vmem_shared>>
      tpu.enqueue_indirect_dma source(%arg13 : memref<64x128xf32, #tpu.memory_space<vmem>>) target(%dma_start3A_437 : memref<10240x128xf32, #tpu.memory_space<vmem_shared>>) offsets(%dma_start3A_434 : memref<64xi32, #tpu.memory_space<vmem>>) semaphore(%run_scoped3A_431 : memref<!tpu.dma_semaphore, #tpu.memory_space<semaphore_mem>>)
      %dma_wait3A_438 = arith.constant 0 : i32
      %dma_wait3A_439 = tpu.memref_slice %arg12[%run_scoped3A, %dma_wait3A_438] : memref<10x64xi32, #tpu.memory_space<vmem>> -> memref<1x64xi32, #tpu.memory_space<vmem>>
      %dma_wait3A_440 = tpu.memref_squeeze %dma_wait3A_439 : memref<1x64xi32, #tpu.memory_space<vmem>> -> memref<64xi32, #tpu.memory_space<vmem>>
      %dma_wait3A_441 = arith.constant 0 : i32
      %dma_wait3A_442 = arith.constant 0 : i32
      %dma_wait3A_443 = tpu.memref_slice %arg15[%dma_wait3A_441, %dma_wait3A_442] : memref<10240x128xf32, #tpu.memory_space<vmem_shared>> -> memref<10240x128xf32, #tpu.memory_space<vmem_shared>>
      tpu.wait_indirect_dma semaphore(%run_scoped3A_431 : memref<!tpu.dma_semaphore, #tpu.memory_space<semaphore_mem>>) src(%arg13 : memref<64x128xf32, #tpu.memory_space<vmem>>) dst(%dma_wait3A_443 : memref<10240x128xf32, #tpu.memory_space<vmem_shared>>)
      tpu.yield
    }) : () -> ()
    %run_scoped3A_1 = arith.constant 1 : i32
    "tpu.region"() ({
      %run_scoped3A_431 = tpu.sem_alloc : memref<!tpu.dma_semaphore, #tpu.memory_space<semaphore_mem>>
      %dma_start3A_432 = arith.constant 0 : i32
      %dma_start3A_433 = tpu.memref_slice %arg12[%run_scoped3A_1, %dma_start3A_432] : memref<10x64xi32, #tpu.memory_space<vmem>> -> memref<1x64xi32, #tpu.memory_space<vmem>>
      %dma_start3A_434 = tpu.memref_squeeze %dma_start3A_433 : memref<1x64xi32, #tpu.memory_space<vmem>> -> memref<64xi32, #tpu.memory_space<vmem>>
      %dma_start3A_435 = arith.constant 0 : i32
      %dma_start3A_436 = arith.constant 0 : i32
      %dma_start3A_437 = tpu.memref_slice %arg15[%dma_start3A_435, %dma_start3A_436] : memref<10240x128xf32, #tpu.memory_space<vmem_shared>> -> memref<10240x128xf32, #tpu.memory_space<vmem_shared>>
      tpu.enqueue_indirect_dma source(%arg13 : memref<64x128xf32, #tpu.memory_space<vmem>>) target(%dma_start3A_437 : memref<10240x128xf32, #tpu.memory_space<vmem_shared>>) offsets(%dma_start3A_434 : memref<64xi32, #tpu.memory_space<vmem>>) semaphore(%run_scoped3A_431 : memref<!tpu.dma_semaphore, #tpu.memory_space<semaphore_mem>>)
      %dma_wait3A_438 = arith.constant 0 : i32
      %dma_wait3A_439 = tpu.memref_slice %arg12[%run_scoped3A_1, %dma_wait3A_438] : memref<10x64xi32, #tpu.memory_space<vmem>> -> memref<1x64xi32, #tpu.memory_space<vmem>>
      %dma_wait3A_440 = tpu.memref_squeeze %dma_wait3A_439 : memref<1x64xi32, #tpu.memory_space<vmem>> -> memref<64xi32, #tpu.memory_space<vmem>>
      %dma_wait3A_441 = arith.constant 0 : i32
      %dma_wait3A_442 = arith.constant 0 : i32
      %dma_wait3A_443 = tpu.memref_slice %arg15[%dma_wait3A_441, %dma_wait3A_442] : memref<10240x128xf32, #tpu.memory_space<vmem_shared>> -> memref<10240x128xf32, #tpu.memory_space<vmem_shared>>
      tpu.wait_indirect_dma semaphore(%run_scoped3A_431 : memref<!tpu.dma_semaphore, #tpu.memory_space<semaphore_mem>>) src(%arg13 : memref<64x128xf32, #tpu.memory_space<vmem>>) dst(%dma_wait3A_443 : memref<10240x128xf32, #tpu.memory_space<vmem_shared>>)
      tpu.yield
    }) : () -> ()
    %run_scoped3A_2 = arith.constant 2 : i32
    "tpu.region"() ({
      %run_scoped3A_431 = tpu.sem_alloc : memref<!tpu.dma_semaphore, #tpu.memory_space<semaphore_mem>>
      %dma_start3A_432 = arith.constant 0 : i32
      %dma_start3A_433 = tpu.memref_slice %arg12[%run_scoped3A_2, %dma_start3A_432] : memref<10x64xi32, #tpu.memory_space<vmem>> -> memref<1x64xi32, #tpu.memory_space<vmem>>
      %dma_start3A_434 = tpu.memref_squeeze %dma_start3A_433 : memref<1x64xi32, #tpu.memory_space<vmem>> -> memref<64xi32, #tpu.memory_space<vmem>>
      %dma_start3A_435 = arith.constant 0 : i32
      %dma_start3A_436 = arith.constant 0 : i32
      %dma_start3A_437 = tpu.memref_slice %arg15[%dma_start3A_435, %dma_start3A_436] : memref<10240x128xf32, #tpu.memory_space<vmem_shared>> -> memref<10240x128xf32, #tpu.memory_space<vmem_shared>>
      tpu.enqueue_indirect_dma source(%arg13 : memref<64x128xf32, #tpu.memory_space<vmem>>) target(%dma_start3A_437 : memref<10240x128xf32, #tpu.memory_space<vmem_shared>>) offsets(%dma_start3A_434 : memref<64xi32, #tpu.memory_space<vmem>>) semaphore(%run_scoped3A_431 : memref<!tpu.dma_semaphore, #tpu.memory_space<semaphore_mem>>)
      %dma_wait3A_438 = arith.constant 0 : i32
      %dma_wait3A_439 = tpu.memref_slice %arg12[%run_scoped3A_2, %dma_wait3A_438] : memref<10x64xi32, #tpu.memory_space<vmem>> -> memref<1x64xi32, #tpu.memory_space<vmem>>
      %dma_wait3A_440 = tpu.memref_squeeze %dma_wait3A_439 : memref<1x64xi32, #tpu.memory_space<vmem>> -> memref<64xi32, #tpu.memory_space<vmem>>
      %dma_wait3A_441 = arith.constant 0 : i32
      %dma_wait3A_442 = arith.constant 0 : i32
      %dma_wait3A_443 = tpu.memref_slice %arg15[%dma_wait3A_441, %dma_wait3A_442] : memref<10240x128xf32, #tpu.memory_space<vmem_shared>> -> memref<10240x128xf32, #tpu.memory_space<vmem_shared>>
      tpu.wait_indirect_dma semaphore(%run_scoped3A_431 : memref<!tpu.dma_semaphore, #tpu.memory_space<semaphore_mem>>) src(%arg13 : memref<64x128xf32, #tpu.memory_space<vmem>>) dst(%dma_wait3A_443 : memref<10240x128xf32, #tpu.memory_space<vmem_shared>>)
      tpu.yield
    }) : () -> ()
    %run_scoped3A_3 = arith.constant 3 : i32
    "tpu.region"() ({
      %run_scoped3A_431 = tpu.sem_alloc : memref<!tpu.dma_semaphore, #tpu.memory_space<semaphore_mem>>
      %dma_start3A_432 = arith.constant 0 : i32
      %dma_start3A_433 = tpu.memref_slice %arg12[%run_scoped3A_3, %dma_start3A_432] : memref<10x64xi32, #tpu.memory_space<vmem>> -> memref<1x64xi32, #tpu.memory_space<vmem>>
      %dma_start3A_434 = tpu.memref_squeeze %dma_start3A_433 : memref<1x64xi32, #tpu.memory_space<vmem>> -> memref<64xi32, #tpu.memory_space<vmem>>
      %dma_start3A_435 = arith.constant 0 : i32
      %dma_start3A_436 = arith.constant 0 : i32
      %dma_start3A_437 = tpu.memref_slice %arg15[%dma_start3A_435, %dma_start3A_436] : memref<10240x128xf32, #tpu.memory_space<vmem_shared>> -> memref<10240x128xf32, #tpu.memory_space<vmem_shared>>
      tpu.enqueue_indirect_dma source(%arg13 : memref<64x128xf32, #tpu.memory_space<vmem>>) target(%dma_start3A_437 : memref<10240x128xf32, #tpu.memory_space<vmem_shared>>) offsets(%dma_start3A_434 : memref<64xi32, #tpu.memory_space<vmem>>) semaphore(%run_scoped3A_431 : memref<!tpu.dma_semaphore, #tpu.memory_space<semaphore_mem>>)
      %dma_wait3A_438 = arith.constant 0 : i32
      %dma_wait3A_439 = tpu.memref_slice %arg12[%run_scoped3A_3, %dma_wait3A_438] : memref<10x64xi32, #tpu.memory_space<vmem>> -> memref<1x64xi32, #tpu.memory_space<vmem>>
      %dma_wait3A_440 = tpu.memref_squeeze %dma_wait3A_439 : memref<1x64xi32, #tpu.memory_space<vmem>> -> memref<64xi32, #tpu.memory_space<vmem>>
      %dma_wait3A_441 = arith.constant 0 : i32
      %dma_wait3A_442 = arith.constant 0 : i32
      %dma_wait3A_443 = tpu.memref_slice %arg15[%dma_wait3A_441, %dma_wait3A_442] : memref<10240x128xf32, #tpu.memory_space<vmem_shared>> -> memref<10240x128xf32, #tpu.memory_space<vmem_shared>>
      tpu.wait_indirect_dma semaphore(%run_scoped3A_431 : memref<!tpu.dma_semaphore, #tpu.memory_space<semaphore_mem>>) src(%arg13 : memref<64x128xf32, #tpu.memory_space<vmem>>) dst(%dma_wait3A_443 : memref<10240x128xf32, #tpu.memory_space<vmem_shared>>)
      tpu.yield
    }) : () -> ()
    %run_scoped3A_4 = arith.constant 4 : i32
    "tpu.region"() ({
      %run_scoped3A_431 = tpu.sem_alloc : memref<!tpu.dma_semaphore, #tpu.memory_space<semaphore_mem>>
      %dma_start3A_432 = arith.constant 0 : i32
      %dma_start3A_433 = tpu.memref_slice %arg12[%run_scoped3A_4, %dma_start3A_432] : memref<10x64xi32, #tpu.memory_space<vmem>> -> memref<1x64xi32, #tpu.memory_space<vmem>>
      %dma_start3A_434 = tpu.memref_squeeze %dma_start3A_433 : memref<1x64xi32, #tpu.memory_space<vmem>> -> memref<64xi32, #tpu.memory_space<vmem>>
      %dma_start3A_435 = arith.constant 0 : i32
      %dma_start3A_436 = arith.constant 0 : i32
      %dma_start3A_437 = tpu.memref_slice %arg15[%dma_start3A_435, %dma_start3A_436] : memref<10240x128xf32, #tpu.memory_space<vmem_shared>> -> memref<10240x128xf32, #tpu.memory_space<vmem_shared>>
      tpu.enqueue_indirect_dma source(%arg13 : memref<64x128xf32, #tpu.memory_space<vmem>>) target(%dma_start3A_437 : memref<10240x128xf32, #tpu.memory_space<vmem_shared>>) offsets(%dma_start3A_434 : memref<64xi32, #tpu.memory_space<vmem>>) semaphore(%run_scoped3A_431 : memref<!tpu.dma_semaphore, #tpu.memory_space<semaphore_mem>>)
      %dma_wait3A_438 = arith.constant 0 : i32
      %dma_wait3A_439 = tpu.memref_slice %arg12[%run_scoped3A_4, %dma_wait3A_438] : memref<10x64xi32, #tpu.memory_space<vmem>> -> memref<1x64xi32, #tpu.memory_space<vmem>>
      %dma_wait3A_440 = tpu.memref_squeeze %dma_wait3A_439 : memref<1x64xi32, #tpu.memory_space<vmem>> -> memref<64xi32, #tpu.memory_space<vmem>>
      %dma_wait3A_441 = arith.constant 0 : i32
      %dma_wait3A_442 = arith.constant 0 : i32
      %dma_wait3A_443 = tpu.memref_slice %arg15[%dma_wait3A_441, %dma_wait3A_442] : memref<10240x128xf32, #tpu.memory_space<vmem_shared>> -> memref<10240x128xf32, #tpu.memory_space<vmem_shared>>
      tpu.wait_indirect_dma semaphore(%run_scoped3A_431 : memref<!tpu.dma_semaphore, #tpu.memory_space<semaphore_mem>>) src(%arg13 : memref<64x128xf32, #tpu.memory_space<vmem>>) dst(%dma_wait3A_443 : memref<10240x128xf32, #tpu.memory_space<vmem_shared>>)
      tpu.yield
    }) : () -> ()
    %run_scoped3A_5 = arith.constant 5 : i32
    "tpu.region"() ({
      %run_scoped3A_431 = tpu.sem_alloc : memref<!tpu.dma_semaphore, #tpu.memory_space<semaphore_mem>>
      %dma_start3A_432 = arith.constant 0 : i32
      %dma_start3A_433 = tpu.memref_slice %arg12[%run_scoped3A_5, %dma_start3A_432] : memref<10x64xi32, #tpu.memory_space<vmem>> -> memref<1x64xi32, #tpu.memory_space<vmem>>
      %dma_start3A_434 = tpu.memref_squeeze %dma_start3A_433 : memref<1x64xi32, #tpu.memory_space<vmem>> -> memref<64xi32, #tpu.memory_space<vmem>>
      %dma_start3A_435 = arith.constant 0 : i32
      %dma_start3A_436 = arith.constant 0 : i32
      %dma_start3A_437 = tpu.memref_slice %arg15[%dma_start3A_435, %dma_start3A_436] : memref<10240x128xf32, #tpu.memory_space<vmem_shared>> -> memref<10240x128xf32, #tpu.memory_space<vmem_shared>>
      tpu.enqueue_indirect_dma source(%arg13 : memref<64x128xf32, #tpu.memory_space<vmem>>) target(%dma_start3A_437 : memref<10240x128xf32, #tpu.memory_space<vmem_shared>>) offsets(%dma_start3A_434 : memref<64xi32, #tpu.memory_space<vmem>>) semaphore(%run_scoped3A_431 : memref<!tpu.dma_semaphore, #tpu.memory_space<semaphore_mem>>)
      %dma_wait3A_438 = arith.constant 0 : i32
      %dma_wait3A_439 = tpu.memref_slice %arg12[%run_scoped3A_5, %dma_wait3A_438] : memref<10x64xi32, #tpu.memory_space<vmem>> -> memref<1x64xi32, #tpu.memory_space<vmem>>
      %dma_wait3A_440 = tpu.memref_squeeze %dma_wait3A_439 : memref<1x64xi32, #tpu.memory_space<vmem>> -> memref<64xi32, #tpu.memory_space<vmem>>
      %dma_wait3A_441 = arith.constant 0 : i32
      %dma_wait3A_442 = arith.constant 0 : i32
      %dma_wait3A_443 = tpu.memref_slice %arg15[%dma_wait3A_441, %dma_wait3A_442] : memref<10240x128xf32, #tpu.memory_space<vmem_shared>> -> memref<10240x128xf32, #tpu.memory_space<vmem_shared>>
      tpu.wait_indirect_dma semaphore(%run_scoped3A_431 : memref<!tpu.dma_semaphore, #tpu.memory_space<semaphore_mem>>) src(%arg13 : memref<64x128xf32, #tpu.memory_space<vmem>>) dst(%dma_wait3A_443 : memref<10240x128xf32, #tpu.memory_space<vmem_shared>>)
      tpu.yield
    }) : () -> ()
    %run_scoped3A_6 = arith.constant 6 : i32
    "tpu.region"() ({
      %run_scoped3A_431 = tpu.sem_alloc : memref<!tpu.dma_semaphore, #tpu.memory_space<semaphore_mem>>
      %dma_start3A_432 = arith.constant 0 : i32
      %dma_start3A_433 = tpu.memref_slice %arg12[%run_scoped3A_6, %dma_start3A_432] : memref<10x64xi32, #tpu.memory_space<vmem>> -> memref<1x64xi32, #tpu.memory_space<vmem>>
      %dma_start3A_434 = tpu.memref_squeeze %dma_start3A_433 : memref<1x64xi32, #tpu.memory_space<vmem>> -> memref<64xi32, #tpu.memory_space<vmem>>
      %dma_start3A_435 = arith.constant 0 : i32
      %dma_start3A_436 = arith.constant 0 : i32
      %dma_start3A_437 = tpu.memref_slice %arg15[%dma_start3A_435, %dma_start3A_436] : memref<10240x128xf32, #tpu.memory_space<vmem_shared>> -> memref<10240x128xf32, #tpu.memory_space<vmem_shared>>
      tpu.enqueue_indirect_dma source(%arg13 : memref<64x128xf32, #tpu.memory_space<vmem>>) target(%dma_start3A_437 : memref<10240x128xf32, #tpu.memory_space<vmem_shared>>) offsets(%dma_start3A_434 : memref<64xi32, #tpu.memory_space<vmem>>) semaphore(%run_scoped3A_431 : memref<!tpu.dma_semaphore, #tpu.memory_space<semaphore_mem>>)
      %dma_wait3A_438 = arith.constant 0 : i32
      %dma_wait3A_439 = tpu.memref_slice %arg12[%run_scoped3A_6, %dma_wait3A_438] : memref<10x64xi32, #tpu.memory_space<vmem>> -> memref<1x64xi32, #tpu.memory_space<vmem>>
      %dma_wait3A_440 = tpu.memref_squeeze %dma_wait3A_439 : memref<1x64xi32, #tpu.memory_space<vmem>> -> memref<64xi32, #tpu.memory_space<vmem>>
      %dma_wait3A_441 = arith.constant 0 : i32
      %dma_wait3A_442 = arith.constant 0 : i32
      %dma_wait3A_443 = tpu.memref_slice %arg15[%dma_wait3A_441, %dma_wait3A_442] : memref<10240x128xf32, #tpu.memory_space<vmem_shared>> -> memref<10240x128xf32, #tpu.memory_space<vmem_shared>>
      tpu.wait_indirect_dma semaphore(%run_scoped3A_431 : memref<!tpu.dma_semaphore, #tpu.memory_space<semaphore_mem>>) src(%arg13 : memref<64x128xf32, #tpu.memory_space<vmem>>) dst(%dma_wait3A_443 : memref<10240x128xf32, #tpu.memory_space<vmem_shared>>)
      tpu.yield
    }) : () -> ()
    %run_scoped3A_7 = arith.constant 7 : i32
    "tpu.region"() ({
      %run_scoped3A_431 = tpu.sem_alloc : memref<!tpu.dma_semaphore, #tpu.memory_space<semaphore_mem>>
      %dma_start3A_432 = arith.constant 0 : i32
      %dma_start3A_433 = tpu.memref_slice %arg12[%run_scoped3A_7, %dma_start3A_432] : memref<10x64xi32, #tpu.memory_space<vmem>> -> memref<1x64xi32, #tpu.memory_space<vmem>>
      %dma_start3A_434 = tpu.memref_squeeze %dma_start3A_433 : memref<1x64xi32, #tpu.memory_space<vmem>> -> memref<64xi32, #tpu.memory_space<vmem>>
      %dma_start3A_435 = arith.constant 0 : i32
      %dma_start3A_436 = arith.constant 0 : i32
      %dma_start3A_437 = tpu.memref_slice %arg15[%dma_start3A_435, %dma_start3A_436] : memref<10240x128xf32, #tpu.memory_space<vmem_shared>> -> memref<10240x128xf32, #tpu.memory_space<vmem_shared>>
      tpu.enqueue_indirect_dma source(%arg13 : memref<64x128xf32, #tpu.memory_space<vmem>>) target(%dma_start3A_437 : memref<10240x128xf32, #tpu.memory_space<vmem_shared>>) offsets(%dma_start3A_434 : memref<64xi32, #tpu.memory_space<vmem>>) semaphore(%run_scoped3A_431 : memref<!tpu.dma_semaphore, #tpu.memory_space<semaphore_mem>>)
      %dma_wait3A_438 = arith.constant 0 : i32
      %dma_wait3A_439 = tpu.memref_slice %arg12[%run_scoped3A_7, %dma_wait3A_438] : memref<10x64xi32, #tpu.memory_space<vmem>> -> memref<1x64xi32, #tpu.memory_space<vmem>>
      %dma_wait3A_440 = tpu.memref_squeeze %dma_wait3A_439 : memref<1x64xi32, #tpu.memory_space<vmem>> -> memref<64xi32, #tpu.memory_space<vmem>>
      %dma_wait3A_441 = arith.constant 0 : i32
      %dma_wait3A_442 = arith.constant 0 : i32
      %dma_wait3A_443 = tpu.memref_slice %arg15[%dma_wait3A_441, %dma_wait3A_442] : memref<10240x128xf32, #tpu.memory_space<vmem_shared>> -> memref<10240x128xf32, #tpu.memory_space<vmem_shared>>
      tpu.wait_indirect_dma semaphore(%run_scoped3A_431 : memref<!tpu.dma_semaphore, #tpu.memory_space<semaphore_mem>>) src(%arg13 : memref<64x128xf32, #tpu.memory_space<vmem>>) dst(%dma_wait3A_443 : memref<10240x128xf32, #tpu.memory_space<vmem_shared>>)
      tpu.yield
    }) : () -> ()
    %run_scoped3A_8 = arith.constant 8 : i32
    "tpu.region"() ({
      %run_scoped3A_431 = tpu.sem_alloc : memref<!tpu.dma_semaphore, #tpu.memory_space<semaphore_mem>>
      %dma_start3A_432 = arith.constant 0 : i32
      %dma_start3A_433 = tpu.memref_slice %arg12[%run_scoped3A_8, %dma_start3A_432] : memref<10x64xi32, #tpu.memory_space<vmem>> -> memref<1x64xi32, #tpu.memory_space<vmem>>
      %dma_start3A_434 = tpu.memref_squeeze %dma_start3A_433 : memref<1x64xi32, #tpu.memory_space<vmem>> -> memref<64xi32, #tpu.memory_space<vmem>>
      %dma_start3A_435 = arith.constant 0 : i32
      %dma_start3A_436 = arith.constant 0 : i32
      %dma_start3A_437 = tpu.memref_slice %arg15[%dma_start3A_435, %dma_start3A_436] : memref<10240x128xf32, #tpu.memory_space<vmem_shared>> -> memref<10240x128xf32, #tpu.memory_space<vmem_shared>>
      tpu.enqueue_indirect_dma source(%arg13 : memref<64x128xf32, #tpu.memory_space<vmem>>) target(%dma_start3A_437 : memref<10240x128xf32, #tpu.memory_space<vmem_shared>>) offsets(%dma_start3A_434 : memref<64xi32, #tpu.memory_space<vmem>>) semaphore(%run_scoped3A_431 : memref<!tpu.dma_semaphore, #tpu.memory_space<semaphore_mem>>)
      %dma_wait3A_438 = arith.constant 0 : i32
      %dma_wait3A_439 = tpu.memref_slice %arg12[%run_scoped3A_8, %dma_wait3A_438] : memref<10x64xi32, #tpu.memory_space<vmem>> -> memref<1x64xi32, #tpu.memory_space<vmem>>
      %dma_wait3A_440 = tpu.memref_squeeze %dma_wait3A_439 : memref<1x64xi32, #tpu.memory_space<vmem>> -> memref<64xi32, #tpu.memory_space<vmem>>
      %dma_wait3A_441 = arith.constant 0 : i32
      %dma_wait3A_442 = arith.constant 0 : i32
      %dma_wait3A_443 = tpu.memref_slice %arg15[%dma_wait3A_441, %dma_wait3A_442] : memref<10240x128xf32, #tpu.memory_space<vmem_shared>> -> memref<10240x128xf32, #tpu.memory_space<vmem_shared>>
      tpu.wait_indirect_dma semaphore(%run_scoped3A_431 : memref<!tpu.dma_semaphore, #tpu.memory_space<semaphore_mem>>) src(%arg13 : memref<64x128xf32, #tpu.memory_space<vmem>>) dst(%dma_wait3A_443 : memref<10240x128xf32, #tpu.memory_space<vmem_shared>>)
      tpu.yield
    }) : () -> ()
    %run_scoped3A_9 = arith.constant 9 : i32
    "tpu.region"() ({
      %run_scoped3A_431 = tpu.sem_alloc : memref<!tpu.dma_semaphore, #tpu.memory_space<semaphore_mem>>
      %dma_start3A_432 = arith.constant 0 : i32
      %dma_start3A_433 = tpu.memref_slice %arg12[%run_scoped3A_9, %dma_start3A_432] : memref<10x64xi32, #tpu.memory_space<vmem>> -> memref<1x64xi32, #tpu.memory_space<vmem>>
      %dma_start3A_434 = tpu.memref_squeeze %dma_start3A_433 : memref<1x64xi32, #tpu.memory_space<vmem>> -> memref<64xi32, #tpu.memory_space<vmem>>
      %dma_start3A_435 = arith.constant 0 : i32
      %dma_start3A_436 = arith.constant 0 : i32
      %dma_start3A_437 = tpu.memref_slice %arg15[%dma_start3A_435, %dma_start3A_436] : memref<10240x128xf32, #tpu.memory_space<vmem_shared>> -> memref<10240x128xf32, #tpu.memory_space<vmem_shared>>
      tpu.enqueue_indirect_dma source(%arg13 : memref<64x128xf32, #tpu.memory_space<vmem>>) target(%dma_start3A_437 : memref<10240x128xf32, #tpu.memory_space<vmem_shared>>) offsets(%dma_start3A_434 : memref<64xi32, #tpu.memory_space<vmem>>) semaphore(%run_scoped3A_431 : memref<!tpu.dma_semaphore, #tpu.memory_space<semaphore_mem>>)
      %dma_wait3A_438 = arith.constant 0 : i32
      %dma_wait3A_439 = tpu.memref_slice %arg12[%run_scoped3A_9, %dma_wait3A_438] : memref<10x64xi32, #tpu.memory_space<vmem>> -> memref<1x64xi32, #tpu.memory_space<vmem>>
      %dma_wait3A_440 = tpu.memref_squeeze %dma_wait3A_439 : memref<1x64xi32, #tpu.memory_space<vmem>> -> memref<64xi32, #tpu.memory_space<vmem>>
      %dma_wait3A_441 = arith.constant 0 : i32
      %dma_wait3A_442 = arith.constant 0 : i32
      %dma_wait3A_443 = tpu.memref_slice %arg15[%dma_wait3A_441, %dma_wait3A_442] : memref<10240x128xf32, #tpu.memory_space<vmem_shared>> -> memref<10240x128xf32, #tpu.memory_space<vmem_shared>>
      tpu.wait_indirect_dma semaphore(%run_scoped3A_431 : memref<!tpu.dma_semaphore, #tpu.memory_space<semaphore_mem>>) src(%arg13 : memref<64x128xf32, #tpu.memory_space<vmem>>) dst(%dma_wait3A_443 : memref<10240x128xf32, #tpu.memory_space<vmem_shared>>)
      tpu.yield
    }) : () -> ()
    %barrier3A = arith.constant 0 : index
    tpu.barrier barrier_id(%barrier3A)
    %scan3A = arith.constant 0 : i32
    %scan3A_10 = arith.constant 20 : i32
    %scan3A_11 = arith.addi %scan3A, %scan3A_10 : i32
    %scan3A_12 = arith.constant 1 : i32
    scf.for %scan3A_431 = %scan3A to %scan3A_11 step %scan3A_12  : i32 {
      %mul3A_432 = arith.constant 1 : i32
      %mul3A_433 = arith.muli %scan3A_431, %mul3A_432 : i32
      %add3A_434 = arith.constant 0 : i32
      %add3A_435 = arith.addi %add3A_434, %mul3A_433 : i32
      %mul3A_436 = arith.constant 160 : i32
      %mul3A_437 = arith.muli %add3A, %mul3A_436 : i32
      %mul3A_438 = arith.constant 8 : i32
      %mul3A_439 = arith.muli %add3A_435, %mul3A_438 : i32
      %add3A_440 = arith.addi %mul3A_437, %mul3A_439 : i32
      "tpu.region"() ({
        %run_scoped3A_561 = tpu.sem_alloc : memref<!tpu.dma_semaphore, #tpu.memory_space<semaphore_mem>>
        %dma_start3A_562 = arith.constant 0 : i32
        %dma_start3A_563 = tpu.memref_slice %arg3[%add3A_440, %dma_start3A_562] : memref<5120x64xi32, #tpu.memory_space<hbm>> -> memref<8x64xi32, #tpu.memory_space<hbm>>
        %dma_start3A_564 = arith.constant 0 : i32
        %dma_start3A_565 = tpu.memref_slice %arg3[%add3A_440, %dma_start3A_564] : memref<5120x64xi32, #tpu.memory_space<hbm>> -> memref<8x64xi32, #tpu.memory_space<hbm>>
        tpu.enqueue_dma source(%dma_start3A_565 : memref<8x64xi32, #tpu.memory_space<hbm>>) target(%arg10 : memref<8x64xi32, #tpu.memory_space<vmem>>) target_semaphore(%run_scoped3A_561 : memref<!tpu.dma_semaphore, #tpu.memory_space<semaphore_mem>>)
        %dma_wait3A_566 = arith.constant 0 : i32
        %dma_wait3A_567 = tpu.memref_slice %arg3[%add3A_440, %dma_wait3A_566] : memref<5120x64xi32, #tpu.memory_space<hbm>> -> memref<8x64xi32, #tpu.memory_space<hbm>>
        %dma_wait3A_568 = arith.constant 0 : i32
        %dma_wait3A_569 = tpu.memref_slice %arg3[%add3A_440, %dma_wait3A_568] : memref<5120x64xi32, #tpu.memory_space<hbm>> -> memref<8x64xi32, #tpu.memory_space<hbm>>
        tpu.wait_dma2 semaphore(%run_scoped3A_561 : memref<!tpu.dma_semaphore, #tpu.memory_space<semaphore_mem>>) src(%dma_wait3A_569 : memref<8x64xi32, #tpu.memory_space<hbm>>) dst(%arg10 : memref<8x64xi32, #tpu.memory_space<vmem>>)
        tpu.yield
      }) : () -> ()
      "tpu.region"() ({
        %run_scoped3A_561 = tpu.sem_alloc : memref<!tpu.dma_semaphore, #tpu.memory_space<semaphore_mem>>
        %dma_start3A_562 = arith.constant 0 : i32
        %dma_start3A_563 = tpu.memref_slice %arg4[%add3A_440, %dma_start3A_562] : memref<5120x64xi32, #tpu.memory_space<hbm>> -> memref<8x64xi32, #tpu.memory_space<hbm>>
        %dma_start3A_564 = arith.constant 0 : i32
        %dma_start3A_565 = tpu.memref_slice %arg4[%add3A_440, %dma_start3A_564] : memref<5120x64xi32, #tpu.memory_space<hbm>> -> memref<8x64xi32, #tpu.memory_space<hbm>>
        tpu.enqueue_dma source(%dma_start3A_565 : memref<8x64xi32, #tpu.memory_space<hbm>>) target(%arg11 : memref<8x64xi32, #tpu.memory_space<vmem>>) target_semaphore(%run_scoped3A_561 : memref<!tpu.dma_semaphore, #tpu.memory_space<semaphore_mem>>)
        %dma_wait3A_566 = arith.constant 0 : i32
        %dma_wait3A_567 = tpu.memref_slice %arg4[%add3A_440, %dma_wait3A_566] : memref<5120x64xi32, #tpu.memory_space<hbm>> -> memref<8x64xi32, #tpu.memory_space<hbm>>
        %dma_wait3A_568 = arith.constant 0 : i32
        %dma_wait3A_569 = tpu.memref_slice %arg4[%add3A_440, %dma_wait3A_568] : memref<5120x64xi32, #tpu.memory_space<hbm>> -> memref<8x64xi32, #tpu.memory_space<hbm>>
        tpu.wait_dma2 semaphore(%run_scoped3A_561 : memref<!tpu.dma_semaphore, #tpu.memory_space<semaphore_mem>>) src(%dma_wait3A_569 : memref<8x64xi32, #tpu.memory_space<hbm>>) dst(%arg11 : memref<8x64xi32, #tpu.memory_space<vmem>>)
        tpu.yield
      }) : () -> ()
      %dma_start3A_441 = arith.constant 0 : i32
      %dma_start3A_442 = arith.constant 0 : i32
      %dma_start3A_443 = tpu.memref_slice %arg10[%dma_start3A_441, %dma_start3A_442] : memref<8x64xi32, #tpu.memory_space<vmem>> -> memref<1x64xi32, #tpu.memory_space<vmem>>
      %dma_start3A_444 = tpu.memref_squeeze %dma_start3A_443 : memref<1x64xi32, #tpu.memory_space<vmem>> -> memref<64xi32, #tpu.memory_space<vmem>>
      %dma_start3A_445 = arith.constant 0 : i32
      %dma_start3A_446 = arith.constant 0 : i32
      %dma_start3A_447 = tpu.memref_slice %arg2[%dma_start3A_445, %dma_start3A_446] : memref<80000x128xf32, #tpu.memory_space<hbm>> -> memref<80000x128xf32, #tpu.memory_space<hbm>>
      tpu.enqueue_indirect_dma source(%dma_start3A_447 : memref<80000x128xf32, #tpu.memory_space<hbm>>) target(%arg13 : memref<64x128xf32, #tpu.memory_space<vmem>>) offsets(%dma_start3A_444 : memref<64xi32, #tpu.memory_space<vmem>>) semaphore(%arg16 : memref<!tpu.dma_semaphore, #tpu.memory_space<semaphore_mem>>)
      %dma_start3A_448 = arith.constant 1 : i32
      %dma_start3A_449 = arith.constant 0 : i32
      %dma_start3A_450 = tpu.memref_slice %arg10[%dma_start3A_448, %dma_start3A_449] : memref<8x64xi32, #tpu.memory_space<vmem>> -> memref<1x64xi32, #tpu.memory_space<vmem>>
      %dma_start3A_451 = tpu.memref_squeeze %dma_start3A_450 : memref<1x64xi32, #tpu.memory_space<vmem>> -> memref<64xi32, #tpu.memory_space<vmem>>
      %dma_start3A_452 = arith.constant 0 : i32
      %dma_start3A_453 = arith.constant 0 : i32
      %dma_start3A_454 = tpu.memref_slice %arg2[%dma_start3A_452, %dma_start3A_453] : memref<80000x128xf32, #tpu.memory_space<hbm>> -> memref<80000x128xf32, #tpu.memory_space<hbm>>
      tpu.enqueue_indirect_dma source(%dma_start3A_454 : memref<80000x128xf32, #tpu.memory_space<hbm>>) target(%arg14 : memref<64x128xf32, #tpu.memory_space<vmem>>) offsets(%dma_start3A_451 : memref<64xi32, #tpu.memory_space<vmem>>) semaphore(%arg17 : memref<!tpu.dma_semaphore, #tpu.memory_space<semaphore_mem>>)
      %dma_wait3A_455 = arith.constant 0 : i32
      %dma_wait3A_456 = arith.constant 0 : i32
      %dma_wait3A_457 = tpu.memref_slice %arg10[%dma_wait3A_455, %dma_wait3A_456] : memref<8x64xi32, #tpu.memory_space<vmem>> -> memref<1x64xi32, #tpu.memory_space<vmem>>
      %dma_wait3A_458 = tpu.memref_squeeze %dma_wait3A_457 : memref<1x64xi32, #tpu.memory_space<vmem>> -> memref<64xi32, #tpu.memory_space<vmem>>
      %dma_wait3A_459 = arith.constant 0 : i32
      %dma_wait3A_460 = arith.constant 0 : i32
      %dma_wait3A_461 = tpu.memref_slice %arg2[%dma_wait3A_459, %dma_wait3A_460] : memref<80000x128xf32, #tpu.memory_space<hbm>> -> memref<80000x128xf32, #tpu.memory_space<hbm>>
      tpu.wait_indirect_dma semaphore(%arg16 : memref<!tpu.dma_semaphore, #tpu.memory_space<semaphore_mem>>) src(%dma_wait3A_461 : memref<80000x128xf32, #tpu.memory_space<hbm>>) dst(%arg13 : memref<64x128xf32, #tpu.memory_space<vmem>>)
      %run_scoped3A_462 = arith.constant 0 : i32
      "tpu.region"() ({
        %run_scoped3A_561 = tpu.sem_alloc : memref<!tpu.dma_semaphore, #tpu.memory_space<semaphore_mem>>
        %dma_start3A_562 = arith.constant 0 : i32
        %dma_start3A_563 = tpu.memref_slice %arg11[%run_scoped3A_462, %dma_start3A_562] : memref<8x64xi32, #tpu.memory_space<vmem>> -> memref<1x64xi32, #tpu.memory_space<vmem>>
        %dma_start3A_564 = tpu.memref_squeeze %dma_start3A_563 : memref<1x64xi32, #tpu.memory_space<vmem>> -> memref<64xi32, #tpu.memory_space<vmem>>
        %dma_start3A_565 = arith.constant 0 : i32
        %dma_start3A_566 = arith.constant 0 : i32
        %dma_start3A_567 = tpu.memref_slice %arg15[%dma_start3A_565, %dma_start3A_566] : memref<10240x128xf32, #tpu.memory_space<vmem_shared>> -> memref<10240x128xf32, #tpu.memory_space<vmem_shared>>
        tpu.enqueue_indirect_dma source(%arg13 : memref<64x128xf32, #tpu.memory_space<vmem>>) target(%dma_start3A_567 : memref<10240x128xf32, #tpu.memory_space<vmem_shared>>) offsets(%dma_start3A_564 : memref<64xi32, #tpu.memory_space<vmem>>) semaphore(%run_scoped3A_561 : memref<!tpu.dma_semaphore, #tpu.memory_space<semaphore_mem>>) {add = true}
        %dma_wait3A_568 = arith.constant 0 : i32
        %dma_wait3A_569 = tpu.memref_slice %arg11[%run_scoped3A_462, %dma_wait3A_568] : memref<8x64xi32, #tpu.memory_space<vmem>> -> memref<1x64xi32, #tpu.memory_space<vmem>>
        %dma_wait3A_570 = tpu.memref_squeeze %dma_wait3A_569 : memref<1x64xi32, #tpu.memory_space<vmem>> -> memref<64xi32, #tpu.memory_space<vmem>>
        %dma_wait3A_571 = arith.constant 0 : i32
        %dma_wait3A_572 = arith.constant 0 : i32
        %dma_wait3A_573 = tpu.memref_slice %arg15[%dma_wait3A_571, %dma_wait3A_572] : memref<10240x128xf32, #tpu.memory_space<vmem_shared>> -> memref<10240x128xf32, #tpu.memory_space<vmem_shared>>
        tpu.wait_indirect_dma semaphore(%run_scoped3A_561 : memref<!tpu.dma_semaphore, #tpu.memory_space<semaphore_mem>>) src(%arg13 : memref<64x128xf32, #tpu.memory_space<vmem>>) dst(%dma_wait3A_573 : memref<10240x128xf32, #tpu.memory_space<vmem_shared>>)
        tpu.yield
      }) : () -> ()
      %dma_start3A_463 = arith.constant 2 : i32
      %dma_start3A_464 = arith.constant 0 : i32
      %dma_start3A_465 = tpu.memref_slice %arg10[%dma_start3A_463, %dma_start3A_464] : memref<8x64xi32, #tpu.memory_space<vmem>> -> memref<1x64xi32, #tpu.memory_space<vmem>>
      %dma_start3A_466 = tpu.memref_squeeze %dma_start3A_465 : memref<1x64xi32, #tpu.memory_space<vmem>> -> memref<64xi32, #tpu.memory_space<vmem>>
      %dma_start3A_467 = arith.constant 0 : i32
      %dma_start3A_468 = arith.constant 0 : i32
      %dma_start3A_469 = tpu.memref_slice %arg2[%dma_start3A_467, %dma_start3A_468] : memref<80000x128xf32, #tpu.memory_space<hbm>> -> memref<80000x128xf32, #tpu.memory_space<hbm>>
      tpu.enqueue_indirect_dma source(%dma_start3A_469 : memref<80000x128xf32, #tpu.memory_space<hbm>>) target(%arg13 : memref<64x128xf32, #tpu.memory_space<vmem>>) offsets(%dma_start3A_466 : memref<64xi32, #tpu.memory_space<vmem>>) semaphore(%arg16 : memref<!tpu.dma_semaphore, #tpu.memory_space<semaphore_mem>>)
      %dma_wait3A_470 = arith.constant 1 : i32
      %dma_wait3A_471 = arith.constant 0 : i32
      %dma_wait3A_472 = tpu.memref_slice %arg10[%dma_wait3A_470, %dma_wait3A_471] : memref<8x64xi32, #tpu.memory_space<vmem>> -> memref<1x64xi32, #tpu.memory_space<vmem>>
      %dma_wait3A_473 = tpu.memref_squeeze %dma_wait3A_472 : memref<1x64xi32, #tpu.memory_space<vmem>> -> memref<64xi32, #tpu.memory_space<vmem>>
      %dma_wait3A_474 = arith.constant 0 : i32
      %dma_wait3A_475 = arith.constant 0 : i32
      %dma_wait3A_476 = tpu.memref_slice %arg2[%dma_wait3A_474, %dma_wait3A_475] : memref<80000x128xf32, #tpu.memory_space<hbm>> -> memref<80000x128xf32, #tpu.memory_space<hbm>>
      tpu.wait_indirect_dma semaphore(%arg17 : memref<!tpu.dma_semaphore, #tpu.memory_space<semaphore_mem>>) src(%dma_wait3A_476 : memref<80000x128xf32, #tpu.memory_space<hbm>>) dst(%arg14 : memref<64x128xf32, #tpu.memory_space<vmem>>)
      %run_scoped3A_477 = arith.constant 1 : i32
      "tpu.region"() ({
        %run_scoped3A_561 = tpu.sem_alloc : memref<!tpu.dma_semaphore, #tpu.memory_space<semaphore_mem>>
        %dma_start3A_562 = arith.constant 0 : i32
        %dma_start3A_563 = tpu.memref_slice %arg11[%run_scoped3A_477, %dma_start3A_562] : memref<8x64xi32, #tpu.memory_space<vmem>> -> memref<1x64xi32, #tpu.memory_space<vmem>>
        %dma_start3A_564 = tpu.memref_squeeze %dma_start3A_563 : memref<1x64xi32, #tpu.memory_space<vmem>> -> memref<64xi32, #tpu.memory_space<vmem>>
        %dma_start3A_565 = arith.constant 0 : i32
        %dma_start3A_566 = arith.constant 0 : i32
        %dma_start3A_567 = tpu.memref_slice %arg15[%dma_start3A_565, %dma_start3A_566] : memref<10240x128xf32, #tpu.memory_space<vmem_shared>> -> memref<10240x128xf32, #tpu.memory_space<vmem_shared>>
        tpu.enqueue_indirect_dma source(%arg14 : memref<64x128xf32, #tpu.memory_space<vmem>>) target(%dma_start3A_567 : memref<10240x128xf32, #tpu.memory_space<vmem_shared>>) offsets(%dma_start3A_564 : memref<64xi32, #tpu.memory_space<vmem>>) semaphore(%run_scoped3A_561 : memref<!tpu.dma_semaphore, #tpu.memory_space<semaphore_mem>>) {add = true}
        %dma_wait3A_568 = arith.constant 0 : i32
        %dma_wait3A_569 = tpu.memref_slice %arg11[%run_scoped3A_477, %dma_wait3A_568] : memref<8x64xi32, #tpu.memory_space<vmem>> -> memref<1x64xi32, #tpu.memory_space<vmem>>
        %dma_wait3A_570 = tpu.memref_squeeze %dma_wait3A_569 : memref<1x64xi32, #tpu.memory_space<vmem>> -> memref<64xi32, #tpu.memory_space<vmem>>
        %dma_wait3A_571 = arith.constant 0 : i32
        %dma_wait3A_572 = arith.constant 0 : i32
        %dma_wait3A_573 = tpu.memref_slice %arg15[%dma_wait3A_571, %dma_wait3A_572] : memref<10240x128xf32, #tpu.memory_space<vmem_shared>> -> memref<10240x128xf32, #tpu.memory_space<vmem_shared>>
        tpu.wait_indirect_dma semaphore(%run_scoped3A_561 : memref<!tpu.dma_semaphore, #tpu.memory_space<semaphore_mem>>) src(%arg14 : memref<64x128xf32, #tpu.memory_space<vmem>>) dst(%dma_wait3A_573 : memref<10240x128xf32, #tpu.memory_space<vmem_shared>>)
        tpu.yield
      }) : () -> ()
      %dma_start3A_478 = arith.constant 3 : i32
      %dma_start3A_479 = arith.constant 0 : i32
      %dma_start3A_480 = tpu.memref_slice %arg10[%dma_start3A_478, %dma_start3A_479] : memref<8x64xi32, #tpu.memory_space<vmem>> -> memref<1x64xi32, #tpu.memory_space<vmem>>
      %dma_start3A_481 = tpu.memref_squeeze %dma_start3A_480 : memref<1x64xi32, #tpu.memory_space<vmem>> -> memref<64xi32, #tpu.memory_space<vmem>>
      %dma_start3A_482 = arith.constant 0 : i32
      %dma_start3A_483 = arith.constant 0 : i32
      %dma_start3A_484 = tpu.memref_slice %arg2[%dma_start3A_482, %dma_start3A_483] : memref<80000x128xf32, #tpu.memory_space<hbm>> -> memref<80000x128xf32, #tpu.memory_space<hbm>>
      tpu.enqueue_indirect_dma source(%dma_start3A_484 : memref<80000x128xf32, #tpu.memory_space<hbm>>) target(%arg14 : memref<64x128xf32, #tpu.memory_space<vmem>>) offsets(%dma_start3A_481 : memref<64xi32, #tpu.memory_space<vmem>>) semaphore(%arg17 : memref<!tpu.dma_semaphore, #tpu.memory_space<semaphore_mem>>)
      %dma_wait3A_485 = arith.constant 2 : i32
      %dma_wait3A_486 = arith.constant 0 : i32
      %dma_wait3A_487 = tpu.memref_slice %arg10[%dma_wait3A_485, %dma_wait3A_486] : memref<8x64xi32, #tpu.memory_space<vmem>> -> memref<1x64xi32, #tpu.memory_space<vmem>>
      %dma_wait3A_488 = tpu.memref_squeeze %dma_wait3A_487 : memref<1x64xi32, #tpu.memory_space<vmem>> -> memref<64xi32, #tpu.memory_space<vmem>>
      %dma_wait3A_489 = arith.constant 0 : i32
      %dma_wait3A_490 = arith.constant 0 : i32
      %dma_wait3A_491 = tpu.memref_slice %arg2[%dma_wait3A_489, %dma_wait3A_490] : memref<80000x128xf32, #tpu.memory_space<hbm>> -> memref<80000x128xf32, #tpu.memory_space<hbm>>
      tpu.wait_indirect_dma semaphore(%arg16 : memref<!tpu.dma_semaphore, #tpu.memory_space<semaphore_mem>>) src(%dma_wait3A_491 : memref<80000x128xf32, #tpu.memory_space<hbm>>) dst(%arg13 : memref<64x128xf32, #tpu.memory_space<vmem>>)
      %run_scoped3A_492 = arith.constant 2 : i32
      "tpu.region"() ({
        %run_scoped3A_561 = tpu.sem_alloc : memref<!tpu.dma_semaphore, #tpu.memory_space<semaphore_mem>>
        %dma_start3A_562 = arith.constant 0 : i32
        %dma_start3A_563 = tpu.memref_slice %arg11[%run_scoped3A_492, %dma_start3A_562] : memref<8x64xi32, #tpu.memory_space<vmem>> -> memref<1x64xi32, #tpu.memory_space<vmem>>
        %dma_start3A_564 = tpu.memref_squeeze %dma_start3A_563 : memref<1x64xi32, #tpu.memory_space<vmem>> -> memref<64xi32, #tpu.memory_space<vmem>>
        %dma_start3A_565 = arith.constant 0 : i32
        %dma_start3A_566 = arith.constant 0 : i32
        %dma_start3A_567 = tpu.memref_slice %arg15[%dma_start3A_565, %dma_start3A_566] : memref<10240x128xf32, #tpu.memory_space<vmem_shared>> -> memref<10240x128xf32, #tpu.memory_space<vmem_shared>>
        tpu.enqueue_indirect_dma source(%arg13 : memref<64x128xf32, #tpu.memory_space<vmem>>) target(%dma_start3A_567 : memref<10240x128xf32, #tpu.memory_space<vmem_shared>>) offsets(%dma_start3A_564 : memref<64xi32, #tpu.memory_space<vmem>>) semaphore(%run_scoped3A_561 : memref<!tpu.dma_semaphore, #tpu.memory_space<semaphore_mem>>) {add = true}
        %dma_wait3A_568 = arith.constant 0 : i32
        %dma_wait3A_569 = tpu.memref_slice %arg11[%run_scoped3A_492, %dma_wait3A_568] : memref<8x64xi32, #tpu.memory_space<vmem>> -> memref<1x64xi32, #tpu.memory_space<vmem>>
        %dma_wait3A_570 = tpu.memref_squeeze %dma_wait3A_569 : memref<1x64xi32, #tpu.memory_space<vmem>> -> memref<64xi32, #tpu.memory_space<vmem>>
        %dma_wait3A_571 = arith.constant 0 : i32
        %dma_wait3A_572 = arith.constant 0 : i32
        %dma_wait3A_573 = tpu.memref_slice %arg15[%dma_wait3A_571, %dma_wait3A_572] : memref<10240x128xf32, #tpu.memory_space<vmem_shared>> -> memref<10240x128xf32, #tpu.memory_space<vmem_shared>>
        tpu.wait_indirect_dma semaphore(%run_scoped3A_561 : memref<!tpu.dma_semaphore, #tpu.memory_space<semaphore_mem>>) src(%arg13 : memref<64x128xf32, #tpu.memory_space<vmem>>) dst(%dma_wait3A_573 : memref<10240x128xf32, #tpu.memory_space<vmem_shared>>)
        tpu.yield
      }) : () -> ()
      %dma_start3A_493 = arith.constant 4 : i32
      %dma_start3A_494 = arith.constant 0 : i32
      %dma_start3A_495 = tpu.memref_slice %arg10[%dma_start3A_493, %dma_start3A_494] : memref<8x64xi32, #tpu.memory_space<vmem>> -> memref<1x64xi32, #tpu.memory_space<vmem>>
      %dma_start3A_496 = tpu.memref_squeeze %dma_start3A_495 : memref<1x64xi32, #tpu.memory_space<vmem>> -> memref<64xi32, #tpu.memory_space<vmem>>
      %dma_start3A_497 = arith.constant 0 : i32
      %dma_start3A_498 = arith.constant 0 : i32
      %dma_start3A_499 = tpu.memref_slice %arg2[%dma_start3A_497, %dma_start3A_498] : memref<80000x128xf32, #tpu.memory_space<hbm>> -> memref<80000x128xf32, #tpu.memory_space<hbm>>
      tpu.enqueue_indirect_dma source(%dma_start3A_499 : memref<80000x128xf32, #tpu.memory_space<hbm>>) target(%arg13 : memref<64x128xf32, #tpu.memory_space<vmem>>) offsets(%dma_start3A_496 : memref<64xi32, #tpu.memory_space<vmem>>) semaphore(%arg16 : memref<!tpu.dma_semaphore, #tpu.memory_space<semaphore_mem>>)
      %dma_wait3A_500 = arith.constant 3 : i32
      %dma_wait3A_501 = arith.constant 0 : i32
      %dma_wait3A_502 = tpu.memref_slice %arg10[%dma_wait3A_500, %dma_wait3A_501] : memref<8x64xi32, #tpu.memory_space<vmem>> -> memref<1x64xi32, #tpu.memory_space<vmem>>
      %dma_wait3A_503 = tpu.memref_squeeze %dma_wait3A_502 : memref<1x64xi32, #tpu.memory_space<vmem>> -> memref<64xi32, #tpu.memory_space<vmem>>
      %dma_wait3A_504 = arith.constant 0 : i32
      %dma_wait3A_505 = arith.constant 0 : i32
      %dma_wait3A_506 = tpu.memref_slice %arg2[%dma_wait3A_504, %dma_wait3A_505] : memref<80000x128xf32, #tpu.memory_space<hbm>> -> memref<80000x128xf32, #tpu.memory_space<hbm>>
      tpu.wait_indirect_dma semaphore(%arg17 : memref<!tpu.dma_semaphore, #tpu.memory_space<semaphore_mem>>) src(%dma_wait3A_506 : memref<80000x128xf32, #tpu.memory_space<hbm>>) dst(%arg14 : memref<64x128xf32, #tpu.memory_space<vmem>>)
      %run_scoped3A_507 = arith.constant 3 : i32
      "tpu.region"() ({
        %run_scoped3A_561 = tpu.sem_alloc : memref<!tpu.dma_semaphore, #tpu.memory_space<semaphore_mem>>
        %dma_start3A_562 = arith.constant 0 : i32
        %dma_start3A_563 = tpu.memref_slice %arg11[%run_scoped3A_507, %dma_start3A_562] : memref<8x64xi32, #tpu.memory_space<vmem>> -> memref<1x64xi32, #tpu.memory_space<vmem>>
        %dma_start3A_564 = tpu.memref_squeeze %dma_start3A_563 : memref<1x64xi32, #tpu.memory_space<vmem>> -> memref<64xi32, #tpu.memory_space<vmem>>
        %dma_start3A_565 = arith.constant 0 : i32
        %dma_start3A_566 = arith.constant 0 : i32
        %dma_start3A_567 = tpu.memref_slice %arg15[%dma_start3A_565, %dma_start3A_566] : memref<10240x128xf32, #tpu.memory_space<vmem_shared>> -> memref<10240x128xf32, #tpu.memory_space<vmem_shared>>
        tpu.enqueue_indirect_dma source(%arg14 : memref<64x128xf32, #tpu.memory_space<vmem>>) target(%dma_start3A_567 : memref<10240x128xf32, #tpu.memory_space<vmem_shared>>) offsets(%dma_start3A_564 : memref<64xi32, #tpu.memory_space<vmem>>) semaphore(%run_scoped3A_561 : memref<!tpu.dma_semaphore, #tpu.memory_space<semaphore_mem>>) {add = true}
        %dma_wait3A_568 = arith.constant 0 : i32
        %dma_wait3A_569 = tpu.memref_slice %arg11[%run_scoped3A_507, %dma_wait3A_568] : memref<8x64xi32, #tpu.memory_space<vmem>> -> memref<1x64xi32, #tpu.memory_space<vmem>>
        %dma_wait3A_570 = tpu.memref_squeeze %dma_wait3A_569 : memref<1x64xi32, #tpu.memory_space<vmem>> -> memref<64xi32, #tpu.memory_space<vmem>>
        %dma_wait3A_571 = arith.constant 0 : i32
        %dma_wait3A_572 = arith.constant 0 : i32
        %dma_wait3A_573 = tpu.memref_slice %arg15[%dma_wait3A_571, %dma_wait3A_572] : memref<10240x128xf32, #tpu.memory_space<vmem_shared>> -> memref<10240x128xf32, #tpu.memory_space<vmem_shared>>
        tpu.wait_indirect_dma semaphore(%run_scoped3A_561 : memref<!tpu.dma_semaphore, #tpu.memory_space<semaphore_mem>>) src(%arg14 : memref<64x128xf32, #tpu.memory_space<vmem>>) dst(%dma_wait3A_573 : memref<10240x128xf32, #tpu.memory_space<vmem_shared>>)
        tpu.yield
      }) : () -> ()
      %dma_start3A_508 = arith.constant 5 : i32
      %dma_start3A_509 = arith.constant 0 : i32
      %dma_start3A_510 = tpu.memref_slice %arg10[%dma_start3A_508, %dma_start3A_509] : memref<8x64xi32, #tpu.memory_space<vmem>> -> memref<1x64xi32, #tpu.memory_space<vmem>>
      %dma_start3A_511 = tpu.memref_squeeze %dma_start3A_510 : memref<1x64xi32, #tpu.memory_space<vmem>> -> memref<64xi32, #tpu.memory_space<vmem>>
      %dma_start3A_512 = arith.constant 0 : i32
      %dma_start3A_513 = arith.constant 0 : i32
      %dma_start3A_514 = tpu.memref_slice %arg2[%dma_start3A_512, %dma_start3A_513] : memref<80000x128xf32, #tpu.memory_space<hbm>> -> memref<80000x128xf32, #tpu.memory_space<hbm>>
      tpu.enqueue_indirect_dma source(%dma_start3A_514 : memref<80000x128xf32, #tpu.memory_space<hbm>>) target(%arg14 : memref<64x128xf32, #tpu.memory_space<vmem>>) offsets(%dma_start3A_511 : memref<64xi32, #tpu.memory_space<vmem>>) semaphore(%arg17 : memref<!tpu.dma_semaphore, #tpu.memory_space<semaphore_mem>>)
      %dma_wait3A_515 = arith.constant 4 : i32
      %dma_wait3A_516 = arith.constant 0 : i32
      %dma_wait3A_517 = tpu.memref_slice %arg10[%dma_wait3A_515, %dma_wait3A_516] : memref<8x64xi32, #tpu.memory_space<vmem>> -> memref<1x64xi32, #tpu.memory_space<vmem>>
      %dma_wait3A_518 = tpu.memref_squeeze %dma_wait3A_517 : memref<1x64xi32, #tpu.memory_space<vmem>> -> memref<64xi32, #tpu.memory_space<vmem>>
      %dma_wait3A_519 = arith.constant 0 : i32
      %dma_wait3A_520 = arith.constant 0 : i32
      %dma_wait3A_521 = tpu.memref_slice %arg2[%dma_wait3A_519, %dma_wait3A_520] : memref<80000x128xf32, #tpu.memory_space<hbm>> -> memref<80000x128xf32, #tpu.memory_space<hbm>>
      tpu.wait_indirect_dma semaphore(%arg16 : memref<!tpu.dma_semaphore, #tpu.memory_space<semaphore_mem>>) src(%dma_wait3A_521 : memref<80000x128xf32, #tpu.memory_space<hbm>>) dst(%arg13 : memref<64x128xf32, #tpu.memory_space<vmem>>)
      %run_scoped3A_522 = arith.constant 4 : i32
      "tpu.region"() ({
        %run_scoped3A_561 = tpu.sem_alloc : memref<!tpu.dma_semaphore, #tpu.memory_space<semaphore_mem>>
        %dma_start3A_562 = arith.constant 0 : i32
        %dma_start3A_563 = tpu.memref_slice %arg11[%run_scoped3A_522, %dma_start3A_562] : memref<8x64xi32, #tpu.memory_space<vmem>> -> memref<1x64xi32, #tpu.memory_space<vmem>>
        %dma_start3A_564 = tpu.memref_squeeze %dma_start3A_563 : memref<1x64xi32, #tpu.memory_space<vmem>> -> memref<64xi32, #tpu.memory_space<vmem>>
        %dma_start3A_565 = arith.constant 0 : i32
        %dma_start3A_566 = arith.constant 0 : i32
        %dma_start3A_567 = tpu.memref_slice %arg15[%dma_start3A_565, %dma_start3A_566] : memref<10240x128xf32, #tpu.memory_space<vmem_shared>> -> memref<10240x128xf32, #tpu.memory_space<vmem_shared>>
        tpu.enqueue_indirect_dma source(%arg13 : memref<64x128xf32, #tpu.memory_space<vmem>>) target(%dma_start3A_567 : memref<10240x128xf32, #tpu.memory_space<vmem_shared>>) offsets(%dma_start3A_564 : memref<64xi32, #tpu.memory_space<vmem>>) semaphore(%run_scoped3A_561 : memref<!tpu.dma_semaphore, #tpu.memory_space<semaphore_mem>>) {add = true}
        %dma_wait3A_568 = arith.constant 0 : i32
        %dma_wait3A_569 = tpu.memref_slice %arg11[%run_scoped3A_522, %dma_wait3A_568] : memref<8x64xi32, #tpu.memory_space<vmem>> -> memref<1x64xi32, #tpu.memory_space<vmem>>
        %dma_wait3A_570 = tpu.memref_squeeze %dma_wait3A_569 : memref<1x64xi32, #tpu.memory_space<vmem>> -> memref<64xi32, #tpu.memory_space<vmem>>
        %dma_wait3A_571 = arith.constant 0 : i32
        %dma_wait3A_572 = arith.constant 0 : i32
        %dma_wait3A_573 = tpu.memref_slice %arg15[%dma_wait3A_571, %dma_wait3A_572] : memref<10240x128xf32, #tpu.memory_space<vmem_shared>> -> memref<10240x128xf32, #tpu.memory_space<vmem_shared>>
        tpu.wait_indirect_dma semaphore(%run_scoped3A_561 : memref<!tpu.dma_semaphore, #tpu.memory_space<semaphore_mem>>) src(%arg13 : memref<64x128xf32, #tpu.memory_space<vmem>>) dst(%dma_wait3A_573 : memref<10240x128xf32, #tpu.memory_space<vmem_shared>>)
        tpu.yield
      }) : () -> ()
      %dma_start3A_523 = arith.constant 6 : i32
      %dma_start3A_524 = arith.constant 0 : i32
      %dma_start3A_525 = tpu.memref_slice %arg10[%dma_start3A_523, %dma_start3A_524] : memref<8x64xi32, #tpu.memory_space<vmem>> -> memref<1x64xi32, #tpu.memory_space<vmem>>
      %dma_start3A_526 = tpu.memref_squeeze %dma_start3A_525 : memref<1x64xi32, #tpu.memory_space<vmem>> -> memref<64xi32, #tpu.memory_space<vmem>>
      %dma_start3A_527 = arith.constant 0 : i32
      %dma_start3A_528 = arith.constant 0 : i32
      %dma_start3A_529 = tpu.memref_slice %arg2[%dma_start3A_527, %dma_start3A_528] : memref<80000x128xf32, #tpu.memory_space<hbm>> -> memref<80000x128xf32, #tpu.memory_space<hbm>>
      tpu.enqueue_indirect_dma source(%dma_start3A_529 : memref<80000x128xf32, #tpu.memory_space<hbm>>) target(%arg13 : memref<64x128xf32, #tpu.memory_space<vmem>>) offsets(%dma_start3A_526 : memref<64xi32, #tpu.memory_space<vmem>>) semaphore(%arg16 : memref<!tpu.dma_semaphore, #tpu.memory_space<semaphore_mem>>)
      %dma_wait3A_530 = arith.constant 5 : i32
      %dma_wait3A_531 = arith.constant 0 : i32
      %dma_wait3A_532 = tpu.memref_slice %arg10[%dma_wait3A_530, %dma_wait3A_531] : memref<8x64xi32, #tpu.memory_space<vmem>> -> memref<1x64xi32, #tpu.memory_space<vmem>>
      %dma_wait3A_533 = tpu.memref_squeeze %dma_wait3A_532 : memref<1x64xi32, #tpu.memory_space<vmem>> -> memref<64xi32, #tpu.memory_space<vmem>>
      %dma_wait3A_534 = arith.constant 0 : i32
      %dma_wait3A_535 = arith.constant 0 : i32
      %dma_wait3A_536 = tpu.memref_slice %arg2[%dma_wait3A_534, %dma_wait3A_535] : memref<80000x128xf32, #tpu.memory_space<hbm>> -> memref<80000x128xf32, #tpu.memory_space<hbm>>
      tpu.wait_indirect_dma semaphore(%arg17 : memref<!tpu.dma_semaphore, #tpu.memory_space<semaphore_mem>>) src(%dma_wait3A_536 : memref<80000x128xf32, #tpu.memory_space<hbm>>) dst(%arg14 : memref<64x128xf32, #tpu.memory_space<vmem>>)
      %run_scoped3A_537 = arith.constant 5 : i32
      "tpu.region"() ({
        %run_scoped3A_561 = tpu.sem_alloc : memref<!tpu.dma_semaphore, #tpu.memory_space<semaphore_mem>>
        %dma_start3A_562 = arith.constant 0 : i32
        %dma_start3A_563 = tpu.memref_slice %arg11[%run_scoped3A_537, %dma_start3A_562] : memref<8x64xi32, #tpu.memory_space<vmem>> -> memref<1x64xi32, #tpu.memory_space<vmem>>
        %dma_start3A_564 = tpu.memref_squeeze %dma_start3A_563 : memref<1x64xi32, #tpu.memory_space<vmem>> -> memref<64xi32, #tpu.memory_space<vmem>>
        %dma_start3A_565 = arith.constant 0 : i32
        %dma_start3A_566 = arith.constant 0 : i32
        %dma_start3A_567 = tpu.memref_slice %arg15[%dma_start3A_565, %dma_start3A_566] : memref<10240x128xf32, #tpu.memory_space<vmem_shared>> -> memref<10240x128xf32, #tpu.memory_space<vmem_shared>>
        tpu.enqueue_indirect_dma source(%arg14 : memref<64x128xf32, #tpu.memory_space<vmem>>) target(%dma_start3A_567 : memref<10240x128xf32, #tpu.memory_space<vmem_shared>>) offsets(%dma_start3A_564 : memref<64xi32, #tpu.memory_space<vmem>>) semaphore(%run_scoped3A_561 : memref<!tpu.dma_semaphore, #tpu.memory_space<semaphore_mem>>) {add = true}
        %dma_wait3A_568 = arith.constant 0 : i32
        %dma_wait3A_569 = tpu.memref_slice %arg11[%run_scoped3A_537, %dma_wait3A_568] : memref<8x64xi32, #tpu.memory_space<vmem>> -> memref<1x64xi32, #tpu.memory_space<vmem>>
        %dma_wait3A_570 = tpu.memref_squeeze %dma_wait3A_569 : memref<1x64xi32, #tpu.memory_space<vmem>> -> memref<64xi32, #tpu.memory_space<vmem>>
        %dma_wait3A_571 = arith.constant 0 : i32
        %dma_wait3A_572 = arith.constant 0 : i32
        %dma_wait3A_573 = tpu.memref_slice %arg15[%dma_wait3A_571, %dma_wait3A_572] : memref<10240x128xf32, #tpu.memory_space<vmem_shared>> -> memref<10240x128xf32, #tpu.memory_space<vmem_shared>>
        tpu.wait_indirect_dma semaphore(%run_scoped3A_561 : memref<!tpu.dma_semaphore, #tpu.memory_space<semaphore_mem>>) src(%arg14 : memref<64x128xf32, #tpu.memory_space<vmem>>) dst(%dma_wait3A_573 : memref<10240x128xf32, #tpu.memory_space<vmem_shared>>)
        tpu.yield
      }) : () -> ()
      %dma_start3A_538 = arith.constant 7 : i32
      %dma_start3A_539 = arith.constant 0 : i32
      %dma_start3A_540 = tpu.memref_slice %arg10[%dma_start3A_538, %dma_start3A_539] : memref<8x64xi32, #tpu.memory_space<vmem>> -> memref<1x64xi32, #tpu.memory_space<vmem>>
      %dma_start3A_541 = tpu.memref_squeeze %dma_start3A_540 : memref<1x64xi32, #tpu.memory_space<vmem>> -> memref<64xi32, #tpu.memory_space<vmem>>
      %dma_start3A_542 = arith.constant 0 : i32
      %dma_start3A_543 = arith.constant 0 : i32
      %dma_start3A_544 = tpu.memref_slice %arg2[%dma_start3A_542, %dma_start3A_543] : memref<80000x128xf32, #tpu.memory_space<hbm>> -> memref<80000x128xf32, #tpu.memory_space<hbm>>
      tpu.enqueue_indirect_dma source(%dma_start3A_544 : memref<80000x128xf32, #tpu.memory_space<hbm>>) target(%arg14 : memref<64x128xf32, #tpu.memory_space<vmem>>) offsets(%dma_start3A_541 : memref<64xi32, #tpu.memory_space<vmem>>) semaphore(%arg17 : memref<!tpu.dma_semaphore, #tpu.memory_space<semaphore_mem>>)
      %dma_wait3A_545 = arith.constant 6 : i32
      %dma_wait3A_546 = arith.constant 0 : i32
      %dma_wait3A_547 = tpu.memref_slice %arg10[%dma_wait3A_545, %dma_wait3A_546] : memref<8x64xi32, #tpu.memory_space<vmem>> -> memref<1x64xi32, #tpu.memory_space<vmem>>
      %dma_wait3A_548 = tpu.memref_squeeze %dma_wait3A_547 : memref<1x64xi32, #tpu.memory_space<vmem>> -> memref<64xi32, #tpu.memory_space<vmem>>
      %dma_wait3A_549 = arith.constant 0 : i32
      %dma_wait3A_550 = arith.constant 0 : i32
      %dma_wait3A_551 = tpu.memref_slice %arg2[%dma_wait3A_549, %dma_wait3A_550] : memref<80000x128xf32, #tpu.memory_space<hbm>> -> memref<80000x128xf32, #tpu.memory_space<hbm>>
      tpu.wait_indirect_dma semaphore(%arg16 : memref<!tpu.dma_semaphore, #tpu.memory_space<semaphore_mem>>) src(%dma_wait3A_551 : memref<80000x128xf32, #tpu.memory_space<hbm>>) dst(%arg13 : memref<64x128xf32, #tpu.memory_space<vmem>>)
      %run_scoped3A_552 = arith.constant 6 : i32
      "tpu.region"() ({
        %run_scoped3A_561 = tpu.sem_alloc : memref<!tpu.dma_semaphore, #tpu.memory_space<semaphore_mem>>
        %dma_start3A_562 = arith.constant 0 : i32
        %dma_start3A_563 = tpu.memref_slice %arg11[%run_scoped3A_552, %dma_start3A_562] : memref<8x64xi32, #tpu.memory_space<vmem>> -> memref<1x64xi32, #tpu.memory_space<vmem>>
        %dma_start3A_564 = tpu.memref_squeeze %dma_start3A_563 : memref<1x64xi32, #tpu.memory_space<vmem>> -> memref<64xi32, #tpu.memory_space<vmem>>
        %dma_start3A_565 = arith.constant 0 : i32
        %dma_start3A_566 = arith.constant 0 : i32
        %dma_start3A_567 = tpu.memref_slice %arg15[%dma_start3A_565, %dma_start3A_566] : memref<10240x128xf32, #tpu.memory_space<vmem_shared>> -> memref<10240x128xf32, #tpu.memory_space<vmem_shared>>
        tpu.enqueue_indirect_dma source(%arg13 : memref<64x128xf32, #tpu.memory_space<vmem>>) target(%dma_start3A_567 : memref<10240x128xf32, #tpu.memory_space<vmem_shared>>) offsets(%dma_start3A_564 : memref<64xi32, #tpu.memory_space<vmem>>) semaphore(%run_scoped3A_561 : memref<!tpu.dma_semaphore, #tpu.memory_space<semaphore_mem>>) {add = true}
        %dma_wait3A_568 = arith.constant 0 : i32
        %dma_wait3A_569 = tpu.memref_slice %arg11[%run_scoped3A_552, %dma_wait3A_568] : memref<8x64xi32, #tpu.memory_space<vmem>> -> memref<1x64xi32, #tpu.memory_space<vmem>>
        %dma_wait3A_570 = tpu.memref_squeeze %dma_wait3A_569 : memref<1x64xi32, #tpu.memory_space<vmem>> -> memref<64xi32, #tpu.memory_space<vmem>>
        %dma_wait3A_571 = arith.constant 0 : i32
        %dma_wait3A_572 = arith.constant 0 : i32
        %dma_wait3A_573 = tpu.memref_slice %arg15[%dma_wait3A_571, %dma_wait3A_572] : memref<10240x128xf32, #tpu.memory_space<vmem_shared>> -> memref<10240x128xf32, #tpu.memory_space<vmem_shared>>
        tpu.wait_indirect_dma semaphore(%run_scoped3A_561 : memref<!tpu.dma_semaphore, #tpu.memory_space<semaphore_mem>>) src(%arg13 : memref<64x128xf32, #tpu.memory_space<vmem>>) dst(%dma_wait3A_573 : memref<10240x128xf32, #tpu.memory_space<vmem_shared>>)
        tpu.yield
      }) : () -> ()
      %dma_wait3A_553 = arith.constant 7 : i32
      %dma_wait3A_554 = arith.constant 0 : i32
      %dma_wait3A_555 = tpu.memref_slice %arg10[%dma_wait3A_553, %dma_wait3A_554] : memref<8x64xi32, #tpu.memory_space<vmem>> -> memref<1x64xi32, #tpu.memory_space<vmem>>
      %dma_wait3A_556 = tpu.memref_squeeze %dma_wait3A_555 : memref<1x64xi32, #tpu.memory_space<vmem>> -> memref<64xi32, #tpu.memory_space<vmem>>
      %dma_wait3A_557 = arith.constant 0 : i32
      %dma_wait3A_558 = arith.constant 0 : i32
      %dma_wait3A_559 = tpu.memref_slice %arg2[%dma_wait3A_557, %dma_wait3A_558] : memref<80000x128xf32, #tpu.memory_space<hbm>> -> memref<80000x128xf32, #tpu.memory_space<hbm>>
      tpu.wait_indirect_dma semaphore(%arg17 : memref<!tpu.dma_semaphore, #tpu.memory_space<semaphore_mem>>) src(%dma_wait3A_559 : memref<80000x128xf32, #tpu.memory_space<hbm>>) dst(%arg14 : memref<64x128xf32, #tpu.memory_space<vmem>>)
      %run_scoped3A_560 = arith.constant 7 : i32
      "tpu.region"() ({
        %run_scoped3A_561 = tpu.sem_alloc : memref<!tpu.dma_semaphore, #tpu.memory_space<semaphore_mem>>
        %dma_start3A_562 = arith.constant 0 : i32
        %dma_start3A_563 = tpu.memref_slice %arg11[%run_scoped3A_560, %dma_start3A_562] : memref<8x64xi32, #tpu.memory_space<vmem>> -> memref<1x64xi32, #tpu.memory_space<vmem>>
        %dma_start3A_564 = tpu.memref_squeeze %dma_start3A_563 : memref<1x64xi32, #tpu.memory_space<vmem>> -> memref<64xi32, #tpu.memory_space<vmem>>
        %dma_start3A_565 = arith.constant 0 : i32
        %dma_start3A_566 = arith.constant 0 : i32
        %dma_start3A_567 = tpu.memref_slice %arg15[%dma_start3A_565, %dma_start3A_566] : memref<10240x128xf32, #tpu.memory_space<vmem_shared>> -> memref<10240x128xf32, #tpu.memory_space<vmem_shared>>
        tpu.enqueue_indirect_dma source(%arg14 : memref<64x128xf32, #tpu.memory_space<vmem>>) target(%dma_start3A_567 : memref<10240x128xf32, #tpu.memory_space<vmem_shared>>) offsets(%dma_start3A_564 : memref<64xi32, #tpu.memory_space<vmem>>) semaphore(%run_scoped3A_561 : memref<!tpu.dma_semaphore, #tpu.memory_space<semaphore_mem>>) {add = true}
        %dma_wait3A_568 = arith.constant 0 : i32
        %dma_wait3A_569 = tpu.memref_slice %arg11[%run_scoped3A_560, %dma_wait3A_568] : memref<8x64xi32, #tpu.memory_space<vmem>> -> memref<1x64xi32, #tpu.memory_space<vmem>>
        %dma_wait3A_570 = tpu.memref_squeeze %dma_wait3A_569 : memref<1x64xi32, #tpu.memory_space<vmem>> -> memref<64xi32, #tpu.memory_space<vmem>>
        %dma_wait3A_571 = arith.constant 0 : i32
        %dma_wait3A_572 = arith.constant 0 : i32
        %dma_wait3A_573 = tpu.memref_slice %arg15[%dma_wait3A_571, %dma_wait3A_572] : memref<10240x128xf32, #tpu.memory_space<vmem_shared>> -> memref<10240x128xf32, #tpu.memory_space<vmem_shared>>
        tpu.wait_indirect_dma semaphore(%run_scoped3A_561 : memref<!tpu.dma_semaphore, #tpu.memory_space<semaphore_mem>>) src(%arg14 : memref<64x128xf32, #tpu.memory_space<vmem>>) dst(%dma_wait3A_573 : memref<10240x128xf32, #tpu.memory_space<vmem_shared>>)
        tpu.yield
      }) : () -> ()
    }
    %scan3A_13 = arith.constant 20 : i32
    %barrier3A_14 = arith.constant 0 : index
    tpu.barrier barrier_id(%barrier3A_14)
    %mul3A_15 = arith.constant 10 : i32
    %mul3A_16 = arith.muli %arg1, %mul3A_15 : i32
    %add3A_17 = arith.constant 0 : i32
    %add3A_18 = arith.addi %mul3A_16, %add3A_17 : i32
    %mul3A_19 = arith.constant 64 : i32
    %mul3A_20 = arith.muli %add3A_18, %mul3A_19 : i32
    %dma_start3A = arith.constant 0 : i32
    %dma_start3A_21 = arith.constant 0 : i32
    %dma_start3A_22 = tpu.memref_slice %arg12[%dma_start3A, %dma_start3A_21] : memref<10x64xi32, #tpu.memory_space<vmem>> -> memref<1x64xi32, #tpu.memory_space<vmem>>
    %dma_start3A_23 = tpu.memref_squeeze %dma_start3A_22 : memref<1x64xi32, #tpu.memory_space<vmem>> -> memref<64xi32, #tpu.memory_space<vmem>>
    %dma_start3A_24 = arith.constant 0 : i32
    %dma_start3A_25 = arith.constant 0 : i32
    %dma_start3A_26 = tpu.memref_slice %arg15[%dma_start3A_24, %dma_start3A_25] : memref<10240x128xf32, #tpu.memory_space<vmem_shared>> -> memref<10240x128xf32, #tpu.memory_space<vmem_shared>>
    tpu.enqueue_indirect_dma source(%dma_start3A_26 : memref<10240x128xf32, #tpu.memory_space<vmem_shared>>) target(%arg13 : memref<64x128xf32, #tpu.memory_space<vmem>>) offsets(%dma_start3A_23 : memref<64xi32, #tpu.memory_space<vmem>>) semaphore(%arg16 : memref<!tpu.dma_semaphore, #tpu.memory_space<semaphore_mem>>)
    %dma_wait3A = arith.constant 0 : i32
    %dma_wait3A_27 = arith.constant 0 : i32
    %dma_wait3A_28 = tpu.memref_slice %arg12[%dma_wait3A, %dma_wait3A_27] : memref<10x64xi32, #tpu.memory_space<vmem>> -> memref<1x64xi32, #tpu.memory_space<vmem>>
    %dma_wait3A_29 = tpu.memref_squeeze %dma_wait3A_28 : memref<1x64xi32, #tpu.memory_space<vmem>> -> memref<64xi32, #tpu.memory_space<vmem>>
    %dma_wait3A_30 = arith.constant 0 : i32
    %dma_wait3A_31 = arith.constant 0 : i32
    %dma_wait3A_32 = tpu.memref_slice %arg15[%dma_wait3A_30, %dma_wait3A_31] : memref<10240x128xf32, #tpu.memory_space<vmem_shared>> -> memref<10240x128xf32, #tpu.memory_space<vmem_shared>>
    tpu.wait_indirect_dma semaphore(%arg16 : memref<!tpu.dma_semaphore, #tpu.memory_space<semaphore_mem>>) src(%dma_wait3A_32 : memref<10240x128xf32, #tpu.memory_space<vmem_shared>>) dst(%arg13 : memref<64x128xf32, #tpu.memory_space<vmem>>)
    "tpu.region"() ({
      %run_scoped3A_431 = tpu.sem_alloc : memref<!tpu.dma_semaphore, #tpu.memory_space<semaphore_mem>>
      %dma_start3A_432 = arith.constant 0 : i32
      %dma_start3A_433 = tpu.memref_slice %arg8[%arg0, %mul3A_20, %dma_start3A_432] : memref<2x10240x128xf32, #tpu.memory_space<hbm>> -> memref<1x64x128xf32, #tpu.memory_space<hbm>>
      %dma_start3A_434 = tpu.memref_squeeze %dma_start3A_433 : memref<1x64x128xf32, #tpu.memory_space<hbm>> -> memref<64x128xf32, #tpu.memory_space<hbm>>
      %dma_start3A_435 = arith.constant 0 : i32
      %dma_start3A_436 = tpu.memref_slice %arg8[%arg0, %mul3A_20, %dma_start3A_435] : memref<2x10240x128xf32, #tpu.memory_space<hbm>> -> memref<1x64x128xf32, #tpu.memory_space<hbm>>
      %dma_start3A_437 = tpu.memref_squeeze %dma_start3A_436 : memref<1x64x128xf32, #tpu.memory_space<hbm>> -> memref<64x128xf32, #tpu.memory_space<hbm>>
      tpu.enqueue_dma source(%arg13 : memref<64x128xf32, #tpu.memory_space<vmem>>) target(%dma_start3A_437 : memref<64x128xf32, #tpu.memory_space<hbm>>) target_semaphore(%run_scoped3A_431 : memref<!tpu.dma_semaphore, #tpu.memory_space<semaphore_mem>>)
      %dma_wait3A_438 = arith.constant 0 : i32
      %dma_wait3A_439 = tpu.memref_slice %arg8[%arg0, %mul3A_20, %dma_wait3A_438] : memref<2x10240x128xf32, #tpu.memory_space<hbm>> -> memref<1x64x128xf32, #tpu.memory_space<hbm>>
      %dma_wait3A_440 = tpu.memref_squeeze %dma_wait3A_439 : memref<1x64x128xf32, #tpu.memory_space<hbm>> -> memref<64x128xf32, #tpu.memory_space<hbm>>
      %dma_wait3A_441 = arith.constant 0 : i32
      %dma_wait3A_442 = tpu.memref_slice %arg8[%arg0, %mul3A_20, %dma_wait3A_441] : memref<2x10240x128xf32, #tpu.memory_space<hbm>> -> memref<1x64x128xf32, #tpu.memory_space<hbm>>
      %dma_wait3A_443 = tpu.memref_squeeze %dma_wait3A_442 : memref<1x64x128xf32, #tpu.memory_space<hbm>> -> memref<64x128xf32, #tpu.memory_space<hbm>>
      tpu.wait_dma2 semaphore(%run_scoped3A_431 : memref<!tpu.dma_semaphore, #tpu.memory_space<semaphore_mem>>) src(%arg13 : memref<64x128xf32, #tpu.memory_space<vmem>>) dst(%dma_wait3A_443 : memref<64x128xf32, #tpu.memory_space<hbm>>)
      tpu.yield
    }) : () -> ()
    %mul3A_33 = arith.constant 10 : i32
    %mul3A_34 = arith.muli %arg1, %mul3A_33 : i32
    %add3A_35 = arith.constant 1 : i32
    %add3A_36 = arith.addi %mul3A_34, %add3A_35 : i32
    %mul3A_37 = arith.constant 64 : i32
    %mul3A_38 = arith.muli %add3A_36, %mul3A_37 : i32
    %dma_start3A_39 = arith.constant 1 : i32
    %dma_start3A_40 = arith.constant 0 : i32
    %dma_start3A_41 = tpu.memref_slice %arg12[%dma_start3A_39, %dma_start3A_40] : memref<10x64xi32, #tpu.memory_space<vmem>> -> memref<1x64xi32, #tpu.memory_space<vmem>>
    %dma_start3A_42 = tpu.memref_squeeze %dma_start3A_41 : memref<1x64xi32, #tpu.memory_space<vmem>> -> memref<64xi32, #tpu.memory_space<vmem>>
    %dma_start3A_43 = arith.constant 0 : i32
    %dma_start3A_44 = arith.constant 0 : i32
    %dma_start3A_45 = tpu.memref_slice %arg15[%dma_start3A_43, %dma_start3A_44] : memref<10240x128xf32, #tpu.memory_space<vmem_shared>> -> memref<10240x128xf32, #tpu.memory_space<vmem_shared>>
    tpu.enqueue_indirect_dma source(%dma_start3A_45 : memref<10240x128xf32, #tpu.memory_space<vmem_shared>>) target(%arg13 : memref<64x128xf32, #tpu.memory_space<vmem>>) offsets(%dma_start3A_42 : memref<64xi32, #tpu.memory_space<vmem>>) semaphore(%arg16 : memref<!tpu.dma_semaphore, #tpu.memory_space<semaphore_mem>>)
    %dma_wait3A_46 = arith.constant 1 : i32
    %dma_wait3A_47 = arith.constant 0 : i32
    %dma_wait3A_48 = tpu.memref_slice %arg12[%dma_wait3A_46, %dma_wait3A_47] : memref<10x64xi32, #tpu.memory_space<vmem>> -> memref<1x64xi32, #tpu.memory_space<vmem>>
    %dma_wait3A_49 = tpu.memref_squeeze %dma_wait3A_48 : memref<1x64xi32, #tpu.memory_space<vmem>> -> memref<64xi32, #tpu.memory_space<vmem>>
    %dma_wait3A_50 = arith.constant 0 : i32
    %dma_wait3A_51 = arith.constant 0 : i32
    %dma_wait3A_52 = tpu.memref_slice %arg15[%dma_wait3A_50, %dma_wait3A_51] : memref<10240x128xf32, #tpu.memory_space<vmem_shared>> -> memref<10240x128xf32, #tpu.memory_space<vmem_shared>>
    tpu.wait_indirect_dma semaphore(%arg16 : memref<!tpu.dma_semaphore, #tpu.memory_space<semaphore_mem>>) src(%dma_wait3A_52 : memref<10240x128xf32, #tpu.memory_space<vmem_shared>>) dst(%arg13 : memref<64x128xf32, #tpu.memory_space<vmem>>)
    "tpu.region"() ({
      %run_scoped3A_431 = tpu.sem_alloc : memref<!tpu.dma_semaphore, #tpu.memory_space<semaphore_mem>>
      %dma_start3A_432 = arith.constant 0 : i32
      %dma_start3A_433 = tpu.memref_slice %arg8[%arg0, %mul3A_38, %dma_start3A_432] : memref<2x10240x128xf32, #tpu.memory_space<hbm>> -> memref<1x64x128xf32, #tpu.memory_space<hbm>>
      %dma_start3A_434 = tpu.memref_squeeze %dma_start3A_433 : memref<1x64x128xf32, #tpu.memory_space<hbm>> -> memref<64x128xf32, #tpu.memory_space<hbm>>
      %dma_start3A_435 = arith.constant 0 : i32
      %dma_start3A_436 = tpu.memref_slice %arg8[%arg0, %mul3A_38, %dma_start3A_435] : memref<2x10240x128xf32, #tpu.memory_space<hbm>> -> memref<1x64x128xf32, #tpu.memory_space<hbm>>
      %dma_start3A_437 = tpu.memref_squeeze %dma_start3A_436 : memref<1x64x128xf32, #tpu.memory_space<hbm>> -> memref<64x128xf32, #tpu.memory_space<hbm>>
      tpu.enqueue_dma source(%arg13 : memref<64x128xf32, #tpu.memory_space<vmem>>) target(%dma_start3A_437 : memref<64x128xf32, #tpu.memory_space<hbm>>) target_semaphore(%run_scoped3A_431 : memref<!tpu.dma_semaphore, #tpu.memory_space<semaphore_mem>>)
      %dma_wait3A_438 = arith.constant 0 : i32
      %dma_wait3A_439 = tpu.memref_slice %arg8[%arg0, %mul3A_38, %dma_wait3A_438] : memref<2x10240x128xf32, #tpu.memory_space<hbm>> -> memref<1x64x128xf32, #tpu.memory_space<hbm>>
      %dma_wait3A_440 = tpu.memref_squeeze %dma_wait3A_439 : memref<1x64x128xf32, #tpu.memory_space<hbm>> -> memref<64x128xf32, #tpu.memory_space<hbm>>
      %dma_wait3A_441 = arith.constant 0 : i32
      %dma_wait3A_442 = tpu.memref_slice %arg8[%arg0, %mul3A_38, %dma_wait3A_441] : memref<2x10240x128xf32, #tpu.memory_space<hbm>> -> memref<1x64x128xf32, #tpu.memory_space<hbm>>
      %dma_wait3A_443 = tpu.memref_squeeze %dma_wait3A_442 : memref<1x64x128xf32, #tpu.memory_space<hbm>> -> memref<64x128xf32, #tpu.memory_space<hbm>>
      tpu.wait_dma2 semaphore(%run_scoped3A_431 : memref<!tpu.dma_semaphore, #tpu.memory_space<semaphore_mem>>) src(%arg13 : memref<64x128xf32, #tpu.memory_space<vmem>>) dst(%dma_wait3A_443 : memref<64x128xf32, #tpu.memory_space<hbm>>)
      tpu.yield
    }) : () -> ()
    %mul3A_53 = arith.constant 10 : i32
    %mul3A_54 = arith.muli %arg1, %mul3A_53 : i32
    %add3A_55 = arith.constant 2 : i32
    %add3A_56 = arith.addi %mul3A_54, %add3A_55 : i32
    %mul3A_57 = arith.constant 64 : i32
    %mul3A_58 = arith.muli %add3A_56, %mul3A_57 : i32
    %dma_start3A_59 = arith.constant 2 : i32
    %dma_start3A_60 = arith.constant 0 : i32
    %dma_start3A_61 = tpu.memref_slice %arg12[%dma_start3A_59, %dma_start3A_60] : memref<10x64xi32, #tpu.memory_space<vmem>> -> memref<1x64xi32, #tpu.memory_space<vmem>>
    %dma_start3A_62 = tpu.memref_squeeze %dma_start3A_61 : memref<1x64xi32, #tpu.memory_space<vmem>> -> memref<64xi32, #tpu.memory_space<vmem>>
    %dma_start3A_63 = arith.constant 0 : i32
    %dma_start3A_64 = arith.constant 0 : i32
    %dma_start3A_65 = tpu.memref_slice %arg15[%dma_start3A_63, %dma_start3A_64] : memref<10240x128xf32, #tpu.memory_space<vmem_shared>> -> memref<10240x128xf32, #tpu.memory_space<vmem_shared>>
    tpu.enqueue_indirect_dma source(%dma_start3A_65 : memref<10240x128xf32, #tpu.memory_space<vmem_shared>>) target(%arg13 : memref<64x128xf32, #tpu.memory_space<vmem>>) offsets(%dma_start3A_62 : memref<64xi32, #tpu.memory_space<vmem>>) semaphore(%arg16 : memref<!tpu.dma_semaphore, #tpu.memory_space<semaphore_mem>>)
    %dma_wait3A_66 = arith.constant 2 : i32
    %dma_wait3A_67 = arith.constant 0 : i32
    %dma_wait3A_68 = tpu.memref_slice %arg12[%dma_wait3A_66, %dma_wait3A_67] : memref<10x64xi32, #tpu.memory_space<vmem>> -> memref<1x64xi32, #tpu.memory_space<vmem>>
    %dma_wait3A_69 = tpu.memref_squeeze %dma_wait3A_68 : memref<1x64xi32, #tpu.memory_space<vmem>> -> memref<64xi32, #tpu.memory_space<vmem>>
    %dma_wait3A_70 = arith.constant 0 : i32
    %dma_wait3A_71 = arith.constant 0 : i32
    %dma_wait3A_72 = tpu.memref_slice %arg15[%dma_wait3A_70, %dma_wait3A_71] : memref<10240x128xf32, #tpu.memory_space<vmem_shared>> -> memref<10240x128xf32, #tpu.memory_space<vmem_shared>>
    tpu.wait_indirect_dma semaphore(%arg16 : memref<!tpu.dma_semaphore, #tpu.memory_space<semaphore_mem>>) src(%dma_wait3A_72 : memref<10240x128xf32, #tpu.memory_space<vmem_shared>>) dst(%arg13 : memref<64x128xf32, #tpu.memory_space<vmem>>)
    "tpu.region"() ({
      %run_scoped3A_431 = tpu.sem_alloc : memref<!tpu.dma_semaphore, #tpu.memory_space<semaphore_mem>>
      %dma_start3A_432 = arith.constant 0 : i32
      %dma_start3A_433 = tpu.memref_slice %arg8[%arg0, %mul3A_58, %dma_start3A_432] : memref<2x10240x128xf32, #tpu.memory_space<hbm>> -> memref<1x64x128xf32, #tpu.memory_space<hbm>>
      %dma_start3A_434 = tpu.memref_squeeze %dma_start3A_433 : memref<1x64x128xf32, #tpu.memory_space<hbm>> -> memref<64x128xf32, #tpu.memory_space<hbm>>
      %dma_start3A_435 = arith.constant 0 : i32
      %dma_start3A_436 = tpu.memref_slice %arg8[%arg0, %mul3A_58, %dma_start3A_435] : memref<2x10240x128xf32, #tpu.memory_space<hbm>> -> memref<1x64x128xf32, #tpu.memory_space<hbm>>
      %dma_start3A_437 = tpu.memref_squeeze %dma_start3A_436 : memref<1x64x128xf32, #tpu.memory_space<hbm>> -> memref<64x128xf32, #tpu.memory_space<hbm>>
      tpu.enqueue_dma source(%arg13 : memref<64x128xf32, #tpu.memory_space<vmem>>) target(%dma_start3A_437 : memref<64x128xf32, #tpu.memory_space<hbm>>) target_semaphore(%run_scoped3A_431 : memref<!tpu.dma_semaphore, #tpu.memory_space<semaphore_mem>>)
      %dma_wait3A_438 = arith.constant 0 : i32
      %dma_wait3A_439 = tpu.memref_slice %arg8[%arg0, %mul3A_58, %dma_wait3A_438] : memref<2x10240x128xf32, #tpu.memory_space<hbm>> -> memref<1x64x128xf32, #tpu.memory_space<hbm>>
      %dma_wait3A_440 = tpu.memref_squeeze %dma_wait3A_439 : memref<1x64x128xf32, #tpu.memory_space<hbm>> -> memref<64x128xf32, #tpu.memory_space<hbm>>
      %dma_wait3A_441 = arith.constant 0 : i32
      %dma_wait3A_442 = tpu.memref_slice %arg8[%arg0, %mul3A_58, %dma_wait3A_441] : memref<2x10240x128xf32, #tpu.memory_space<hbm>> -> memref<1x64x128xf32, #tpu.memory_space<hbm>>
      %dma_wait3A_443 = tpu.memref_squeeze %dma_wait3A_442 : memref<1x64x128xf32, #tpu.memory_space<hbm>> -> memref<64x128xf32, #tpu.memory_space<hbm>>
      tpu.wait_dma2 semaphore(%run_scoped3A_431 : memref<!tpu.dma_semaphore, #tpu.memory_space<semaphore_mem>>) src(%arg13 : memref<64x128xf32, #tpu.memory_space<vmem>>) dst(%dma_wait3A_443 : memref<64x128xf32, #tpu.memory_space<hbm>>)
      tpu.yield
    }) : () -> ()
    %mul3A_73 = arith.constant 10 : i32
    %mul3A_74 = arith.muli %arg1, %mul3A_73 : i32
    %add3A_75 = arith.constant 3 : i32
    %add3A_76 = arith.addi %mul3A_74, %add3A_75 : i32
    %mul3A_77 = arith.constant 64 : i32
    %mul3A_78 = arith.muli %add3A_76, %mul3A_77 : i32
    %dma_start3A_79 = arith.constant 3 : i32
    %dma_start3A_80 = arith.constant 0 : i32
    %dma_start3A_81 = tpu.memref_slice %arg12[%dma_start3A_79, %dma_start3A_80] : memref<10x64xi32, #tpu.memory_space<vmem>> -> memref<1x64xi32, #tpu.memory_space<vmem>>
    %dma_start3A_82 = tpu.memref_squeeze %dma_start3A_81 : memref<1x64xi32, #tpu.memory_space<vmem>> -> memref<64xi32, #tpu.memory_space<vmem>>
    %dma_start3A_83 = arith.constant 0 : i32
    %dma_start3A_84 = arith.constant 0 : i32
    %dma_start3A_85 = tpu.memref_slice %arg15[%dma_start3A_83, %dma_start3A_84] : memref<10240x128xf32, #tpu.memory_space<vmem_shared>> -> memref<10240x128xf32, #tpu.memory_space<vmem_shared>>
    tpu.enqueue_indirect_dma source(%dma_start3A_85 : memref<10240x128xf32, #tpu.memory_space<vmem_shared>>) target(%arg13 : memref<64x128xf32, #tpu.memory_space<vmem>>) offsets(%dma_start3A_82 : memref<64xi32, #tpu.memory_space<vmem>>) semaphore(%arg16 : memref<!tpu.dma_semaphore, #tpu.memory_space<semaphore_mem>>)
    %dma_wait3A_86 = arith.constant 3 : i32
    %dma_wait3A_87 = arith.constant 0 : i32
    %dma_wait3A_88 = tpu.memref_slice %arg12[%dma_wait3A_86, %dma_wait3A_87] : memref<10x64xi32, #tpu.memory_space<vmem>> -> memref<1x64xi32, #tpu.memory_space<vmem>>
    %dma_wait3A_89 = tpu.memref_squeeze %dma_wait3A_88 : memref<1x64xi32, #tpu.memory_space<vmem>> -> memref<64xi32, #tpu.memory_space<vmem>>
    %dma_wait3A_90 = arith.constant 0 : i32
    %dma_wait3A_91 = arith.constant 0 : i32
    %dma_wait3A_92 = tpu.memref_slice %arg15[%dma_wait3A_90, %dma_wait3A_91] : memref<10240x128xf32, #tpu.memory_space<vmem_shared>> -> memref<10240x128xf32, #tpu.memory_space<vmem_shared>>
    tpu.wait_indirect_dma semaphore(%arg16 : memref<!tpu.dma_semaphore, #tpu.memory_space<semaphore_mem>>) src(%dma_wait3A_92 : memref<10240x128xf32, #tpu.memory_space<vmem_shared>>) dst(%arg13 : memref<64x128xf32, #tpu.memory_space<vmem>>)
    "tpu.region"() ({
      %run_scoped3A_431 = tpu.sem_alloc : memref<!tpu.dma_semaphore, #tpu.memory_space<semaphore_mem>>
      %dma_start3A_432 = arith.constant 0 : i32
      %dma_start3A_433 = tpu.memref_slice %arg8[%arg0, %mul3A_78, %dma_start3A_432] : memref<2x10240x128xf32, #tpu.memory_space<hbm>> -> memref<1x64x128xf32, #tpu.memory_space<hbm>>
      %dma_start3A_434 = tpu.memref_squeeze %dma_start3A_433 : memref<1x64x128xf32, #tpu.memory_space<hbm>> -> memref<64x128xf32, #tpu.memory_space<hbm>>
      %dma_start3A_435 = arith.constant 0 : i32
      %dma_start3A_436 = tpu.memref_slice %arg8[%arg0, %mul3A_78, %dma_start3A_435] : memref<2x10240x128xf32, #tpu.memory_space<hbm>> -> memref<1x64x128xf32, #tpu.memory_space<hbm>>
      %dma_start3A_437 = tpu.memref_squeeze %dma_start3A_436 : memref<1x64x128xf32, #tpu.memory_space<hbm>> -> memref<64x128xf32, #tpu.memory_space<hbm>>
      tpu.enqueue_dma source(%arg13 : memref<64x128xf32, #tpu.memory_space<vmem>>) target(%dma_start3A_437 : memref<64x128xf32, #tpu.memory_space<hbm>>) target_semaphore(%run_scoped3A_431 : memref<!tpu.dma_semaphore, #tpu.memory_space<semaphore_mem>>)
      %dma_wait3A_438 = arith.constant 0 : i32
      %dma_wait3A_439 = tpu.memref_slice %arg8[%arg0, %mul3A_78, %dma_wait3A_438] : memref<2x10240x128xf32, #tpu.memory_space<hbm>> -> memref<1x64x128xf32, #tpu.memory_space<hbm>>
      %dma_wait3A_440 = tpu.memref_squeeze %dma_wait3A_439 : memref<1x64x128xf32, #tpu.memory_space<hbm>> -> memref<64x128xf32, #tpu.memory_space<hbm>>
      %dma_wait3A_441 = arith.constant 0 : i32
      %dma_wait3A_442 = tpu.memref_slice %arg8[%arg0, %mul3A_78, %dma_wait3A_441] : memref<2x10240x128xf32, #tpu.memory_space<hbm>> -> memref<1x64x128xf32, #tpu.memory_space<hbm>>
      %dma_wait3A_443 = tpu.memref_squeeze %dma_wait3A_442 : memref<1x64x128xf32, #tpu.memory_space<hbm>> -> memref<64x128xf32, #tpu.memory_space<hbm>>
      tpu.wait_dma2 semaphore(%run_scoped3A_431 : memref<!tpu.dma_semaphore, #tpu.memory_space<semaphore_mem>>) src(%arg13 : memref<64x128xf32, #tpu.memory_space<vmem>>) dst(%dma_wait3A_443 : memref<64x128xf32, #tpu.memory_space<hbm>>)
      tpu.yield
    }) : () -> ()
    %mul3A_93 = arith.constant 10 : i32
    %mul3A_94 = arith.muli %arg1, %mul3A_93 : i32
    %add3A_95 = arith.constant 4 : i32
    %add3A_96 = arith.addi %mul3A_94, %add3A_95 : i32
    %mul3A_97 = arith.constant 64 : i32
    %mul3A_98 = arith.muli %add3A_96, %mul3A_97 : i32
    %dma_start3A_99 = arith.constant 4 : i32
    %dma_start3A_100 = arith.constant 0 : i32
    %dma_start3A_101 = tpu.memref_slice %arg12[%dma_start3A_99, %dma_start3A_100] : memref<10x64xi32, #tpu.memory_space<vmem>> -> memref<1x64xi32, #tpu.memory_space<vmem>>
    %dma_start3A_102 = tpu.memref_squeeze %dma_start3A_101 : memref<1x64xi32, #tpu.memory_space<vmem>> -> memref<64xi32, #tpu.memory_space<vmem>>
    %dma_start3A_103 = arith.constant 0 : i32
    %dma_start3A_104 = arith.constant 0 : i32
    %dma_start3A_105 = tpu.memref_slice %arg15[%dma_start3A_103, %dma_start3A_104] : memref<10240x128xf32, #tpu.memory_space<vmem_shared>> -> memref<10240x128xf32, #tpu.memory_space<vmem_shared>>
    tpu.enqueue_indirect_dma source(%dma_start3A_105 : memref<10240x128xf32, #tpu.memory_space<vmem_shared>>) target(%arg13 : memref<64x128xf32, #tpu.memory_space<vmem>>) offsets(%dma_start3A_102 : memref<64xi32, #tpu.memory_space<vmem>>) semaphore(%arg16 : memref<!tpu.dma_semaphore, #tpu.memory_space<semaphore_mem>>)
    %dma_wait3A_106 = arith.constant 4 : i32
    %dma_wait3A_107 = arith.constant 0 : i32
    %dma_wait3A_108 = tpu.memref_slice %arg12[%dma_wait3A_106, %dma_wait3A_107] : memref<10x64xi32, #tpu.memory_space<vmem>> -> memref<1x64xi32, #tpu.memory_space<vmem>>
    %dma_wait3A_109 = tpu.memref_squeeze %dma_wait3A_108 : memref<1x64xi32, #tpu.memory_space<vmem>> -> memref<64xi32, #tpu.memory_space<vmem>>
    %dma_wait3A_110 = arith.constant 0 : i32
    %dma_wait3A_111 = arith.constant 0 : i32
    %dma_wait3A_112 = tpu.memref_slice %arg15[%dma_wait3A_110, %dma_wait3A_111] : memref<10240x128xf32, #tpu.memory_space<vmem_shared>> -> memref<10240x128xf32, #tpu.memory_space<vmem_shared>>
    tpu.wait_indirect_dma semaphore(%arg16 : memref<!tpu.dma_semaphore, #tpu.memory_space<semaphore_mem>>) src(%dma_wait3A_112 : memref<10240x128xf32, #tpu.memory_space<vmem_shared>>) dst(%arg13 : memref<64x128xf32, #tpu.memory_space<vmem>>)
    "tpu.region"() ({
      %run_scoped3A_431 = tpu.sem_alloc : memref<!tpu.dma_semaphore, #tpu.memory_space<semaphore_mem>>
      %dma_start3A_432 = arith.constant 0 : i32
      %dma_start3A_433 = tpu.memref_slice %arg8[%arg0, %mul3A_98, %dma_start3A_432] : memref<2x10240x128xf32, #tpu.memory_space<hbm>> -> memref<1x64x128xf32, #tpu.memory_space<hbm>>
      %dma_start3A_434 = tpu.memref_squeeze %dma_start3A_433 : memref<1x64x128xf32, #tpu.memory_space<hbm>> -> memref<64x128xf32, #tpu.memory_space<hbm>>
      %dma_start3A_435 = arith.constant 0 : i32
      %dma_start3A_436 = tpu.memref_slice %arg8[%arg0, %mul3A_98, %dma_start3A_435] : memref<2x10240x128xf32, #tpu.memory_space<hbm>> -> memref<1x64x128xf32, #tpu.memory_space<hbm>>
      %dma_start3A_437 = tpu.memref_squeeze %dma_start3A_436 : memref<1x64x128xf32, #tpu.memory_space<hbm>> -> memref<64x128xf32, #tpu.memory_space<hbm>>
      tpu.enqueue_dma source(%arg13 : memref<64x128xf32, #tpu.memory_space<vmem>>) target(%dma_start3A_437 : memref<64x128xf32, #tpu.memory_space<hbm>>) target_semaphore(%run_scoped3A_431 : memref<!tpu.dma_semaphore, #tpu.memory_space<semaphore_mem>>)
      %dma_wait3A_438 = arith.constant 0 : i32
      %dma_wait3A_439 = tpu.memref_slice %arg8[%arg0, %mul3A_98, %dma_wait3A_438] : memref<2x10240x128xf32, #tpu.memory_space<hbm>> -> memref<1x64x128xf32, #tpu.memory_space<hbm>>
      %dma_wait3A_440 = tpu.memref_squeeze %dma_wait3A_439 : memref<1x64x128xf32, #tpu.memory_space<hbm>> -> memref<64x128xf32, #tpu.memory_space<hbm>>
      %dma_wait3A_441 = arith.constant 0 : i32
      %dma_wait3A_442 = tpu.memref_slice %arg8[%arg0, %mul3A_98, %dma_wait3A_441] : memref<2x10240x128xf32, #tpu.memory_space<hbm>> -> memref<1x64x128xf32, #tpu.memory_space<hbm>>
      %dma_wait3A_443 = tpu.memref_squeeze %dma_wait3A_442 : memref<1x64x128xf32, #tpu.memory_space<hbm>> -> memref<64x128xf32, #tpu.memory_space<hbm>>
      tpu.wait_dma2 semaphore(%run_scoped3A_431 : memref<!tpu.dma_semaphore, #tpu.memory_space<semaphore_mem>>) src(%arg13 : memref<64x128xf32, #tpu.memory_space<vmem>>) dst(%dma_wait3A_443 : memref<64x128xf32, #tpu.memory_space<hbm>>)
      tpu.yield
    }) : () -> ()
    %mul3A_113 = arith.constant 10 : i32
    %mul3A_114 = arith.muli %arg1, %mul3A_113 : i32
    %add3A_115 = arith.constant 5 : i32
    %add3A_116 = arith.addi %mul3A_114, %add3A_115 : i32
    %mul3A_117 = arith.constant 64 : i32
    %mul3A_118 = arith.muli %add3A_116, %mul3A_117 : i32
    %dma_start3A_119 = arith.constant 5 : i32
    %dma_start3A_120 = arith.constant 0 : i32
    %dma_start3A_121 = tpu.memref_slice %arg12[%dma_start3A_119, %dma_start3A_120] : memref<10x64xi32, #tpu.memory_space<vmem>> -> memref<1x64xi32, #tpu.memory_space<vmem>>
    %dma_start3A_122 = tpu.memref_squeeze %dma_start3A_121 : memref<1x64xi32, #tpu.memory_space<vmem>> -> memref<64xi32, #tpu.memory_space<vmem>>
    %dma_start3A_123 = arith.constant 0 : i32
    %dma_start3A_124 = arith.constant 0 : i32
    %dma_start3A_125 = tpu.memref_slice %arg15[%dma_start3A_123, %dma_start3A_124] : memref<10240x128xf32, #tpu.memory_space<vmem_shared>> -> memref<10240x128xf32, #tpu.memory_space<vmem_shared>>
    tpu.enqueue_indirect_dma source(%dma_start3A_125 : memref<10240x128xf32, #tpu.memory_space<vmem_shared>>) target(%arg13 : memref<64x128xf32, #tpu.memory_space<vmem>>) offsets(%dma_start3A_122 : memref<64xi32, #tpu.memory_space<vmem>>) semaphore(%arg16 : memref<!tpu.dma_semaphore, #tpu.memory_space<semaphore_mem>>)
    %dma_wait3A_126 = arith.constant 5 : i32
    %dma_wait3A_127 = arith.constant 0 : i32
    %dma_wait3A_128 = tpu.memref_slice %arg12[%dma_wait3A_126, %dma_wait3A_127] : memref<10x64xi32, #tpu.memory_space<vmem>> -> memref<1x64xi32, #tpu.memory_space<vmem>>
    %dma_wait3A_129 = tpu.memref_squeeze %dma_wait3A_128 : memref<1x64xi32, #tpu.memory_space<vmem>> -> memref<64xi32, #tpu.memory_space<vmem>>
    %dma_wait3A_130 = arith.constant 0 : i32
    %dma_wait3A_131 = arith.constant 0 : i32
    %dma_wait3A_132 = tpu.memref_slice %arg15[%dma_wait3A_130, %dma_wait3A_131] : memref<10240x128xf32, #tpu.memory_space<vmem_shared>> -> memref<10240x128xf32, #tpu.memory_space<vmem_shared>>
    tpu.wait_indirect_dma semaphore(%arg16 : memref<!tpu.dma_semaphore, #tpu.memory_space<semaphore_mem>>) src(%dma_wait3A_132 : memref<10240x128xf32, #tpu.memory_space<vmem_shared>>) dst(%arg13 : memref<64x128xf32, #tpu.memory_space<vmem>>)
    "tpu.region"() ({
      %run_scoped3A_431 = tpu.sem_alloc : memref<!tpu.dma_semaphore, #tpu.memory_space<semaphore_mem>>
      %dma_start3A_432 = arith.constant 0 : i32
      %dma_start3A_433 = tpu.memref_slice %arg8[%arg0, %mul3A_118, %dma_start3A_432] : memref<2x10240x128xf32, #tpu.memory_space<hbm>> -> memref<1x64x128xf32, #tpu.memory_space<hbm>>
      %dma_start3A_434 = tpu.memref_squeeze %dma_start3A_433 : memref<1x64x128xf32, #tpu.memory_space<hbm>> -> memref<64x128xf32, #tpu.memory_space<hbm>>
      %dma_start3A_435 = arith.constant 0 : i32
      %dma_start3A_436 = tpu.memref_slice %arg8[%arg0, %mul3A_118, %dma_start3A_435] : memref<2x10240x128xf32, #tpu.memory_space<hbm>> -> memref<1x64x128xf32, #tpu.memory_space<hbm>>
      %dma_start3A_437 = tpu.memref_squeeze %dma_start3A_436 : memref<1x64x128xf32, #tpu.memory_space<hbm>> -> memref<64x128xf32, #tpu.memory_space<hbm>>
      tpu.enqueue_dma source(%arg13 : memref<64x128xf32, #tpu.memory_space<vmem>>) target(%dma_start3A_437 : memref<64x128xf32, #tpu.memory_space<hbm>>) target_semaphore(%run_scoped3A_431 : memref<!tpu.dma_semaphore, #tpu.memory_space<semaphore_mem>>)
      %dma_wait3A_438 = arith.constant 0 : i32
      %dma_wait3A_439 = tpu.memref_slice %arg8[%arg0, %mul3A_118, %dma_wait3A_438] : memref<2x10240x128xf32, #tpu.memory_space<hbm>> -> memref<1x64x128xf32, #tpu.memory_space<hbm>>
      %dma_wait3A_440 = tpu.memref_squeeze %dma_wait3A_439 : memref<1x64x128xf32, #tpu.memory_space<hbm>> -> memref<64x128xf32, #tpu.memory_space<hbm>>
      %dma_wait3A_441 = arith.constant 0 : i32
      %dma_wait3A_442 = tpu.memref_slice %arg8[%arg0, %mul3A_118, %dma_wait3A_441] : memref<2x10240x128xf32, #tpu.memory_space<hbm>> -> memref<1x64x128xf32, #tpu.memory_space<hbm>>
      %dma_wait3A_443 = tpu.memref_squeeze %dma_wait3A_442 : memref<1x64x128xf32, #tpu.memory_space<hbm>> -> memref<64x128xf32, #tpu.memory_space<hbm>>
      tpu.wait_dma2 semaphore(%run_scoped3A_431 : memref<!tpu.dma_semaphore, #tpu.memory_space<semaphore_mem>>) src(%arg13 : memref<64x128xf32, #tpu.memory_space<vmem>>) dst(%dma_wait3A_443 : memref<64x128xf32, #tpu.memory_space<hbm>>)
      tpu.yield
    }) : () -> ()
    %mul3A_133 = arith.constant 10 : i32
    %mul3A_134 = arith.muli %arg1, %mul3A_133 : i32
    %add3A_135 = arith.constant 6 : i32
    %add3A_136 = arith.addi %mul3A_134, %add3A_135 : i32
    %mul3A_137 = arith.constant 64 : i32
    %mul3A_138 = arith.muli %add3A_136, %mul3A_137 : i32
    %dma_start3A_139 = arith.constant 6 : i32
    %dma_start3A_140 = arith.constant 0 : i32
    %dma_start3A_141 = tpu.memref_slice %arg12[%dma_start3A_139, %dma_start3A_140] : memref<10x64xi32, #tpu.memory_space<vmem>> -> memref<1x64xi32, #tpu.memory_space<vmem>>
    %dma_start3A_142 = tpu.memref_squeeze %dma_start3A_141 : memref<1x64xi32, #tpu.memory_space<vmem>> -> memref<64xi32, #tpu.memory_space<vmem>>
    %dma_start3A_143 = arith.constant 0 : i32
    %dma_start3A_144 = arith.constant 0 : i32
    %dma_start3A_145 = tpu.memref_slice %arg15[%dma_start3A_143, %dma_start3A_144] : memref<10240x128xf32, #tpu.memory_space<vmem_shared>> -> memref<10240x128xf32, #tpu.memory_space<vmem_shared>>
    tpu.enqueue_indirect_dma source(%dma_start3A_145 : memref<10240x128xf32, #tpu.memory_space<vmem_shared>>) target(%arg13 : memref<64x128xf32, #tpu.memory_space<vmem>>) offsets(%dma_start3A_142 : memref<64xi32, #tpu.memory_space<vmem>>) semaphore(%arg16 : memref<!tpu.dma_semaphore, #tpu.memory_space<semaphore_mem>>)
    %dma_wait3A_146 = arith.constant 6 : i32
    %dma_wait3A_147 = arith.constant 0 : i32
    %dma_wait3A_148 = tpu.memref_slice %arg12[%dma_wait3A_146, %dma_wait3A_147] : memref<10x64xi32, #tpu.memory_space<vmem>> -> memref<1x64xi32, #tpu.memory_space<vmem>>
    %dma_wait3A_149 = tpu.memref_squeeze %dma_wait3A_148 : memref<1x64xi32, #tpu.memory_space<vmem>> -> memref<64xi32, #tpu.memory_space<vmem>>
    %dma_wait3A_150 = arith.constant 0 : i32
    %dma_wait3A_151 = arith.constant 0 : i32
    %dma_wait3A_152 = tpu.memref_slice %arg15[%dma_wait3A_150, %dma_wait3A_151] : memref<10240x128xf32, #tpu.memory_space<vmem_shared>> -> memref<10240x128xf32, #tpu.memory_space<vmem_shared>>
    tpu.wait_indirect_dma semaphore(%arg16 : memref<!tpu.dma_semaphore, #tpu.memory_space<semaphore_mem>>) src(%dma_wait3A_152 : memref<10240x128xf32, #tpu.memory_space<vmem_shared>>) dst(%arg13 : memref<64x128xf32, #tpu.memory_space<vmem>>)
    "tpu.region"() ({
      %run_scoped3A_431 = tpu.sem_alloc : memref<!tpu.dma_semaphore, #tpu.memory_space<semaphore_mem>>
      %dma_start3A_432 = arith.constant 0 : i32
      %dma_start3A_433 = tpu.memref_slice %arg8[%arg0, %mul3A_138, %dma_start3A_432] : memref<2x10240x128xf32, #tpu.memory_space<hbm>> -> memref<1x64x128xf32, #tpu.memory_space<hbm>>
      %dma_start3A_434 = tpu.memref_squeeze %dma_start3A_433 : memref<1x64x128xf32, #tpu.memory_space<hbm>> -> memref<64x128xf32, #tpu.memory_space<hbm>>
      %dma_start3A_435 = arith.constant 0 : i32
      %dma_start3A_436 = tpu.memref_slice %arg8[%arg0, %mul3A_138, %dma_start3A_435] : memref<2x10240x128xf32, #tpu.memory_space<hbm>> -> memref<1x64x128xf32, #tpu.memory_space<hbm>>
      %dma_start3A_437 = tpu.memref_squeeze %dma_start3A_436 : memref<1x64x128xf32, #tpu.memory_space<hbm>> -> memref<64x128xf32, #tpu.memory_space<hbm>>
      tpu.enqueue_dma source(%arg13 : memref<64x128xf32, #tpu.memory_space<vmem>>) target(%dma_start3A_437 : memref<64x128xf32, #tpu.memory_space<hbm>>) target_semaphore(%run_scoped3A_431 : memref<!tpu.dma_semaphore, #tpu.memory_space<semaphore_mem>>)
      %dma_wait3A_438 = arith.constant 0 : i32
      %dma_wait3A_439 = tpu.memref_slice %arg8[%arg0, %mul3A_138, %dma_wait3A_438] : memref<2x10240x128xf32, #tpu.memory_space<hbm>> -> memref<1x64x128xf32, #tpu.memory_space<hbm>>
      %dma_wait3A_440 = tpu.memref_squeeze %dma_wait3A_439 : memref<1x64x128xf32, #tpu.memory_space<hbm>> -> memref<64x128xf32, #tpu.memory_space<hbm>>
      %dma_wait3A_441 = arith.constant 0 : i32
      %dma_wait3A_442 = tpu.memref_slice %arg8[%arg0, %mul3A_138, %dma_wait3A_441] : memref<2x10240x128xf32, #tpu.memory_space<hbm>> -> memref<1x64x128xf32, #tpu.memory_space<hbm>>
      %dma_wait3A_443 = tpu.memref_squeeze %dma_wait3A_442 : memref<1x64x128xf32, #tpu.memory_space<hbm>> -> memref<64x128xf32, #tpu.memory_space<hbm>>
      tpu.wait_dma2 semaphore(%run_scoped3A_431 : memref<!tpu.dma_semaphore, #tpu.memory_space<semaphore_mem>>) src(%arg13 : memref<64x128xf32, #tpu.memory_space<vmem>>) dst(%dma_wait3A_443 : memref<64x128xf32, #tpu.memory_space<hbm>>)
      tpu.yield
    }) : () -> ()
    %mul3A_153 = arith.constant 10 : i32
    %mul3A_154 = arith.muli %arg1, %mul3A_153 : i32
    %add3A_155 = arith.constant 7 : i32
    %add3A_156 = arith.addi %mul3A_154, %add3A_155 : i32
    %mul3A_157 = arith.constant 64 : i32
    %mul3A_158 = arith.muli %add3A_156, %mul3A_157 : i32
    %dma_start3A_159 = arith.constant 7 : i32
    %dma_start3A_160 = arith.constant 0 : i32
    %dma_start3A_161 = tpu.memref_slice %arg12[%dma_start3A_159, %dma_start3A_160] : memref<10x64xi32, #tpu.memory_space<vmem>> -> memref<1x64xi32, #tpu.memory_space<vmem>>
    %dma_start3A_162 = tpu.memref_squeeze %dma_start3A_161 : memref<1x64xi32, #tpu.memory_space<vmem>> -> memref<64xi32, #tpu.memory_space<vmem>>
    %dma_start3A_163 = arith.constant 0 : i32
    %dma_start3A_164 = arith.constant 0 : i32
    %dma_start3A_165 = tpu.memref_slice %arg15[%dma_start3A_163, %dma_start3A_164] : memref<10240x128xf32, #tpu.memory_space<vmem_shared>> -> memref<10240x128xf32, #tpu.memory_space<vmem_shared>>
    tpu.enqueue_indirect_dma source(%dma_start3A_165 : memref<10240x128xf32, #tpu.memory_space<vmem_shared>>) target(%arg13 : memref<64x128xf32, #tpu.memory_space<vmem>>) offsets(%dma_start3A_162 : memref<64xi32, #tpu.memory_space<vmem>>) semaphore(%arg16 : memref<!tpu.dma_semaphore, #tpu.memory_space<semaphore_mem>>)
    %dma_wait3A_166 = arith.constant 7 : i32
    %dma_wait3A_167 = arith.constant 0 : i32
    %dma_wait3A_168 = tpu.memref_slice %arg12[%dma_wait3A_166, %dma_wait3A_167] : memref<10x64xi32, #tpu.memory_space<vmem>> -> memref<1x64xi32, #tpu.memory_space<vmem>>
    %dma_wait3A_169 = tpu.memref_squeeze %dma_wait3A_168 : memref<1x64xi32, #tpu.memory_space<vmem>> -> memref<64xi32, #tpu.memory_space<vmem>>
    %dma_wait3A_170 = arith.constant 0 : i32
    %dma_wait3A_171 = arith.constant 0 : i32
    %dma_wait3A_172 = tpu.memref_slice %arg15[%dma_wait3A_170, %dma_wait3A_171] : memref<10240x128xf32, #tpu.memory_space<vmem_shared>> -> memref<10240x128xf32, #tpu.memory_space<vmem_shared>>
    tpu.wait_indirect_dma semaphore(%arg16 : memref<!tpu.dma_semaphore, #tpu.memory_space<semaphore_mem>>) src(%dma_wait3A_172 : memref<10240x128xf32, #tpu.memory_space<vmem_shared>>) dst(%arg13 : memref<64x128xf32, #tpu.memory_space<vmem>>)
    "tpu.region"() ({
      %run_scoped3A_431 = tpu.sem_alloc : memref<!tpu.dma_semaphore, #tpu.memory_space<semaphore_mem>>
      %dma_start3A_432 = arith.constant 0 : i32
      %dma_start3A_433 = tpu.memref_slice %arg8[%arg0, %mul3A_158, %dma_start3A_432] : memref<2x10240x128xf32, #tpu.memory_space<hbm>> -> memref<1x64x128xf32, #tpu.memory_space<hbm>>
      %dma_start3A_434 = tpu.memref_squeeze %dma_start3A_433 : memref<1x64x128xf32, #tpu.memory_space<hbm>> -> memref<64x128xf32, #tpu.memory_space<hbm>>
      %dma_start3A_435 = arith.constant 0 : i32
      %dma_start3A_436 = tpu.memref_slice %arg8[%arg0, %mul3A_158, %dma_start3A_435] : memref<2x10240x128xf32, #tpu.memory_space<hbm>> -> memref<1x64x128xf32, #tpu.memory_space<hbm>>
      %dma_start3A_437 = tpu.memref_squeeze %dma_start3A_436 : memref<1x64x128xf32, #tpu.memory_space<hbm>> -> memref<64x128xf32, #tpu.memory_space<hbm>>
      tpu.enqueue_dma source(%arg13 : memref<64x128xf32, #tpu.memory_space<vmem>>) target(%dma_start3A_437 : memref<64x128xf32, #tpu.memory_space<hbm>>) target_semaphore(%run_scoped3A_431 : memref<!tpu.dma_semaphore, #tpu.memory_space<semaphore_mem>>)
      %dma_wait3A_438 = arith.constant 0 : i32
      %dma_wait3A_439 = tpu.memref_slice %arg8[%arg0, %mul3A_158, %dma_wait3A_438] : memref<2x10240x128xf32, #tpu.memory_space<hbm>> -> memref<1x64x128xf32, #tpu.memory_space<hbm>>
      %dma_wait3A_440 = tpu.memref_squeeze %dma_wait3A_439 : memref<1x64x128xf32, #tpu.memory_space<hbm>> -> memref<64x128xf32, #tpu.memory_space<hbm>>
      %dma_wait3A_441 = arith.constant 0 : i32
      %dma_wait3A_442 = tpu.memref_slice %arg8[%arg0, %mul3A_158, %dma_wait3A_441] : memref<2x10240x128xf32, #tpu.memory_space<hbm>> -> memref<1x64x128xf32, #tpu.memory_space<hbm>>
      %dma_wait3A_443 = tpu.memref_squeeze %dma_wait3A_442 : memref<1x64x128xf32, #tpu.memory_space<hbm>> -> memref<64x128xf32, #tpu.memory_space<hbm>>
      tpu.wait_dma2 semaphore(%run_scoped3A_431 : memref<!tpu.dma_semaphore, #tpu.memory_space<semaphore_mem>>) src(%arg13 : memref<64x128xf32, #tpu.memory_space<vmem>>) dst(%dma_wait3A_443 : memref<64x128xf32, #tpu.memory_space<hbm>>)
      tpu.yield
    }) : () -> ()
    %mul3A_173 = arith.constant 10 : i32
    %mul3A_174 = arith.muli %arg1, %mul3A_173 : i32
    %add3A_175 = arith.constant 8 : i32
    %add3A_176 = arith.addi %mul3A_174, %add3A_175 : i32
    %mul3A_177 = arith.constant 64 : i32
    %mul3A_178 = arith.muli %add3A_176, %mul3A_177 : i32
    %dma_start3A_179 = arith.constant 8 : i32
    %dma_start3A_180 = arith.constant 0 : i32
    %dma_start3A_181 = tpu.memref_slice %arg12[%dma_start3A_179, %dma_start3A_180] : memref<10x64xi32, #tpu.memory_space<vmem>> -> memref<1x64xi32, #tpu.memory_space<vmem>>
    %dma_start3A_182 = tpu.memref_squeeze %dma_start3A_181 : memref<1x64xi32, #tpu.memory_space<vmem>> -> memref<64xi32, #tpu.memory_space<vmem>>
    %dma_start3A_183 = arith.constant 0 : i32
    %dma_start3A_184 = arith.constant 0 : i32
    %dma_start3A_185 = tpu.memref_slice %arg15[%dma_start3A_183, %dma_start3A_184] : memref<10240x128xf32, #tpu.memory_space<vmem_shared>> -> memref<10240x128xf32, #tpu.memory_space<vmem_shared>>
    tpu.enqueue_indirect_dma source(%dma_start3A_185 : memref<10240x128xf32, #tpu.memory_space<vmem_shared>>) target(%arg13 : memref<64x128xf32, #tpu.memory_space<vmem>>) offsets(%dma_start3A_182 : memref<64xi32, #tpu.memory_space<vmem>>) semaphore(%arg16 : memref<!tpu.dma_semaphore, #tpu.memory_space<semaphore_mem>>)
    %dma_wait3A_186 = arith.constant 8 : i32
    %dma_wait3A_187 = arith.constant 0 : i32
    %dma_wait3A_188 = tpu.memref_slice %arg12[%dma_wait3A_186, %dma_wait3A_187] : memref<10x64xi32, #tpu.memory_space<vmem>> -> memref<1x64xi32, #tpu.memory_space<vmem>>
    %dma_wait3A_189 = tpu.memref_squeeze %dma_wait3A_188 : memref<1x64xi32, #tpu.memory_space<vmem>> -> memref<64xi32, #tpu.memory_space<vmem>>
    %dma_wait3A_190 = arith.constant 0 : i32
    %dma_wait3A_191 = arith.constant 0 : i32
    %dma_wait3A_192 = tpu.memref_slice %arg15[%dma_wait3A_190, %dma_wait3A_191] : memref<10240x128xf32, #tpu.memory_space<vmem_shared>> -> memref<10240x128xf32, #tpu.memory_space<vmem_shared>>
    tpu.wait_indirect_dma semaphore(%arg16 : memref<!tpu.dma_semaphore, #tpu.memory_space<semaphore_mem>>) src(%dma_wait3A_192 : memref<10240x128xf32, #tpu.memory_space<vmem_shared>>) dst(%arg13 : memref<64x128xf32, #tpu.memory_space<vmem>>)
    "tpu.region"() ({
      %run_scoped3A_431 = tpu.sem_alloc : memref<!tpu.dma_semaphore, #tpu.memory_space<semaphore_mem>>
      %dma_start3A_432 = arith.constant 0 : i32
      %dma_start3A_433 = tpu.memref_slice %arg8[%arg0, %mul3A_178, %dma_start3A_432] : memref<2x10240x128xf32, #tpu.memory_space<hbm>> -> memref<1x64x128xf32, #tpu.memory_space<hbm>>
      %dma_start3A_434 = tpu.memref_squeeze %dma_start3A_433 : memref<1x64x128xf32, #tpu.memory_space<hbm>> -> memref<64x128xf32, #tpu.memory_space<hbm>>
      %dma_start3A_435 = arith.constant 0 : i32
      %dma_start3A_436 = tpu.memref_slice %arg8[%arg0, %mul3A_178, %dma_start3A_435] : memref<2x10240x128xf32, #tpu.memory_space<hbm>> -> memref<1x64x128xf32, #tpu.memory_space<hbm>>
      %dma_start3A_437 = tpu.memref_squeeze %dma_start3A_436 : memref<1x64x128xf32, #tpu.memory_space<hbm>> -> memref<64x128xf32, #tpu.memory_space<hbm>>
      tpu.enqueue_dma source(%arg13 : memref<64x128xf32, #tpu.memory_space<vmem>>) target(%dma_start3A_437 : memref<64x128xf32, #tpu.memory_space<hbm>>) target_semaphore(%run_scoped3A_431 : memref<!tpu.dma_semaphore, #tpu.memory_space<semaphore_mem>>)
      %dma_wait3A_438 = arith.constant 0 : i32
      %dma_wait3A_439 = tpu.memref_slice %arg8[%arg0, %mul3A_178, %dma_wait3A_438] : memref<2x10240x128xf32, #tpu.memory_space<hbm>> -> memref<1x64x128xf32, #tpu.memory_space<hbm>>
      %dma_wait3A_440 = tpu.memref_squeeze %dma_wait3A_439 : memref<1x64x128xf32, #tpu.memory_space<hbm>> -> memref<64x128xf32, #tpu.memory_space<hbm>>
      %dma_wait3A_441 = arith.constant 0 : i32
      %dma_wait3A_442 = tpu.memref_slice %arg8[%arg0, %mul3A_178, %dma_wait3A_441] : memref<2x10240x128xf32, #tpu.memory_space<hbm>> -> memref<1x64x128xf32, #tpu.memory_space<hbm>>
      %dma_wait3A_443 = tpu.memref_squeeze %dma_wait3A_442 : memref<1x64x128xf32, #tpu.memory_space<hbm>> -> memref<64x128xf32, #tpu.memory_space<hbm>>
      tpu.wait_dma2 semaphore(%run_scoped3A_431 : memref<!tpu.dma_semaphore, #tpu.memory_space<semaphore_mem>>) src(%arg13 : memref<64x128xf32, #tpu.memory_space<vmem>>) dst(%dma_wait3A_443 : memref<64x128xf32, #tpu.memory_space<hbm>>)
      tpu.yield
    }) : () -> ()
    %mul3A_193 = arith.constant 10 : i32
    %mul3A_194 = arith.muli %arg1, %mul3A_193 : i32
    %add3A_195 = arith.constant 9 : i32
    %add3A_196 = arith.addi %mul3A_194, %add3A_195 : i32
    %mul3A_197 = arith.constant 64 : i32
    %mul3A_198 = arith.muli %add3A_196, %mul3A_197 : i32
    %dma_start3A_199 = arith.constant 9 : i32
    %dma_start3A_200 = arith.constant 0 : i32
    %dma_start3A_201 = tpu.memref_slice %arg12[%dma_start3A_199, %dma_start3A_200] : memref<10x64xi32, #tpu.memory_space<vmem>> -> memref<1x64xi32, #tpu.memory_space<vmem>>
    %dma_start3A_202 = tpu.memref_squeeze %dma_start3A_201 : memref<1x64xi32, #tpu.memory_space<vmem>> -> memref<64xi32, #tpu.memory_space<vmem>>
    %dma_start3A_203 = arith.constant 0 : i32
    %dma_start3A_204 = arith.constant 0 : i32
    %dma_start3A_205 = tpu.memref_slice %arg15[%dma_start3A_203, %dma_start3A_204] : memref<10240x128xf32, #tpu.memory_space<vmem_shared>> -> memref<10240x128xf32, #tpu.memory_space<vmem_shared>>
    tpu.enqueue_indirect_dma source(%dma_start3A_205 : memref<10240x128xf32, #tpu.memory_space<vmem_shared>>) target(%arg13 : memref<64x128xf32, #tpu.memory_space<vmem>>) offsets(%dma_start3A_202 : memref<64xi32, #tpu.memory_space<vmem>>) semaphore(%arg16 : memref<!tpu.dma_semaphore, #tpu.memory_space<semaphore_mem>>)
    %dma_wait3A_206 = arith.constant 9 : i32
    %dma_wait3A_207 = arith.constant 0 : i32
    %dma_wait3A_208 = tpu.memref_slice %arg12[%dma_wait3A_206, %dma_wait3A_207] : memref<10x64xi32, #tpu.memory_space<vmem>> -> memref<1x64xi32, #tpu.memory_space<vmem>>
    %dma_wait3A_209 = tpu.memref_squeeze %dma_wait3A_208 : memref<1x64xi32, #tpu.memory_space<vmem>> -> memref<64xi32, #tpu.memory_space<vmem>>
    %dma_wait3A_210 = arith.constant 0 : i32
    %dma_wait3A_211 = arith.constant 0 : i32
    %dma_wait3A_212 = tpu.memref_slice %arg15[%dma_wait3A_210, %dma_wait3A_211] : memref<10240x128xf32, #tpu.memory_space<vmem_shared>> -> memref<10240x128xf32, #tpu.memory_space<vmem_shared>>
    tpu.wait_indirect_dma semaphore(%arg16 : memref<!tpu.dma_semaphore, #tpu.memory_space<semaphore_mem>>) src(%dma_wait3A_212 : memref<10240x128xf32, #tpu.memory_space<vmem_shared>>) dst(%arg13 : memref<64x128xf32, #tpu.memory_space<vmem>>)
    "tpu.region"() ({
      %run_scoped3A_431 = tpu.sem_alloc : memref<!tpu.dma_semaphore, #tpu.memory_space<semaphore_mem>>
      %dma_start3A_432 = arith.constant 0 : i32
      %dma_start3A_433 = tpu.memref_slice %arg8[%arg0, %mul3A_198, %dma_start3A_432] : memref<2x10240x128xf32, #tpu.memory_space<hbm>> -> memref<1x64x128xf32, #tpu.memory_space<hbm>>
      %dma_start3A_434 = tpu.memref_squeeze %dma_start3A_433 : memref<1x64x128xf32, #tpu.memory_space<hbm>> -> memref<64x128xf32, #tpu.memory_space<hbm>>
      %dma_start3A_435 = arith.constant 0 : i32
      %dma_start3A_436 = tpu.memref_slice %arg8[%arg0, %mul3A_198, %dma_start3A_435] : memref<2x10240x128xf32, #tpu.memory_space<hbm>> -> memref<1x64x128xf32, #tpu.memory_space<hbm>>
      %dma_start3A_437 = tpu.memref_squeeze %dma_start3A_436 : memref<1x64x128xf32, #tpu.memory_space<hbm>> -> memref<64x128xf32, #tpu.memory_space<hbm>>
      tpu.enqueue_dma source(%arg13 : memref<64x128xf32, #tpu.memory_space<vmem>>) target(%dma_start3A_437 : memref<64x128xf32, #tpu.memory_space<hbm>>) target_semaphore(%run_scoped3A_431 : memref<!tpu.dma_semaphore, #tpu.memory_space<semaphore_mem>>)
      %dma_wait3A_438 = arith.constant 0 : i32
      %dma_wait3A_439 = tpu.memref_slice %arg8[%arg0, %mul3A_198, %dma_wait3A_438] : memref<2x10240x128xf32, #tpu.memory_space<hbm>> -> memref<1x64x128xf32, #tpu.memory_space<hbm>>
      %dma_wait3A_440 = tpu.memref_squeeze %dma_wait3A_439 : memref<1x64x128xf32, #tpu.memory_space<hbm>> -> memref<64x128xf32, #tpu.memory_space<hbm>>
      %dma_wait3A_441 = arith.constant 0 : i32
      %dma_wait3A_442 = tpu.memref_slice %arg8[%arg0, %mul3A_198, %dma_wait3A_441] : memref<2x10240x128xf32, #tpu.memory_space<hbm>> -> memref<1x64x128xf32, #tpu.memory_space<hbm>>
      %dma_wait3A_443 = tpu.memref_squeeze %dma_wait3A_442 : memref<1x64x128xf32, #tpu.memory_space<hbm>> -> memref<64x128xf32, #tpu.memory_space<hbm>>
      tpu.wait_dma2 semaphore(%run_scoped3A_431 : memref<!tpu.dma_semaphore, #tpu.memory_space<semaphore_mem>>) src(%arg13 : memref<64x128xf32, #tpu.memory_space<vmem>>) dst(%dma_wait3A_443 : memref<64x128xf32, #tpu.memory_space<hbm>>)
      tpu.yield
    }) : () -> ()
    %barrier3A_213 = arith.constant 0 : index
    tpu.barrier barrier_id(%barrier3A_213)
    "tpu.region"() ({
      %run_scoped3A_431 = tpu.sem_alloc : memref<!tpu.dma_semaphore, #tpu.memory_space<semaphore_mem>>
      tpu.enqueue_dma source(%arg6 : memref<64x128xf32, #tpu.memory_space<hbm>>) target(%arg13 : memref<64x128xf32, #tpu.memory_space<vmem>>) target_semaphore(%run_scoped3A_431 : memref<!tpu.dma_semaphore, #tpu.memory_space<semaphore_mem>>)
      tpu.wait_dma2 semaphore(%run_scoped3A_431 : memref<!tpu.dma_semaphore, #tpu.memory_space<semaphore_mem>>) src(%arg6 : memref<64x128xf32, #tpu.memory_space<hbm>>) dst(%arg13 : memref<64x128xf32, #tpu.memory_space<vmem>>)
      tpu.yield
    }) : () -> ()
    %run_scoped3A_214 = arith.constant 0 : i32
    "tpu.region"() ({
      %run_scoped3A_431 = tpu.sem_alloc : memref<!tpu.dma_semaphore, #tpu.memory_space<semaphore_mem>>
      %dma_start3A_432 = arith.constant 0 : i32
      %dma_start3A_433 = tpu.memref_slice %arg12[%run_scoped3A_214, %dma_start3A_432] : memref<10x64xi32, #tpu.memory_space<vmem>> -> memref<1x64xi32, #tpu.memory_space<vmem>>
      %dma_start3A_434 = tpu.memref_squeeze %dma_start3A_433 : memref<1x64xi32, #tpu.memory_space<vmem>> -> memref<64xi32, #tpu.memory_space<vmem>>
      %dma_start3A_435 = arith.constant 0 : i32
      %dma_start3A_436 = arith.constant 0 : i32
      %dma_start3A_437 = tpu.memref_slice %arg15[%dma_start3A_435, %dma_start3A_436] : memref<10240x128xf32, #tpu.memory_space<vmem_shared>> -> memref<10240x128xf32, #tpu.memory_space<vmem_shared>>
      tpu.enqueue_indirect_dma source(%arg13 : memref<64x128xf32, #tpu.memory_space<vmem>>) target(%dma_start3A_437 : memref<10240x128xf32, #tpu.memory_space<vmem_shared>>) offsets(%dma_start3A_434 : memref<64xi32, #tpu.memory_space<vmem>>) semaphore(%run_scoped3A_431 : memref<!tpu.dma_semaphore, #tpu.memory_space<semaphore_mem>>)
      %dma_wait3A_438 = arith.constant 0 : i32
      %dma_wait3A_439 = tpu.memref_slice %arg12[%run_scoped3A_214, %dma_wait3A_438] : memref<10x64xi32, #tpu.memory_space<vmem>> -> memref<1x64xi32, #tpu.memory_space<vmem>>
      %dma_wait3A_440 = tpu.memref_squeeze %dma_wait3A_439 : memref<1x64xi32, #tpu.memory_space<vmem>> -> memref<64xi32, #tpu.memory_space<vmem>>
      %dma_wait3A_441 = arith.constant 0 : i32
      %dma_wait3A_442 = arith.constant 0 : i32
      %dma_wait3A_443 = tpu.memref_slice %arg15[%dma_wait3A_441, %dma_wait3A_442] : memref<10240x128xf32, #tpu.memory_space<vmem_shared>> -> memref<10240x128xf32, #tpu.memory_space<vmem_shared>>
      tpu.wait_indirect_dma semaphore(%run_scoped3A_431 : memref<!tpu.dma_semaphore, #tpu.memory_space<semaphore_mem>>) src(%arg13 : memref<64x128xf32, #tpu.memory_space<vmem>>) dst(%dma_wait3A_443 : memref<10240x128xf32, #tpu.memory_space<vmem_shared>>)
      tpu.yield
    }) : () -> ()
    %run_scoped3A_215 = arith.constant 1 : i32
    "tpu.region"() ({
      %run_scoped3A_431 = tpu.sem_alloc : memref<!tpu.dma_semaphore, #tpu.memory_space<semaphore_mem>>
      %dma_start3A_432 = arith.constant 0 : i32
      %dma_start3A_433 = tpu.memref_slice %arg12[%run_scoped3A_215, %dma_start3A_432] : memref<10x64xi32, #tpu.memory_space<vmem>> -> memref<1x64xi32, #tpu.memory_space<vmem>>
      %dma_start3A_434 = tpu.memref_squeeze %dma_start3A_433 : memref<1x64xi32, #tpu.memory_space<vmem>> -> memref<64xi32, #tpu.memory_space<vmem>>
      %dma_start3A_435 = arith.constant 0 : i32
      %dma_start3A_436 = arith.constant 0 : i32
      %dma_start3A_437 = tpu.memref_slice %arg15[%dma_start3A_435, %dma_start3A_436] : memref<10240x128xf32, #tpu.memory_space<vmem_shared>> -> memref<10240x128xf32, #tpu.memory_space<vmem_shared>>
      tpu.enqueue_indirect_dma source(%arg13 : memref<64x128xf32, #tpu.memory_space<vmem>>) target(%dma_start3A_437 : memref<10240x128xf32, #tpu.memory_space<vmem_shared>>) offsets(%dma_start3A_434 : memref<64xi32, #tpu.memory_space<vmem>>) semaphore(%run_scoped3A_431 : memref<!tpu.dma_semaphore, #tpu.memory_space<semaphore_mem>>)
      %dma_wait3A_438 = arith.constant 0 : i32
      %dma_wait3A_439 = tpu.memref_slice %arg12[%run_scoped3A_215, %dma_wait3A_438] : memref<10x64xi32, #tpu.memory_space<vmem>> -> memref<1x64xi32, #tpu.memory_space<vmem>>
      %dma_wait3A_440 = tpu.memref_squeeze %dma_wait3A_439 : memref<1x64xi32, #tpu.memory_space<vmem>> -> memref<64xi32, #tpu.memory_space<vmem>>
      %dma_wait3A_441 = arith.constant 0 : i32
      %dma_wait3A_442 = arith.constant 0 : i32
      %dma_wait3A_443 = tpu.memref_slice %arg15[%dma_wait3A_441, %dma_wait3A_442] : memref<10240x128xf32, #tpu.memory_space<vmem_shared>> -> memref<10240x128xf32, #tpu.memory_space<vmem_shared>>
      tpu.wait_indirect_dma semaphore(%run_scoped3A_431 : memref<!tpu.dma_semaphore, #tpu.memory_space<semaphore_mem>>) src(%arg13 : memref<64x128xf32, #tpu.memory_space<vmem>>) dst(%dma_wait3A_443 : memref<10240x128xf32, #tpu.memory_space<vmem_shared>>)
      tpu.yield
    }) : () -> ()
    %run_scoped3A_216 = arith.constant 2 : i32
    "tpu.region"() ({
      %run_scoped3A_431 = tpu.sem_alloc : memref<!tpu.dma_semaphore, #tpu.memory_space<semaphore_mem>>
      %dma_start3A_432 = arith.constant 0 : i32
      %dma_start3A_433 = tpu.memref_slice %arg12[%run_scoped3A_216, %dma_start3A_432] : memref<10x64xi32, #tpu.memory_space<vmem>> -> memref<1x64xi32, #tpu.memory_space<vmem>>
      %dma_start3A_434 = tpu.memref_squeeze %dma_start3A_433 : memref<1x64xi32, #tpu.memory_space<vmem>> -> memref<64xi32, #tpu.memory_space<vmem>>
      %dma_start3A_435 = arith.constant 0 : i32
      %dma_start3A_436 = arith.constant 0 : i32
      %dma_start3A_437 = tpu.memref_slice %arg15[%dma_start3A_435, %dma_start3A_436] : memref<10240x128xf32, #tpu.memory_space<vmem_shared>> -> memref<10240x128xf32, #tpu.memory_space<vmem_shared>>
      tpu.enqueue_indirect_dma source(%arg13 : memref<64x128xf32, #tpu.memory_space<vmem>>) target(%dma_start3A_437 : memref<10240x128xf32, #tpu.memory_space<vmem_shared>>) offsets(%dma_start3A_434 : memref<64xi32, #tpu.memory_space<vmem>>) semaphore(%run_scoped3A_431 : memref<!tpu.dma_semaphore, #tpu.memory_space<semaphore_mem>>)
      %dma_wait3A_438 = arith.constant 0 : i32
      %dma_wait3A_439 = tpu.memref_slice %arg12[%run_scoped3A_216, %dma_wait3A_438] : memref<10x64xi32, #tpu.memory_space<vmem>> -> memref<1x64xi32, #tpu.memory_space<vmem>>
      %dma_wait3A_440 = tpu.memref_squeeze %dma_wait3A_439 : memref<1x64xi32, #tpu.memory_space<vmem>> -> memref<64xi32, #tpu.memory_space<vmem>>
      %dma_wait3A_441 = arith.constant 0 : i32
      %dma_wait3A_442 = arith.constant 0 : i32
      %dma_wait3A_443 = tpu.memref_slice %arg15[%dma_wait3A_441, %dma_wait3A_442] : memref<10240x128xf32, #tpu.memory_space<vmem_shared>> -> memref<10240x128xf32, #tpu.memory_space<vmem_shared>>
      tpu.wait_indirect_dma semaphore(%run_scoped3A_431 : memref<!tpu.dma_semaphore, #tpu.memory_space<semaphore_mem>>) src(%arg13 : memref<64x128xf32, #tpu.memory_space<vmem>>) dst(%dma_wait3A_443 : memref<10240x128xf32, #tpu.memory_space<vmem_shared>>)
      tpu.yield
    }) : () -> ()
    %run_scoped3A_217 = arith.constant 3 : i32
    "tpu.region"() ({
      %run_scoped3A_431 = tpu.sem_alloc : memref<!tpu.dma_semaphore, #tpu.memory_space<semaphore_mem>>
      %dma_start3A_432 = arith.constant 0 : i32
      %dma_start3A_433 = tpu.memref_slice %arg12[%run_scoped3A_217, %dma_start3A_432] : memref<10x64xi32, #tpu.memory_space<vmem>> -> memref<1x64xi32, #tpu.memory_space<vmem>>
      %dma_start3A_434 = tpu.memref_squeeze %dma_start3A_433 : memref<1x64xi32, #tpu.memory_space<vmem>> -> memref<64xi32, #tpu.memory_space<vmem>>
      %dma_start3A_435 = arith.constant 0 : i32
      %dma_start3A_436 = arith.constant 0 : i32
      %dma_start3A_437 = tpu.memref_slice %arg15[%dma_start3A_435, %dma_start3A_436] : memref<10240x128xf32, #tpu.memory_space<vmem_shared>> -> memref<10240x128xf32, #tpu.memory_space<vmem_shared>>
      tpu.enqueue_indirect_dma source(%arg13 : memref<64x128xf32, #tpu.memory_space<vmem>>) target(%dma_start3A_437 : memref<10240x128xf32, #tpu.memory_space<vmem_shared>>) offsets(%dma_start3A_434 : memref<64xi32, #tpu.memory_space<vmem>>) semaphore(%run_scoped3A_431 : memref<!tpu.dma_semaphore, #tpu.memory_space<semaphore_mem>>)
      %dma_wait3A_438 = arith.constant 0 : i32
      %dma_wait3A_439 = tpu.memref_slice %arg12[%run_scoped3A_217, %dma_wait3A_438] : memref<10x64xi32, #tpu.memory_space<vmem>> -> memref<1x64xi32, #tpu.memory_space<vmem>>
      %dma_wait3A_440 = tpu.memref_squeeze %dma_wait3A_439 : memref<1x64xi32, #tpu.memory_space<vmem>> -> memref<64xi32, #tpu.memory_space<vmem>>
      %dma_wait3A_441 = arith.constant 0 : i32
      %dma_wait3A_442 = arith.constant 0 : i32
      %dma_wait3A_443 = tpu.memref_slice %arg15[%dma_wait3A_441, %dma_wait3A_442] : memref<10240x128xf32, #tpu.memory_space<vmem_shared>> -> memref<10240x128xf32, #tpu.memory_space<vmem_shared>>
      tpu.wait_indirect_dma semaphore(%run_scoped3A_431 : memref<!tpu.dma_semaphore, #tpu.memory_space<semaphore_mem>>) src(%arg13 : memref<64x128xf32, #tpu.memory_space<vmem>>) dst(%dma_wait3A_443 : memref<10240x128xf32, #tpu.memory_space<vmem_shared>>)
      tpu.yield
    }) : () -> ()
    %run_scoped3A_218 = arith.constant 4 : i32
    "tpu.region"() ({
      %run_scoped3A_431 = tpu.sem_alloc : memref<!tpu.dma_semaphore, #tpu.memory_space<semaphore_mem>>
      %dma_start3A_432 = arith.constant 0 : i32
      %dma_start3A_433 = tpu.memref_slice %arg12[%run_scoped3A_218, %dma_start3A_432] : memref<10x64xi32, #tpu.memory_space<vmem>> -> memref<1x64xi32, #tpu.memory_space<vmem>>
      %dma_start3A_434 = tpu.memref_squeeze %dma_start3A_433 : memref<1x64xi32, #tpu.memory_space<vmem>> -> memref<64xi32, #tpu.memory_space<vmem>>
      %dma_start3A_435 = arith.constant 0 : i32
      %dma_start3A_436 = arith.constant 0 : i32
      %dma_start3A_437 = tpu.memref_slice %arg15[%dma_start3A_435, %dma_start3A_436] : memref<10240x128xf32, #tpu.memory_space<vmem_shared>> -> memref<10240x128xf32, #tpu.memory_space<vmem_shared>>
      tpu.enqueue_indirect_dma source(%arg13 : memref<64x128xf32, #tpu.memory_space<vmem>>) target(%dma_start3A_437 : memref<10240x128xf32, #tpu.memory_space<vmem_shared>>) offsets(%dma_start3A_434 : memref<64xi32, #tpu.memory_space<vmem>>) semaphore(%run_scoped3A_431 : memref<!tpu.dma_semaphore, #tpu.memory_space<semaphore_mem>>)
      %dma_wait3A_438 = arith.constant 0 : i32
      %dma_wait3A_439 = tpu.memref_slice %arg12[%run_scoped3A_218, %dma_wait3A_438] : memref<10x64xi32, #tpu.memory_space<vmem>> -> memref<1x64xi32, #tpu.memory_space<vmem>>
      %dma_wait3A_440 = tpu.memref_squeeze %dma_wait3A_439 : memref<1x64xi32, #tpu.memory_space<vmem>> -> memref<64xi32, #tpu.memory_space<vmem>>
      %dma_wait3A_441 = arith.constant 0 : i32
      %dma_wait3A_442 = arith.constant 0 : i32
      %dma_wait3A_443 = tpu.memref_slice %arg15[%dma_wait3A_441, %dma_wait3A_442] : memref<10240x128xf32, #tpu.memory_space<vmem_shared>> -> memref<10240x128xf32, #tpu.memory_space<vmem_shared>>
      tpu.wait_indirect_dma semaphore(%run_scoped3A_431 : memref<!tpu.dma_semaphore, #tpu.memory_space<semaphore_mem>>) src(%arg13 : memref<64x128xf32, #tpu.memory_space<vmem>>) dst(%dma_wait3A_443 : memref<10240x128xf32, #tpu.memory_space<vmem_shared>>)
      tpu.yield
    }) : () -> ()
    %run_scoped3A_219 = arith.constant 5 : i32
    "tpu.region"() ({
      %run_scoped3A_431 = tpu.sem_alloc : memref<!tpu.dma_semaphore, #tpu.memory_space<semaphore_mem>>
      %dma_start3A_432 = arith.constant 0 : i32
      %dma_start3A_433 = tpu.memref_slice %arg12[%run_scoped3A_219, %dma_start3A_432] : memref<10x64xi32, #tpu.memory_space<vmem>> -> memref<1x64xi32, #tpu.memory_space<vmem>>
      %dma_start3A_434 = tpu.memref_squeeze %dma_start3A_433 : memref<1x64xi32, #tpu.memory_space<vmem>> -> memref<64xi32, #tpu.memory_space<vmem>>
      %dma_start3A_435 = arith.constant 0 : i32
      %dma_start3A_436 = arith.constant 0 : i32
      %dma_start3A_437 = tpu.memref_slice %arg15[%dma_start3A_435, %dma_start3A_436] : memref<10240x128xf32, #tpu.memory_space<vmem_shared>> -> memref<10240x128xf32, #tpu.memory_space<vmem_shared>>
      tpu.enqueue_indirect_dma source(%arg13 : memref<64x128xf32, #tpu.memory_space<vmem>>) target(%dma_start3A_437 : memref<10240x128xf32, #tpu.memory_space<vmem_shared>>) offsets(%dma_start3A_434 : memref<64xi32, #tpu.memory_space<vmem>>) semaphore(%run_scoped3A_431 : memref<!tpu.dma_semaphore, #tpu.memory_space<semaphore_mem>>)
      %dma_wait3A_438 = arith.constant 0 : i32
      %dma_wait3A_439 = tpu.memref_slice %arg12[%run_scoped3A_219, %dma_wait3A_438] : memref<10x64xi32, #tpu.memory_space<vmem>> -> memref<1x64xi32, #tpu.memory_space<vmem>>
      %dma_wait3A_440 = tpu.memref_squeeze %dma_wait3A_439 : memref<1x64xi32, #tpu.memory_space<vmem>> -> memref<64xi32, #tpu.memory_space<vmem>>
      %dma_wait3A_441 = arith.constant 0 : i32
      %dma_wait3A_442 = arith.constant 0 : i32
      %dma_wait3A_443 = tpu.memref_slice %arg15[%dma_wait3A_441, %dma_wait3A_442] : memref<10240x128xf32, #tpu.memory_space<vmem_shared>> -> memref<10240x128xf32, #tpu.memory_space<vmem_shared>>
      tpu.wait_indirect_dma semaphore(%run_scoped3A_431 : memref<!tpu.dma_semaphore, #tpu.memory_space<semaphore_mem>>) src(%arg13 : memref<64x128xf32, #tpu.memory_space<vmem>>) dst(%dma_wait3A_443 : memref<10240x128xf32, #tpu.memory_space<vmem_shared>>)
      tpu.yield
    }) : () -> ()
    %run_scoped3A_220 = arith.constant 6 : i32
    "tpu.region"() ({
      %run_scoped3A_431 = tpu.sem_alloc : memref<!tpu.dma_semaphore, #tpu.memory_space<semaphore_mem>>
      %dma_start3A_432 = arith.constant 0 : i32
      %dma_start3A_433 = tpu.memref_slice %arg12[%run_scoped3A_220, %dma_start3A_432] : memref<10x64xi32, #tpu.memory_space<vmem>> -> memref<1x64xi32, #tpu.memory_space<vmem>>
      %dma_start3A_434 = tpu.memref_squeeze %dma_start3A_433 : memref<1x64xi32, #tpu.memory_space<vmem>> -> memref<64xi32, #tpu.memory_space<vmem>>
      %dma_start3A_435 = arith.constant 0 : i32
      %dma_start3A_436 = arith.constant 0 : i32
      %dma_start3A_437 = tpu.memref_slice %arg15[%dma_start3A_435, %dma_start3A_436] : memref<10240x128xf32, #tpu.memory_space<vmem_shared>> -> memref<10240x128xf32, #tpu.memory_space<vmem_shared>>
      tpu.enqueue_indirect_dma source(%arg13 : memref<64x128xf32, #tpu.memory_space<vmem>>) target(%dma_start3A_437 : memref<10240x128xf32, #tpu.memory_space<vmem_shared>>) offsets(%dma_start3A_434 : memref<64xi32, #tpu.memory_space<vmem>>) semaphore(%run_scoped3A_431 : memref<!tpu.dma_semaphore, #tpu.memory_space<semaphore_mem>>)
      %dma_wait3A_438 = arith.constant 0 : i32
      %dma_wait3A_439 = tpu.memref_slice %arg12[%run_scoped3A_220, %dma_wait3A_438] : memref<10x64xi32, #tpu.memory_space<vmem>> -> memref<1x64xi32, #tpu.memory_space<vmem>>
      %dma_wait3A_440 = tpu.memref_squeeze %dma_wait3A_439 : memref<1x64xi32, #tpu.memory_space<vmem>> -> memref<64xi32, #tpu.memory_space<vmem>>
      %dma_wait3A_441 = arith.constant 0 : i32
      %dma_wait3A_442 = arith.constant 0 : i32
      %dma_wait3A_443 = tpu.memref_slice %arg15[%dma_wait3A_441, %dma_wait3A_442] : memref<10240x128xf32, #tpu.memory_space<vmem_shared>> -> memref<10240x128xf32, #tpu.memory_space<vmem_shared>>
      tpu.wait_indirect_dma semaphore(%run_scoped3A_431 : memref<!tpu.dma_semaphore, #tpu.memory_space<semaphore_mem>>) src(%arg13 : memref<64x128xf32, #tpu.memory_space<vmem>>) dst(%dma_wait3A_443 : memref<10240x128xf32, #tpu.memory_space<vmem_shared>>)
      tpu.yield
    }) : () -> ()
    %run_scoped3A_221 = arith.constant 7 : i32
    "tpu.region"() ({
      %run_scoped3A_431 = tpu.sem_alloc : memref<!tpu.dma_semaphore, #tpu.memory_space<semaphore_mem>>
      %dma_start3A_432 = arith.constant 0 : i32
      %dma_start3A_433 = tpu.memref_slice %arg12[%run_scoped3A_221, %dma_start3A_432] : memref<10x64xi32, #tpu.memory_space<vmem>> -> memref<1x64xi32, #tpu.memory_space<vmem>>
      %dma_start3A_434 = tpu.memref_squeeze %dma_start3A_433 : memref<1x64xi32, #tpu.memory_space<vmem>> -> memref<64xi32, #tpu.memory_space<vmem>>
      %dma_start3A_435 = arith.constant 0 : i32
      %dma_start3A_436 = arith.constant 0 : i32
      %dma_start3A_437 = tpu.memref_slice %arg15[%dma_start3A_435, %dma_start3A_436] : memref<10240x128xf32, #tpu.memory_space<vmem_shared>> -> memref<10240x128xf32, #tpu.memory_space<vmem_shared>>
      tpu.enqueue_indirect_dma source(%arg13 : memref<64x128xf32, #tpu.memory_space<vmem>>) target(%dma_start3A_437 : memref<10240x128xf32, #tpu.memory_space<vmem_shared>>) offsets(%dma_start3A_434 : memref<64xi32, #tpu.memory_space<vmem>>) semaphore(%run_scoped3A_431 : memref<!tpu.dma_semaphore, #tpu.memory_space<semaphore_mem>>)
      %dma_wait3A_438 = arith.constant 0 : i32
      %dma_wait3A_439 = tpu.memref_slice %arg12[%run_scoped3A_221, %dma_wait3A_438] : memref<10x64xi32, #tpu.memory_space<vmem>> -> memref<1x64xi32, #tpu.memory_space<vmem>>
      %dma_wait3A_440 = tpu.memref_squeeze %dma_wait3A_439 : memref<1x64xi32, #tpu.memory_space<vmem>> -> memref<64xi32, #tpu.memory_space<vmem>>
      %dma_wait3A_441 = arith.constant 0 : i32
      %dma_wait3A_442 = arith.constant 0 : i32
      %dma_wait3A_443 = tpu.memref_slice %arg15[%dma_wait3A_441, %dma_wait3A_442] : memref<10240x128xf32, #tpu.memory_space<vmem_shared>> -> memref<10240x128xf32, #tpu.memory_space<vmem_shared>>
      tpu.wait_indirect_dma semaphore(%run_scoped3A_431 : memref<!tpu.dma_semaphore, #tpu.memory_space<semaphore_mem>>) src(%arg13 : memref<64x128xf32, #tpu.memory_space<vmem>>) dst(%dma_wait3A_443 : memref<10240x128xf32, #tpu.memory_space<vmem_shared>>)
      tpu.yield
    }) : () -> ()
    %run_scoped3A_222 = arith.constant 8 : i32
    "tpu.region"() ({
      %run_scoped3A_431 = tpu.sem_alloc : memref<!tpu.dma_semaphore, #tpu.memory_space<semaphore_mem>>
      %dma_start3A_432 = arith.constant 0 : i32
      %dma_start3A_433 = tpu.memref_slice %arg12[%run_scoped3A_222, %dma_start3A_432] : memref<10x64xi32, #tpu.memory_space<vmem>> -> memref<1x64xi32, #tpu.memory_space<vmem>>
      %dma_start3A_434 = tpu.memref_squeeze %dma_start3A_433 : memref<1x64xi32, #tpu.memory_space<vmem>> -> memref<64xi32, #tpu.memory_space<vmem>>
      %dma_start3A_435 = arith.constant 0 : i32
      %dma_start3A_436 = arith.constant 0 : i32
      %dma_start3A_437 = tpu.memref_slice %arg15[%dma_start3A_435, %dma_start3A_436] : memref<10240x128xf32, #tpu.memory_space<vmem_shared>> -> memref<10240x128xf32, #tpu.memory_space<vmem_shared>>
      tpu.enqueue_indirect_dma source(%arg13 : memref<64x128xf32, #tpu.memory_space<vmem>>) target(%dma_start3A_437 : memref<10240x128xf32, #tpu.memory_space<vmem_shared>>) offsets(%dma_start3A_434 : memref<64xi32, #tpu.memory_space<vmem>>) semaphore(%run_scoped3A_431 : memref<!tpu.dma_semaphore, #tpu.memory_space<semaphore_mem>>)
      %dma_wait3A_438 = arith.constant 0 : i32
      %dma_wait3A_439 = tpu.memref_slice %arg12[%run_scoped3A_222, %dma_wait3A_438] : memref<10x64xi32, #tpu.memory_space<vmem>> -> memref<1x64xi32, #tpu.memory_space<vmem>>
      %dma_wait3A_440 = tpu.memref_squeeze %dma_wait3A_439 : memref<1x64xi32, #tpu.memory_space<vmem>> -> memref<64xi32, #tpu.memory_space<vmem>>
      %dma_wait3A_441 = arith.constant 0 : i32
      %dma_wait3A_442 = arith.constant 0 : i32
      %dma_wait3A_443 = tpu.memref_slice %arg15[%dma_wait3A_441, %dma_wait3A_442] : memref<10240x128xf32, #tpu.memory_space<vmem_shared>> -> memref<10240x128xf32, #tpu.memory_space<vmem_shared>>
      tpu.wait_indirect_dma semaphore(%run_scoped3A_431 : memref<!tpu.dma_semaphore, #tpu.memory_space<semaphore_mem>>) src(%arg13 : memref<64x128xf32, #tpu.memory_space<vmem>>) dst(%dma_wait3A_443 : memref<10240x128xf32, #tpu.memory_space<vmem_shared>>)
      tpu.yield
    }) : () -> ()
    %run_scoped3A_223 = arith.constant 9 : i32
    "tpu.region"() ({
      %run_scoped3A_431 = tpu.sem_alloc : memref<!tpu.dma_semaphore, #tpu.memory_space<semaphore_mem>>
      %dma_start3A_432 = arith.constant 0 : i32
      %dma_start3A_433 = tpu.memref_slice %arg12[%run_scoped3A_223, %dma_start3A_432] : memref<10x64xi32, #tpu.memory_space<vmem>> -> memref<1x64xi32, #tpu.memory_space<vmem>>
      %dma_start3A_434 = tpu.memref_squeeze %dma_start3A_433 : memref<1x64xi32, #tpu.memory_space<vmem>> -> memref<64xi32, #tpu.memory_space<vmem>>
      %dma_start3A_435 = arith.constant 0 : i32
      %dma_start3A_436 = arith.constant 0 : i32
      %dma_start3A_437 = tpu.memref_slice %arg15[%dma_start3A_435, %dma_start3A_436] : memref<10240x128xf32, #tpu.memory_space<vmem_shared>> -> memref<10240x128xf32, #tpu.memory_space<vmem_shared>>
      tpu.enqueue_indirect_dma source(%arg13 : memref<64x128xf32, #tpu.memory_space<vmem>>) target(%dma_start3A_437 : memref<10240x128xf32, #tpu.memory_space<vmem_shared>>) offsets(%dma_start3A_434 : memref<64xi32, #tpu.memory_space<vmem>>) semaphore(%run_scoped3A_431 : memref<!tpu.dma_semaphore, #tpu.memory_space<semaphore_mem>>)
      %dma_wait3A_438 = arith.constant 0 : i32
      %dma_wait3A_439 = tpu.memref_slice %arg12[%run_scoped3A_223, %dma_wait3A_438] : memref<10x64xi32, #tpu.memory_space<vmem>> -> memref<1x64xi32, #tpu.memory_space<vmem>>
      %dma_wait3A_440 = tpu.memref_squeeze %dma_wait3A_439 : memref<1x64xi32, #tpu.memory_space<vmem>> -> memref<64xi32, #tpu.memory_space<vmem>>
      %dma_wait3A_441 = arith.constant 0 : i32
      %dma_wait3A_442 = arith.constant 0 : i32
      %dma_wait3A_443 = tpu.memref_slice %arg15[%dma_wait3A_441, %dma_wait3A_442] : memref<10240x128xf32, #tpu.memory_space<vmem_shared>> -> memref<10240x128xf32, #tpu.memory_space<vmem_shared>>
      tpu.wait_indirect_dma semaphore(%run_scoped3A_431 : memref<!tpu.dma_semaphore, #tpu.memory_space<semaphore_mem>>) src(%arg13 : memref<64x128xf32, #tpu.memory_space<vmem>>) dst(%dma_wait3A_443 : memref<10240x128xf32, #tpu.memory_space<vmem_shared>>)
      tpu.yield
    }) : () -> ()
    %barrier3A_224 = arith.constant 0 : index
    tpu.barrier barrier_id(%barrier3A_224)
    "tpu.region"() ({
      %run_scoped3A_431 = tpu.sem_alloc : memref<!tpu.dma_semaphore, #tpu.memory_space<semaphore_mem>>
      tpu.enqueue_dma source(%arg7 : memref<64x128xf32, #tpu.memory_space<hbm>>) target(%arg13 : memref<64x128xf32, #tpu.memory_space<vmem>>) target_semaphore(%run_scoped3A_431 : memref<!tpu.dma_semaphore, #tpu.memory_space<semaphore_mem>>)
      tpu.wait_dma2 semaphore(%run_scoped3A_431 : memref<!tpu.dma_semaphore, #tpu.memory_space<semaphore_mem>>) src(%arg7 : memref<64x128xf32, #tpu.memory_space<hbm>>) dst(%arg13 : memref<64x128xf32, #tpu.memory_space<vmem>>)
      tpu.yield
    }) : () -> ()
    %scan3A_225 = arith.constant 0 : i32
    %scan3A_226 = arith.constant 20 : i32
    %scan3A_227 = arith.addi %scan3A_225, %scan3A_226 : i32
    %scan3A_228 = arith.constant 1 : i32
    scf.for %scan3A_431 = %scan3A_225 to %scan3A_227 step %scan3A_228  : i32 {
      %mul3A_432 = arith.constant 1 : i32
      %mul3A_433 = arith.muli %scan3A_431, %mul3A_432 : i32
      %add3A_434 = arith.constant 0 : i32
      %add3A_435 = arith.addi %add3A_434, %mul3A_433 : i32
      %mul3A_436 = arith.constant 160 : i32
      %mul3A_437 = arith.muli %add3A, %mul3A_436 : i32
      %mul3A_438 = arith.constant 8 : i32
      %mul3A_439 = arith.muli %add3A_435, %mul3A_438 : i32
      %add3A_440 = arith.addi %mul3A_437, %mul3A_439 : i32
      "tpu.region"() ({
        %run_scoped3A_449 = tpu.sem_alloc : memref<!tpu.dma_semaphore, #tpu.memory_space<semaphore_mem>>
        %dma_start3A_450 = arith.constant 0 : i32
        %dma_start3A_451 = tpu.memref_slice %arg4[%add3A_440, %dma_start3A_450] : memref<5120x64xi32, #tpu.memory_space<hbm>> -> memref<8x64xi32, #tpu.memory_space<hbm>>
        %dma_start3A_452 = arith.constant 0 : i32
        %dma_start3A_453 = tpu.memref_slice %arg4[%add3A_440, %dma_start3A_452] : memref<5120x64xi32, #tpu.memory_space<hbm>> -> memref<8x64xi32, #tpu.memory_space<hbm>>
        tpu.enqueue_dma source(%dma_start3A_453 : memref<8x64xi32, #tpu.memory_space<hbm>>) target(%arg11 : memref<8x64xi32, #tpu.memory_space<vmem>>) target_semaphore(%run_scoped3A_449 : memref<!tpu.dma_semaphore, #tpu.memory_space<semaphore_mem>>)
        %dma_wait3A_454 = arith.constant 0 : i32
        %dma_wait3A_455 = tpu.memref_slice %arg4[%add3A_440, %dma_wait3A_454] : memref<5120x64xi32, #tpu.memory_space<hbm>> -> memref<8x64xi32, #tpu.memory_space<hbm>>
        %dma_wait3A_456 = arith.constant 0 : i32
        %dma_wait3A_457 = tpu.memref_slice %arg4[%add3A_440, %dma_wait3A_456] : memref<5120x64xi32, #tpu.memory_space<hbm>> -> memref<8x64xi32, #tpu.memory_space<hbm>>
        tpu.wait_dma2 semaphore(%run_scoped3A_449 : memref<!tpu.dma_semaphore, #tpu.memory_space<semaphore_mem>>) src(%dma_wait3A_457 : memref<8x64xi32, #tpu.memory_space<hbm>>) dst(%arg11 : memref<8x64xi32, #tpu.memory_space<vmem>>)
        tpu.yield
      }) : () -> ()
      %run_scoped3A_441 = arith.constant 0 : i32
      "tpu.region"() ({
        %run_scoped3A_449 = tpu.sem_alloc : memref<!tpu.dma_semaphore, #tpu.memory_space<semaphore_mem>>
        %dma_start3A_450 = arith.constant 0 : i32
        %dma_start3A_451 = tpu.memref_slice %arg11[%run_scoped3A_441, %dma_start3A_450] : memref<8x64xi32, #tpu.memory_space<vmem>> -> memref<1x64xi32, #tpu.memory_space<vmem>>
        %dma_start3A_452 = tpu.memref_squeeze %dma_start3A_451 : memref<1x64xi32, #tpu.memory_space<vmem>> -> memref<64xi32, #tpu.memory_space<vmem>>
        %dma_start3A_453 = arith.constant 0 : i32
        %dma_start3A_454 = arith.constant 0 : i32
        %dma_start3A_455 = tpu.memref_slice %arg15[%dma_start3A_453, %dma_start3A_454] : memref<10240x128xf32, #tpu.memory_space<vmem_shared>> -> memref<10240x128xf32, #tpu.memory_space<vmem_shared>>
        tpu.enqueue_indirect_dma source(%arg13 : memref<64x128xf32, #tpu.memory_space<vmem>>) target(%dma_start3A_455 : memref<10240x128xf32, #tpu.memory_space<vmem_shared>>) offsets(%dma_start3A_452 : memref<64xi32, #tpu.memory_space<vmem>>) semaphore(%run_scoped3A_449 : memref<!tpu.dma_semaphore, #tpu.memory_space<semaphore_mem>>) {add = true}
        %dma_wait3A_456 = arith.constant 0 : i32
        %dma_wait3A_457 = tpu.memref_slice %arg11[%run_scoped3A_441, %dma_wait3A_456] : memref<8x64xi32, #tpu.memory_space<vmem>> -> memref<1x64xi32, #tpu.memory_space<vmem>>
        %dma_wait3A_458 = tpu.memref_squeeze %dma_wait3A_457 : memref<1x64xi32, #tpu.memory_space<vmem>> -> memref<64xi32, #tpu.memory_space<vmem>>
        %dma_wait3A_459 = arith.constant 0 : i32
        %dma_wait3A_460 = arith.constant 0 : i32
        %dma_wait3A_461 = tpu.memref_slice %arg15[%dma_wait3A_459, %dma_wait3A_460] : memref<10240x128xf32, #tpu.memory_space<vmem_shared>> -> memref<10240x128xf32, #tpu.memory_space<vmem_shared>>
        tpu.wait_indirect_dma semaphore(%run_scoped3A_449 : memref<!tpu.dma_semaphore, #tpu.memory_space<semaphore_mem>>) src(%arg13 : memref<64x128xf32, #tpu.memory_space<vmem>>) dst(%dma_wait3A_461 : memref<10240x128xf32, #tpu.memory_space<vmem_shared>>)
        tpu.yield
      }) : () -> ()
      %run_scoped3A_442 = arith.constant 1 : i32
      "tpu.region"() ({
        %run_scoped3A_449 = tpu.sem_alloc : memref<!tpu.dma_semaphore, #tpu.memory_space<semaphore_mem>>
        %dma_start3A_450 = arith.constant 0 : i32
        %dma_start3A_451 = tpu.memref_slice %arg11[%run_scoped3A_442, %dma_start3A_450] : memref<8x64xi32, #tpu.memory_space<vmem>> -> memref<1x64xi32, #tpu.memory_space<vmem>>
        %dma_start3A_452 = tpu.memref_squeeze %dma_start3A_451 : memref<1x64xi32, #tpu.memory_space<vmem>> -> memref<64xi32, #tpu.memory_space<vmem>>
        %dma_start3A_453 = arith.constant 0 : i32
        %dma_start3A_454 = arith.constant 0 : i32
        %dma_start3A_455 = tpu.memref_slice %arg15[%dma_start3A_453, %dma_start3A_454] : memref<10240x128xf32, #tpu.memory_space<vmem_shared>> -> memref<10240x128xf32, #tpu.memory_space<vmem_shared>>
        tpu.enqueue_indirect_dma source(%arg13 : memref<64x128xf32, #tpu.memory_space<vmem>>) target(%dma_start3A_455 : memref<10240x128xf32, #tpu.memory_space<vmem_shared>>) offsets(%dma_start3A_452 : memref<64xi32, #tpu.memory_space<vmem>>) semaphore(%run_scoped3A_449 : memref<!tpu.dma_semaphore, #tpu.memory_space<semaphore_mem>>) {add = true}
        %dma_wait3A_456 = arith.constant 0 : i32
        %dma_wait3A_457 = tpu.memref_slice %arg11[%run_scoped3A_442, %dma_wait3A_456] : memref<8x64xi32, #tpu.memory_space<vmem>> -> memref<1x64xi32, #tpu.memory_space<vmem>>
        %dma_wait3A_458 = tpu.memref_squeeze %dma_wait3A_457 : memref<1x64xi32, #tpu.memory_space<vmem>> -> memref<64xi32, #tpu.memory_space<vmem>>
        %dma_wait3A_459 = arith.constant 0 : i32
        %dma_wait3A_460 = arith.constant 0 : i32
        %dma_wait3A_461 = tpu.memref_slice %arg15[%dma_wait3A_459, %dma_wait3A_460] : memref<10240x128xf32, #tpu.memory_space<vmem_shared>> -> memref<10240x128xf32, #tpu.memory_space<vmem_shared>>
        tpu.wait_indirect_dma semaphore(%run_scoped3A_449 : memref<!tpu.dma_semaphore, #tpu.memory_space<semaphore_mem>>) src(%arg13 : memref<64x128xf32, #tpu.memory_space<vmem>>) dst(%dma_wait3A_461 : memref<10240x128xf32, #tpu.memory_space<vmem_shared>>)
        tpu.yield
      }) : () -> ()
      %run_scoped3A_443 = arith.constant 2 : i32
      "tpu.region"() ({
        %run_scoped3A_449 = tpu.sem_alloc : memref<!tpu.dma_semaphore, #tpu.memory_space<semaphore_mem>>
        %dma_start3A_450 = arith.constant 0 : i32
        %dma_start3A_451 = tpu.memref_slice %arg11[%run_scoped3A_443, %dma_start3A_450] : memref<8x64xi32, #tpu.memory_space<vmem>> -> memref<1x64xi32, #tpu.memory_space<vmem>>
        %dma_start3A_452 = tpu.memref_squeeze %dma_start3A_451 : memref<1x64xi32, #tpu.memory_space<vmem>> -> memref<64xi32, #tpu.memory_space<vmem>>
        %dma_start3A_453 = arith.constant 0 : i32
        %dma_start3A_454 = arith.constant 0 : i32
        %dma_start3A_455 = tpu.memref_slice %arg15[%dma_start3A_453, %dma_start3A_454] : memref<10240x128xf32, #tpu.memory_space<vmem_shared>> -> memref<10240x128xf32, #tpu.memory_space<vmem_shared>>
        tpu.enqueue_indirect_dma source(%arg13 : memref<64x128xf32, #tpu.memory_space<vmem>>) target(%dma_start3A_455 : memref<10240x128xf32, #tpu.memory_space<vmem_shared>>) offsets(%dma_start3A_452 : memref<64xi32, #tpu.memory_space<vmem>>) semaphore(%run_scoped3A_449 : memref<!tpu.dma_semaphore, #tpu.memory_space<semaphore_mem>>) {add = true}
        %dma_wait3A_456 = arith.constant 0 : i32
        %dma_wait3A_457 = tpu.memref_slice %arg11[%run_scoped3A_443, %dma_wait3A_456] : memref<8x64xi32, #tpu.memory_space<vmem>> -> memref<1x64xi32, #tpu.memory_space<vmem>>
        %dma_wait3A_458 = tpu.memref_squeeze %dma_wait3A_457 : memref<1x64xi32, #tpu.memory_space<vmem>> -> memref<64xi32, #tpu.memory_space<vmem>>
        %dma_wait3A_459 = arith.constant 0 : i32
        %dma_wait3A_460 = arith.constant 0 : i32
        %dma_wait3A_461 = tpu.memref_slice %arg15[%dma_wait3A_459, %dma_wait3A_460] : memref<10240x128xf32, #tpu.memory_space<vmem_shared>> -> memref<10240x128xf32, #tpu.memory_space<vmem_shared>>
        tpu.wait_indirect_dma semaphore(%run_scoped3A_449 : memref<!tpu.dma_semaphore, #tpu.memory_space<semaphore_mem>>) src(%arg13 : memref<64x128xf32, #tpu.memory_space<vmem>>) dst(%dma_wait3A_461 : memref<10240x128xf32, #tpu.memory_space<vmem_shared>>)
        tpu.yield
      }) : () -> ()
      %run_scoped3A_444 = arith.constant 3 : i32
      "tpu.region"() ({
        %run_scoped3A_449 = tpu.sem_alloc : memref<!tpu.dma_semaphore, #tpu.memory_space<semaphore_mem>>
        %dma_start3A_450 = arith.constant 0 : i32
        %dma_start3A_451 = tpu.memref_slice %arg11[%run_scoped3A_444, %dma_start3A_450] : memref<8x64xi32, #tpu.memory_space<vmem>> -> memref<1x64xi32, #tpu.memory_space<vmem>>
        %dma_start3A_452 = tpu.memref_squeeze %dma_start3A_451 : memref<1x64xi32, #tpu.memory_space<vmem>> -> memref<64xi32, #tpu.memory_space<vmem>>
        %dma_start3A_453 = arith.constant 0 : i32
        %dma_start3A_454 = arith.constant 0 : i32
        %dma_start3A_455 = tpu.memref_slice %arg15[%dma_start3A_453, %dma_start3A_454] : memref<10240x128xf32, #tpu.memory_space<vmem_shared>> -> memref<10240x128xf32, #tpu.memory_space<vmem_shared>>
        tpu.enqueue_indirect_dma source(%arg13 : memref<64x128xf32, #tpu.memory_space<vmem>>) target(%dma_start3A_455 : memref<10240x128xf32, #tpu.memory_space<vmem_shared>>) offsets(%dma_start3A_452 : memref<64xi32, #tpu.memory_space<vmem>>) semaphore(%run_scoped3A_449 : memref<!tpu.dma_semaphore, #tpu.memory_space<semaphore_mem>>) {add = true}
        %dma_wait3A_456 = arith.constant 0 : i32
        %dma_wait3A_457 = tpu.memref_slice %arg11[%run_scoped3A_444, %dma_wait3A_456] : memref<8x64xi32, #tpu.memory_space<vmem>> -> memref<1x64xi32, #tpu.memory_space<vmem>>
        %dma_wait3A_458 = tpu.memref_squeeze %dma_wait3A_457 : memref<1x64xi32, #tpu.memory_space<vmem>> -> memref<64xi32, #tpu.memory_space<vmem>>
        %dma_wait3A_459 = arith.constant 0 : i32
        %dma_wait3A_460 = arith.constant 0 : i32
        %dma_wait3A_461 = tpu.memref_slice %arg15[%dma_wait3A_459, %dma_wait3A_460] : memref<10240x128xf32, #tpu.memory_space<vmem_shared>> -> memref<10240x128xf32, #tpu.memory_space<vmem_shared>>
        tpu.wait_indirect_dma semaphore(%run_scoped3A_449 : memref<!tpu.dma_semaphore, #tpu.memory_space<semaphore_mem>>) src(%arg13 : memref<64x128xf32, #tpu.memory_space<vmem>>) dst(%dma_wait3A_461 : memref<10240x128xf32, #tpu.memory_space<vmem_shared>>)
        tpu.yield
      }) : () -> ()
      %run_scoped3A_445 = arith.constant 4 : i32
      "tpu.region"() ({
        %run_scoped3A_449 = tpu.sem_alloc : memref<!tpu.dma_semaphore, #tpu.memory_space<semaphore_mem>>
        %dma_start3A_450 = arith.constant 0 : i32
        %dma_start3A_451 = tpu.memref_slice %arg11[%run_scoped3A_445, %dma_start3A_450] : memref<8x64xi32, #tpu.memory_space<vmem>> -> memref<1x64xi32, #tpu.memory_space<vmem>>
        %dma_start3A_452 = tpu.memref_squeeze %dma_start3A_451 : memref<1x64xi32, #tpu.memory_space<vmem>> -> memref<64xi32, #tpu.memory_space<vmem>>
        %dma_start3A_453 = arith.constant 0 : i32
        %dma_start3A_454 = arith.constant 0 : i32
        %dma_start3A_455 = tpu.memref_slice %arg15[%dma_start3A_453, %dma_start3A_454] : memref<10240x128xf32, #tpu.memory_space<vmem_shared>> -> memref<10240x128xf32, #tpu.memory_space<vmem_shared>>
        tpu.enqueue_indirect_dma source(%arg13 : memref<64x128xf32, #tpu.memory_space<vmem>>) target(%dma_start3A_455 : memref<10240x128xf32, #tpu.memory_space<vmem_shared>>) offsets(%dma_start3A_452 : memref<64xi32, #tpu.memory_space<vmem>>) semaphore(%run_scoped3A_449 : memref<!tpu.dma_semaphore, #tpu.memory_space<semaphore_mem>>) {add = true}
        %dma_wait3A_456 = arith.constant 0 : i32
        %dma_wait3A_457 = tpu.memref_slice %arg11[%run_scoped3A_445, %dma_wait3A_456] : memref<8x64xi32, #tpu.memory_space<vmem>> -> memref<1x64xi32, #tpu.memory_space<vmem>>
        %dma_wait3A_458 = tpu.memref_squeeze %dma_wait3A_457 : memref<1x64xi32, #tpu.memory_space<vmem>> -> memref<64xi32, #tpu.memory_space<vmem>>
        %dma_wait3A_459 = arith.constant 0 : i32
        %dma_wait3A_460 = arith.constant 0 : i32
        %dma_wait3A_461 = tpu.memref_slice %arg15[%dma_wait3A_459, %dma_wait3A_460] : memref<10240x128xf32, #tpu.memory_space<vmem_shared>> -> memref<10240x128xf32, #tpu.memory_space<vmem_shared>>
        tpu.wait_indirect_dma semaphore(%run_scoped3A_449 : memref<!tpu.dma_semaphore, #tpu.memory_space<semaphore_mem>>) src(%arg13 : memref<64x128xf32, #tpu.memory_space<vmem>>) dst(%dma_wait3A_461 : memref<10240x128xf32, #tpu.memory_space<vmem_shared>>)
        tpu.yield
      }) : () -> ()
      %run_scoped3A_446 = arith.constant 5 : i32
      "tpu.region"() ({
        %run_scoped3A_449 = tpu.sem_alloc : memref<!tpu.dma_semaphore, #tpu.memory_space<semaphore_mem>>
        %dma_start3A_450 = arith.constant 0 : i32
        %dma_start3A_451 = tpu.memref_slice %arg11[%run_scoped3A_446, %dma_start3A_450] : memref<8x64xi32, #tpu.memory_space<vmem>> -> memref<1x64xi32, #tpu.memory_space<vmem>>
        %dma_start3A_452 = tpu.memref_squeeze %dma_start3A_451 : memref<1x64xi32, #tpu.memory_space<vmem>> -> memref<64xi32, #tpu.memory_space<vmem>>
        %dma_start3A_453 = arith.constant 0 : i32
        %dma_start3A_454 = arith.constant 0 : i32
        %dma_start3A_455 = tpu.memref_slice %arg15[%dma_start3A_453, %dma_start3A_454] : memref<10240x128xf32, #tpu.memory_space<vmem_shared>> -> memref<10240x128xf32, #tpu.memory_space<vmem_shared>>
        tpu.enqueue_indirect_dma source(%arg13 : memref<64x128xf32, #tpu.memory_space<vmem>>) target(%dma_start3A_455 : memref<10240x128xf32, #tpu.memory_space<vmem_shared>>) offsets(%dma_start3A_452 : memref<64xi32, #tpu.memory_space<vmem>>) semaphore(%run_scoped3A_449 : memref<!tpu.dma_semaphore, #tpu.memory_space<semaphore_mem>>) {add = true}
        %dma_wait3A_456 = arith.constant 0 : i32
        %dma_wait3A_457 = tpu.memref_slice %arg11[%run_scoped3A_446, %dma_wait3A_456] : memref<8x64xi32, #tpu.memory_space<vmem>> -> memref<1x64xi32, #tpu.memory_space<vmem>>
        %dma_wait3A_458 = tpu.memref_squeeze %dma_wait3A_457 : memref<1x64xi32, #tpu.memory_space<vmem>> -> memref<64xi32, #tpu.memory_space<vmem>>
        %dma_wait3A_459 = arith.constant 0 : i32
        %dma_wait3A_460 = arith.constant 0 : i32
        %dma_wait3A_461 = tpu.memref_slice %arg15[%dma_wait3A_459, %dma_wait3A_460] : memref<10240x128xf32, #tpu.memory_space<vmem_shared>> -> memref<10240x128xf32, #tpu.memory_space<vmem_shared>>
        tpu.wait_indirect_dma semaphore(%run_scoped3A_449 : memref<!tpu.dma_semaphore, #tpu.memory_space<semaphore_mem>>) src(%arg13 : memref<64x128xf32, #tpu.memory_space<vmem>>) dst(%dma_wait3A_461 : memref<10240x128xf32, #tpu.memory_space<vmem_shared>>)
        tpu.yield
      }) : () -> ()
      %run_scoped3A_447 = arith.constant 6 : i32
      "tpu.region"() ({
        %run_scoped3A_449 = tpu.sem_alloc : memref<!tpu.dma_semaphore, #tpu.memory_space<semaphore_mem>>
        %dma_start3A_450 = arith.constant 0 : i32
        %dma_start3A_451 = tpu.memref_slice %arg11[%run_scoped3A_447, %dma_start3A_450] : memref<8x64xi32, #tpu.memory_space<vmem>> -> memref<1x64xi32, #tpu.memory_space<vmem>>
        %dma_start3A_452 = tpu.memref_squeeze %dma_start3A_451 : memref<1x64xi32, #tpu.memory_space<vmem>> -> memref<64xi32, #tpu.memory_space<vmem>>
        %dma_start3A_453 = arith.constant 0 : i32
        %dma_start3A_454 = arith.constant 0 : i32
        %dma_start3A_455 = tpu.memref_slice %arg15[%dma_start3A_453, %dma_start3A_454] : memref<10240x128xf32, #tpu.memory_space<vmem_shared>> -> memref<10240x128xf32, #tpu.memory_space<vmem_shared>>
        tpu.enqueue_indirect_dma source(%arg13 : memref<64x128xf32, #tpu.memory_space<vmem>>) target(%dma_start3A_455 : memref<10240x128xf32, #tpu.memory_space<vmem_shared>>) offsets(%dma_start3A_452 : memref<64xi32, #tpu.memory_space<vmem>>) semaphore(%run_scoped3A_449 : memref<!tpu.dma_semaphore, #tpu.memory_space<semaphore_mem>>) {add = true}
        %dma_wait3A_456 = arith.constant 0 : i32
        %dma_wait3A_457 = tpu.memref_slice %arg11[%run_scoped3A_447, %dma_wait3A_456] : memref<8x64xi32, #tpu.memory_space<vmem>> -> memref<1x64xi32, #tpu.memory_space<vmem>>
        %dma_wait3A_458 = tpu.memref_squeeze %dma_wait3A_457 : memref<1x64xi32, #tpu.memory_space<vmem>> -> memref<64xi32, #tpu.memory_space<vmem>>
        %dma_wait3A_459 = arith.constant 0 : i32
        %dma_wait3A_460 = arith.constant 0 : i32
        %dma_wait3A_461 = tpu.memref_slice %arg15[%dma_wait3A_459, %dma_wait3A_460] : memref<10240x128xf32, #tpu.memory_space<vmem_shared>> -> memref<10240x128xf32, #tpu.memory_space<vmem_shared>>
        tpu.wait_indirect_dma semaphore(%run_scoped3A_449 : memref<!tpu.dma_semaphore, #tpu.memory_space<semaphore_mem>>) src(%arg13 : memref<64x128xf32, #tpu.memory_space<vmem>>) dst(%dma_wait3A_461 : memref<10240x128xf32, #tpu.memory_space<vmem_shared>>)
        tpu.yield
      }) : () -> ()
      %run_scoped3A_448 = arith.constant 7 : i32
      "tpu.region"() ({
        %run_scoped3A_449 = tpu.sem_alloc : memref<!tpu.dma_semaphore, #tpu.memory_space<semaphore_mem>>
        %dma_start3A_450 = arith.constant 0 : i32
        %dma_start3A_451 = tpu.memref_slice %arg11[%run_scoped3A_448, %dma_start3A_450] : memref<8x64xi32, #tpu.memory_space<vmem>> -> memref<1x64xi32, #tpu.memory_space<vmem>>
        %dma_start3A_452 = tpu.memref_squeeze %dma_start3A_451 : memref<1x64xi32, #tpu.memory_space<vmem>> -> memref<64xi32, #tpu.memory_space<vmem>>
        %dma_start3A_453 = arith.constant 0 : i32
        %dma_start3A_454 = arith.constant 0 : i32
        %dma_start3A_455 = tpu.memref_slice %arg15[%dma_start3A_453, %dma_start3A_454] : memref<10240x128xf32, #tpu.memory_space<vmem_shared>> -> memref<10240x128xf32, #tpu.memory_space<vmem_shared>>
        tpu.enqueue_indirect_dma source(%arg13 : memref<64x128xf32, #tpu.memory_space<vmem>>) target(%dma_start3A_455 : memref<10240x128xf32, #tpu.memory_space<vmem_shared>>) offsets(%dma_start3A_452 : memref<64xi32, #tpu.memory_space<vmem>>) semaphore(%run_scoped3A_449 : memref<!tpu.dma_semaphore, #tpu.memory_space<semaphore_mem>>) {add = true}
        %dma_wait3A_456 = arith.constant 0 : i32
        %dma_wait3A_457 = tpu.memref_slice %arg11[%run_scoped3A_448, %dma_wait3A_456] : memref<8x64xi32, #tpu.memory_space<vmem>> -> memref<1x64xi32, #tpu.memory_space<vmem>>
        %dma_wait3A_458 = tpu.memref_squeeze %dma_wait3A_457 : memref<1x64xi32, #tpu.memory_space<vmem>> -> memref<64xi32, #tpu.memory_space<vmem>>
        %dma_wait3A_459 = arith.constant 0 : i32
        %dma_wait3A_460 = arith.constant 0 : i32
        %dma_wait3A_461 = tpu.memref_slice %arg15[%dma_wait3A_459, %dma_wait3A_460] : memref<10240x128xf32, #tpu.memory_space<vmem_shared>> -> memref<10240x128xf32, #tpu.memory_space<vmem_shared>>
        tpu.wait_indirect_dma semaphore(%run_scoped3A_449 : memref<!tpu.dma_semaphore, #tpu.memory_space<semaphore_mem>>) src(%arg13 : memref<64x128xf32, #tpu.memory_space<vmem>>) dst(%dma_wait3A_461 : memref<10240x128xf32, #tpu.memory_space<vmem_shared>>)
        tpu.yield
      }) : () -> ()
    }
    %scan3A_229 = arith.constant 20 : i32
    %barrier3A_230 = arith.constant 0 : index
    tpu.barrier barrier_id(%barrier3A_230)
    %mul3A_231 = arith.constant 10 : i32
    %mul3A_232 = arith.muli %arg1, %mul3A_231 : i32
    %add3A_233 = arith.constant 0 : i32
    %add3A_234 = arith.addi %mul3A_232, %add3A_233 : i32
    %mul3A_235 = arith.constant 64 : i32
    %mul3A_236 = arith.muli %add3A_234, %mul3A_235 : i32
    %dma_start3A_237 = arith.constant 0 : i32
    %dma_start3A_238 = arith.constant 0 : i32
    %dma_start3A_239 = tpu.memref_slice %arg12[%dma_start3A_237, %dma_start3A_238] : memref<10x64xi32, #tpu.memory_space<vmem>> -> memref<1x64xi32, #tpu.memory_space<vmem>>
    %dma_start3A_240 = tpu.memref_squeeze %dma_start3A_239 : memref<1x64xi32, #tpu.memory_space<vmem>> -> memref<64xi32, #tpu.memory_space<vmem>>
    %dma_start3A_241 = arith.constant 0 : i32
    %dma_start3A_242 = arith.constant 0 : i32
    %dma_start3A_243 = tpu.memref_slice %arg15[%dma_start3A_241, %dma_start3A_242] : memref<10240x128xf32, #tpu.memory_space<vmem_shared>> -> memref<10240x128xf32, #tpu.memory_space<vmem_shared>>
    tpu.enqueue_indirect_dma source(%dma_start3A_243 : memref<10240x128xf32, #tpu.memory_space<vmem_shared>>) target(%arg13 : memref<64x128xf32, #tpu.memory_space<vmem>>) offsets(%dma_start3A_240 : memref<64xi32, #tpu.memory_space<vmem>>) semaphore(%arg16 : memref<!tpu.dma_semaphore, #tpu.memory_space<semaphore_mem>>)
    %dma_wait3A_244 = arith.constant 0 : i32
    %dma_wait3A_245 = arith.constant 0 : i32
    %dma_wait3A_246 = tpu.memref_slice %arg12[%dma_wait3A_244, %dma_wait3A_245] : memref<10x64xi32, #tpu.memory_space<vmem>> -> memref<1x64xi32, #tpu.memory_space<vmem>>
    %dma_wait3A_247 = tpu.memref_squeeze %dma_wait3A_246 : memref<1x64xi32, #tpu.memory_space<vmem>> -> memref<64xi32, #tpu.memory_space<vmem>>
    %dma_wait3A_248 = arith.constant 0 : i32
    %dma_wait3A_249 = arith.constant 0 : i32
    %dma_wait3A_250 = tpu.memref_slice %arg15[%dma_wait3A_248, %dma_wait3A_249] : memref<10240x128xf32, #tpu.memory_space<vmem_shared>> -> memref<10240x128xf32, #tpu.memory_space<vmem_shared>>
    tpu.wait_indirect_dma semaphore(%arg16 : memref<!tpu.dma_semaphore, #tpu.memory_space<semaphore_mem>>) src(%dma_wait3A_250 : memref<10240x128xf32, #tpu.memory_space<vmem_shared>>) dst(%arg13 : memref<64x128xf32, #tpu.memory_space<vmem>>)
    "tpu.region"() ({
      %run_scoped3A_431 = tpu.sem_alloc : memref<!tpu.dma_semaphore, #tpu.memory_space<semaphore_mem>>
      %dma_start3A_432 = arith.constant 0 : i32
      %dma_start3A_433 = tpu.memref_slice %arg9[%arg0, %mul3A_236, %dma_start3A_432] : memref<2x10240x128xf32, #tpu.memory_space<hbm>> -> memref<1x64x128xf32, #tpu.memory_space<hbm>>
      %dma_start3A_434 = tpu.memref_squeeze %dma_start3A_433 : memref<1x64x128xf32, #tpu.memory_space<hbm>> -> memref<64x128xf32, #tpu.memory_space<hbm>>
      %dma_start3A_435 = arith.constant 0 : i32
      %dma_start3A_436 = tpu.memref_slice %arg9[%arg0, %mul3A_236, %dma_start3A_435] : memref<2x10240x128xf32, #tpu.memory_space<hbm>> -> memref<1x64x128xf32, #tpu.memory_space<hbm>>
      %dma_start3A_437 = tpu.memref_squeeze %dma_start3A_436 : memref<1x64x128xf32, #tpu.memory_space<hbm>> -> memref<64x128xf32, #tpu.memory_space<hbm>>
      tpu.enqueue_dma source(%arg13 : memref<64x128xf32, #tpu.memory_space<vmem>>) target(%dma_start3A_437 : memref<64x128xf32, #tpu.memory_space<hbm>>) target_semaphore(%run_scoped3A_431 : memref<!tpu.dma_semaphore, #tpu.memory_space<semaphore_mem>>)
      %dma_wait3A_438 = arith.constant 0 : i32
      %dma_wait3A_439 = tpu.memref_slice %arg9[%arg0, %mul3A_236, %dma_wait3A_438] : memref<2x10240x128xf32, #tpu.memory_space<hbm>> -> memref<1x64x128xf32, #tpu.memory_space<hbm>>
      %dma_wait3A_440 = tpu.memref_squeeze %dma_wait3A_439 : memref<1x64x128xf32, #tpu.memory_space<hbm>> -> memref<64x128xf32, #tpu.memory_space<hbm>>
      %dma_wait3A_441 = arith.constant 0 : i32
      %dma_wait3A_442 = tpu.memref_slice %arg9[%arg0, %mul3A_236, %dma_wait3A_441] : memref<2x10240x128xf32, #tpu.memory_space<hbm>> -> memref<1x64x128xf32, #tpu.memory_space<hbm>>
      %dma_wait3A_443 = tpu.memref_squeeze %dma_wait3A_442 : memref<1x64x128xf32, #tpu.memory_space<hbm>> -> memref<64x128xf32, #tpu.memory_space<hbm>>
      tpu.wait_dma2 semaphore(%run_scoped3A_431 : memref<!tpu.dma_semaphore, #tpu.memory_space<semaphore_mem>>) src(%arg13 : memref<64x128xf32, #tpu.memory_space<vmem>>) dst(%dma_wait3A_443 : memref<64x128xf32, #tpu.memory_space<hbm>>)
      tpu.yield
    }) : () -> ()
    %mul3A_251 = arith.constant 10 : i32
    %mul3A_252 = arith.muli %arg1, %mul3A_251 : i32
    %add3A_253 = arith.constant 1 : i32
    %add3A_254 = arith.addi %mul3A_252, %add3A_253 : i32
    %mul3A_255 = arith.constant 64 : i32
    %mul3A_256 = arith.muli %add3A_254, %mul3A_255 : i32
    %dma_start3A_257 = arith.constant 1 : i32
    %dma_start3A_258 = arith.constant 0 : i32
    %dma_start3A_259 = tpu.memref_slice %arg12[%dma_start3A_257, %dma_start3A_258] : memref<10x64xi32, #tpu.memory_space<vmem>> -> memref<1x64xi32, #tpu.memory_space<vmem>>
    %dma_start3A_260 = tpu.memref_squeeze %dma_start3A_259 : memref<1x64xi32, #tpu.memory_space<vmem>> -> memref<64xi32, #tpu.memory_space<vmem>>
    %dma_start3A_261 = arith.constant 0 : i32
    %dma_start3A_262 = arith.constant 0 : i32
    %dma_start3A_263 = tpu.memref_slice %arg15[%dma_start3A_261, %dma_start3A_262] : memref<10240x128xf32, #tpu.memory_space<vmem_shared>> -> memref<10240x128xf32, #tpu.memory_space<vmem_shared>>
    tpu.enqueue_indirect_dma source(%dma_start3A_263 : memref<10240x128xf32, #tpu.memory_space<vmem_shared>>) target(%arg13 : memref<64x128xf32, #tpu.memory_space<vmem>>) offsets(%dma_start3A_260 : memref<64xi32, #tpu.memory_space<vmem>>) semaphore(%arg16 : memref<!tpu.dma_semaphore, #tpu.memory_space<semaphore_mem>>)
    %dma_wait3A_264 = arith.constant 1 : i32
    %dma_wait3A_265 = arith.constant 0 : i32
    %dma_wait3A_266 = tpu.memref_slice %arg12[%dma_wait3A_264, %dma_wait3A_265] : memref<10x64xi32, #tpu.memory_space<vmem>> -> memref<1x64xi32, #tpu.memory_space<vmem>>
    %dma_wait3A_267 = tpu.memref_squeeze %dma_wait3A_266 : memref<1x64xi32, #tpu.memory_space<vmem>> -> memref<64xi32, #tpu.memory_space<vmem>>
    %dma_wait3A_268 = arith.constant 0 : i32
    %dma_wait3A_269 = arith.constant 0 : i32
    %dma_wait3A_270 = tpu.memref_slice %arg15[%dma_wait3A_268, %dma_wait3A_269] : memref<10240x128xf32, #tpu.memory_space<vmem_shared>> -> memref<10240x128xf32, #tpu.memory_space<vmem_shared>>
    tpu.wait_indirect_dma semaphore(%arg16 : memref<!tpu.dma_semaphore, #tpu.memory_space<semaphore_mem>>) src(%dma_wait3A_270 : memref<10240x128xf32, #tpu.memory_space<vmem_shared>>) dst(%arg13 : memref<64x128xf32, #tpu.memory_space<vmem>>)
    "tpu.region"() ({
      %run_scoped3A_431 = tpu.sem_alloc : memref<!tpu.dma_semaphore, #tpu.memory_space<semaphore_mem>>
      %dma_start3A_432 = arith.constant 0 : i32
      %dma_start3A_433 = tpu.memref_slice %arg9[%arg0, %mul3A_256, %dma_start3A_432] : memref<2x10240x128xf32, #tpu.memory_space<hbm>> -> memref<1x64x128xf32, #tpu.memory_space<hbm>>
      %dma_start3A_434 = tpu.memref_squeeze %dma_start3A_433 : memref<1x64x128xf32, #tpu.memory_space<hbm>> -> memref<64x128xf32, #tpu.memory_space<hbm>>
      %dma_start3A_435 = arith.constant 0 : i32
      %dma_start3A_436 = tpu.memref_slice %arg9[%arg0, %mul3A_256, %dma_start3A_435] : memref<2x10240x128xf32, #tpu.memory_space<hbm>> -> memref<1x64x128xf32, #tpu.memory_space<hbm>>
      %dma_start3A_437 = tpu.memref_squeeze %dma_start3A_436 : memref<1x64x128xf32, #tpu.memory_space<hbm>> -> memref<64x128xf32, #tpu.memory_space<hbm>>
      tpu.enqueue_dma source(%arg13 : memref<64x128xf32, #tpu.memory_space<vmem>>) target(%dma_start3A_437 : memref<64x128xf32, #tpu.memory_space<hbm>>) target_semaphore(%run_scoped3A_431 : memref<!tpu.dma_semaphore, #tpu.memory_space<semaphore_mem>>)
      %dma_wait3A_438 = arith.constant 0 : i32
      %dma_wait3A_439 = tpu.memref_slice %arg9[%arg0, %mul3A_256, %dma_wait3A_438] : memref<2x10240x128xf32, #tpu.memory_space<hbm>> -> memref<1x64x128xf32, #tpu.memory_space<hbm>>
      %dma_wait3A_440 = tpu.memref_squeeze %dma_wait3A_439 : memref<1x64x128xf32, #tpu.memory_space<hbm>> -> memref<64x128xf32, #tpu.memory_space<hbm>>
      %dma_wait3A_441 = arith.constant 0 : i32
      %dma_wait3A_442 = tpu.memref_slice %arg9[%arg0, %mul3A_256, %dma_wait3A_441] : memref<2x10240x128xf32, #tpu.memory_space<hbm>> -> memref<1x64x128xf32, #tpu.memory_space<hbm>>
      %dma_wait3A_443 = tpu.memref_squeeze %dma_wait3A_442 : memref<1x64x128xf32, #tpu.memory_space<hbm>> -> memref<64x128xf32, #tpu.memory_space<hbm>>
      tpu.wait_dma2 semaphore(%run_scoped3A_431 : memref<!tpu.dma_semaphore, #tpu.memory_space<semaphore_mem>>) src(%arg13 : memref<64x128xf32, #tpu.memory_space<vmem>>) dst(%dma_wait3A_443 : memref<64x128xf32, #tpu.memory_space<hbm>>)
      tpu.yield
    }) : () -> ()
    %mul3A_271 = arith.constant 10 : i32
    %mul3A_272 = arith.muli %arg1, %mul3A_271 : i32
    %add3A_273 = arith.constant 2 : i32
    %add3A_274 = arith.addi %mul3A_272, %add3A_273 : i32
    %mul3A_275 = arith.constant 64 : i32
    %mul3A_276 = arith.muli %add3A_274, %mul3A_275 : i32
    %dma_start3A_277 = arith.constant 2 : i32
    %dma_start3A_278 = arith.constant 0 : i32
    %dma_start3A_279 = tpu.memref_slice %arg12[%dma_start3A_277, %dma_start3A_278] : memref<10x64xi32, #tpu.memory_space<vmem>> -> memref<1x64xi32, #tpu.memory_space<vmem>>
    %dma_start3A_280 = tpu.memref_squeeze %dma_start3A_279 : memref<1x64xi32, #tpu.memory_space<vmem>> -> memref<64xi32, #tpu.memory_space<vmem>>
    %dma_start3A_281 = arith.constant 0 : i32
    %dma_start3A_282 = arith.constant 0 : i32
    %dma_start3A_283 = tpu.memref_slice %arg15[%dma_start3A_281, %dma_start3A_282] : memref<10240x128xf32, #tpu.memory_space<vmem_shared>> -> memref<10240x128xf32, #tpu.memory_space<vmem_shared>>
    tpu.enqueue_indirect_dma source(%dma_start3A_283 : memref<10240x128xf32, #tpu.memory_space<vmem_shared>>) target(%arg13 : memref<64x128xf32, #tpu.memory_space<vmem>>) offsets(%dma_start3A_280 : memref<64xi32, #tpu.memory_space<vmem>>) semaphore(%arg16 : memref<!tpu.dma_semaphore, #tpu.memory_space<semaphore_mem>>)
    %dma_wait3A_284 = arith.constant 2 : i32
    %dma_wait3A_285 = arith.constant 0 : i32
    %dma_wait3A_286 = tpu.memref_slice %arg12[%dma_wait3A_284, %dma_wait3A_285] : memref<10x64xi32, #tpu.memory_space<vmem>> -> memref<1x64xi32, #tpu.memory_space<vmem>>
    %dma_wait3A_287 = tpu.memref_squeeze %dma_wait3A_286 : memref<1x64xi32, #tpu.memory_space<vmem>> -> memref<64xi32, #tpu.memory_space<vmem>>
    %dma_wait3A_288 = arith.constant 0 : i32
    %dma_wait3A_289 = arith.constant 0 : i32
    %dma_wait3A_290 = tpu.memref_slice %arg15[%dma_wait3A_288, %dma_wait3A_289] : memref<10240x128xf32, #tpu.memory_space<vmem_shared>> -> memref<10240x128xf32, #tpu.memory_space<vmem_shared>>
    tpu.wait_indirect_dma semaphore(%arg16 : memref<!tpu.dma_semaphore, #tpu.memory_space<semaphore_mem>>) src(%dma_wait3A_290 : memref<10240x128xf32, #tpu.memory_space<vmem_shared>>) dst(%arg13 : memref<64x128xf32, #tpu.memory_space<vmem>>)
    "tpu.region"() ({
      %run_scoped3A_431 = tpu.sem_alloc : memref<!tpu.dma_semaphore, #tpu.memory_space<semaphore_mem>>
      %dma_start3A_432 = arith.constant 0 : i32
      %dma_start3A_433 = tpu.memref_slice %arg9[%arg0, %mul3A_276, %dma_start3A_432] : memref<2x10240x128xf32, #tpu.memory_space<hbm>> -> memref<1x64x128xf32, #tpu.memory_space<hbm>>
      %dma_start3A_434 = tpu.memref_squeeze %dma_start3A_433 : memref<1x64x128xf32, #tpu.memory_space<hbm>> -> memref<64x128xf32, #tpu.memory_space<hbm>>
      %dma_start3A_435 = arith.constant 0 : i32
      %dma_start3A_436 = tpu.memref_slice %arg9[%arg0, %mul3A_276, %dma_start3A_435] : memref<2x10240x128xf32, #tpu.memory_space<hbm>> -> memref<1x64x128xf32, #tpu.memory_space<hbm>>
      %dma_start3A_437 = tpu.memref_squeeze %dma_start3A_436 : memref<1x64x128xf32, #tpu.memory_space<hbm>> -> memref<64x128xf32, #tpu.memory_space<hbm>>
      tpu.enqueue_dma source(%arg13 : memref<64x128xf32, #tpu.memory_space<vmem>>) target(%dma_start3A_437 : memref<64x128xf32, #tpu.memory_space<hbm>>) target_semaphore(%run_scoped3A_431 : memref<!tpu.dma_semaphore, #tpu.memory_space<semaphore_mem>>)
      %dma_wait3A_438 = arith.constant 0 : i32
      %dma_wait3A_439 = tpu.memref_slice %arg9[%arg0, %mul3A_276, %dma_wait3A_438] : memref<2x10240x128xf32, #tpu.memory_space<hbm>> -> memref<1x64x128xf32, #tpu.memory_space<hbm>>
      %dma_wait3A_440 = tpu.memref_squeeze %dma_wait3A_439 : memref<1x64x128xf32, #tpu.memory_space<hbm>> -> memref<64x128xf32, #tpu.memory_space<hbm>>
      %dma_wait3A_441 = arith.constant 0 : i32
      %dma_wait3A_442 = tpu.memref_slice %arg9[%arg0, %mul3A_276, %dma_wait3A_441] : memref<2x10240x128xf32, #tpu.memory_space<hbm>> -> memref<1x64x128xf32, #tpu.memory_space<hbm>>
      %dma_wait3A_443 = tpu.memref_squeeze %dma_wait3A_442 : memref<1x64x128xf32, #tpu.memory_space<hbm>> -> memref<64x128xf32, #tpu.memory_space<hbm>>
      tpu.wait_dma2 semaphore(%run_scoped3A_431 : memref<!tpu.dma_semaphore, #tpu.memory_space<semaphore_mem>>) src(%arg13 : memref<64x128xf32, #tpu.memory_space<vmem>>) dst(%dma_wait3A_443 : memref<64x128xf32, #tpu.memory_space<hbm>>)
      tpu.yield
    }) : () -> ()
    %mul3A_291 = arith.constant 10 : i32
    %mul3A_292 = arith.muli %arg1, %mul3A_291 : i32
    %add3A_293 = arith.constant 3 : i32
    %add3A_294 = arith.addi %mul3A_292, %add3A_293 : i32
    %mul3A_295 = arith.constant 64 : i32
    %mul3A_296 = arith.muli %add3A_294, %mul3A_295 : i32
    %dma_start3A_297 = arith.constant 3 : i32
    %dma_start3A_298 = arith.constant 0 : i32
    %dma_start3A_299 = tpu.memref_slice %arg12[%dma_start3A_297, %dma_start3A_298] : memref<10x64xi32, #tpu.memory_space<vmem>> -> memref<1x64xi32, #tpu.memory_space<vmem>>
    %dma_start3A_300 = tpu.memref_squeeze %dma_start3A_299 : memref<1x64xi32, #tpu.memory_space<vmem>> -> memref<64xi32, #tpu.memory_space<vmem>>
    %dma_start3A_301 = arith.constant 0 : i32
    %dma_start3A_302 = arith.constant 0 : i32
    %dma_start3A_303 = tpu.memref_slice %arg15[%dma_start3A_301, %dma_start3A_302] : memref<10240x128xf32, #tpu.memory_space<vmem_shared>> -> memref<10240x128xf32, #tpu.memory_space<vmem_shared>>
    tpu.enqueue_indirect_dma source(%dma_start3A_303 : memref<10240x128xf32, #tpu.memory_space<vmem_shared>>) target(%arg13 : memref<64x128xf32, #tpu.memory_space<vmem>>) offsets(%dma_start3A_300 : memref<64xi32, #tpu.memory_space<vmem>>) semaphore(%arg16 : memref<!tpu.dma_semaphore, #tpu.memory_space<semaphore_mem>>)
    %dma_wait3A_304 = arith.constant 3 : i32
    %dma_wait3A_305 = arith.constant 0 : i32
    %dma_wait3A_306 = tpu.memref_slice %arg12[%dma_wait3A_304, %dma_wait3A_305] : memref<10x64xi32, #tpu.memory_space<vmem>> -> memref<1x64xi32, #tpu.memory_space<vmem>>
    %dma_wait3A_307 = tpu.memref_squeeze %dma_wait3A_306 : memref<1x64xi32, #tpu.memory_space<vmem>> -> memref<64xi32, #tpu.memory_space<vmem>>
    %dma_wait3A_308 = arith.constant 0 : i32
    %dma_wait3A_309 = arith.constant 0 : i32
    %dma_wait3A_310 = tpu.memref_slice %arg15[%dma_wait3A_308, %dma_wait3A_309] : memref<10240x128xf32, #tpu.memory_space<vmem_shared>> -> memref<10240x128xf32, #tpu.memory_space<vmem_shared>>
    tpu.wait_indirect_dma semaphore(%arg16 : memref<!tpu.dma_semaphore, #tpu.memory_space<semaphore_mem>>) src(%dma_wait3A_310 : memref<10240x128xf32, #tpu.memory_space<vmem_shared>>) dst(%arg13 : memref<64x128xf32, #tpu.memory_space<vmem>>)
    "tpu.region"() ({
      %run_scoped3A_431 = tpu.sem_alloc : memref<!tpu.dma_semaphore, #tpu.memory_space<semaphore_mem>>
      %dma_start3A_432 = arith.constant 0 : i32
      %dma_start3A_433 = tpu.memref_slice %arg9[%arg0, %mul3A_296, %dma_start3A_432] : memref<2x10240x128xf32, #tpu.memory_space<hbm>> -> memref<1x64x128xf32, #tpu.memory_space<hbm>>
      %dma_start3A_434 = tpu.memref_squeeze %dma_start3A_433 : memref<1x64x128xf32, #tpu.memory_space<hbm>> -> memref<64x128xf32, #tpu.memory_space<hbm>>
      %dma_start3A_435 = arith.constant 0 : i32
      %dma_start3A_436 = tpu.memref_slice %arg9[%arg0, %mul3A_296, %dma_start3A_435] : memref<2x10240x128xf32, #tpu.memory_space<hbm>> -> memref<1x64x128xf32, #tpu.memory_space<hbm>>
      %dma_start3A_437 = tpu.memref_squeeze %dma_start3A_436 : memref<1x64x128xf32, #tpu.memory_space<hbm>> -> memref<64x128xf32, #tpu.memory_space<hbm>>
      tpu.enqueue_dma source(%arg13 : memref<64x128xf32, #tpu.memory_space<vmem>>) target(%dma_start3A_437 : memref<64x128xf32, #tpu.memory_space<hbm>>) target_semaphore(%run_scoped3A_431 : memref<!tpu.dma_semaphore, #tpu.memory_space<semaphore_mem>>)
      %dma_wait3A_438 = arith.constant 0 : i32
      %dma_wait3A_439 = tpu.memref_slice %arg9[%arg0, %mul3A_296, %dma_wait3A_438] : memref<2x10240x128xf32, #tpu.memory_space<hbm>> -> memref<1x64x128xf32, #tpu.memory_space<hbm>>
      %dma_wait3A_440 = tpu.memref_squeeze %dma_wait3A_439 : memref<1x64x128xf32, #tpu.memory_space<hbm>> -> memref<64x128xf32, #tpu.memory_space<hbm>>
      %dma_wait3A_441 = arith.constant 0 : i32
      %dma_wait3A_442 = tpu.memref_slice %arg9[%arg0, %mul3A_296, %dma_wait3A_441] : memref<2x10240x128xf32, #tpu.memory_space<hbm>> -> memref<1x64x128xf32, #tpu.memory_space<hbm>>
      %dma_wait3A_443 = tpu.memref_squeeze %dma_wait3A_442 : memref<1x64x128xf32, #tpu.memory_space<hbm>> -> memref<64x128xf32, #tpu.memory_space<hbm>>
      tpu.wait_dma2 semaphore(%run_scoped3A_431 : memref<!tpu.dma_semaphore, #tpu.memory_space<semaphore_mem>>) src(%arg13 : memref<64x128xf32, #tpu.memory_space<vmem>>) dst(%dma_wait3A_443 : memref<64x128xf32, #tpu.memory_space<hbm>>)
      tpu.yield
    }) : () -> ()
    %mul3A_311 = arith.constant 10 : i32
    %mul3A_312 = arith.muli %arg1, %mul3A_311 : i32
    %add3A_313 = arith.constant 4 : i32
    %add3A_314 = arith.addi %mul3A_312, %add3A_313 : i32
    %mul3A_315 = arith.constant 64 : i32
    %mul3A_316 = arith.muli %add3A_314, %mul3A_315 : i32
    %dma_start3A_317 = arith.constant 4 : i32
    %dma_start3A_318 = arith.constant 0 : i32
    %dma_start3A_319 = tpu.memref_slice %arg12[%dma_start3A_317, %dma_start3A_318] : memref<10x64xi32, #tpu.memory_space<vmem>> -> memref<1x64xi32, #tpu.memory_space<vmem>>
    %dma_start3A_320 = tpu.memref_squeeze %dma_start3A_319 : memref<1x64xi32, #tpu.memory_space<vmem>> -> memref<64xi32, #tpu.memory_space<vmem>>
    %dma_start3A_321 = arith.constant 0 : i32
    %dma_start3A_322 = arith.constant 0 : i32
    %dma_start3A_323 = tpu.memref_slice %arg15[%dma_start3A_321, %dma_start3A_322] : memref<10240x128xf32, #tpu.memory_space<vmem_shared>> -> memref<10240x128xf32, #tpu.memory_space<vmem_shared>>
    tpu.enqueue_indirect_dma source(%dma_start3A_323 : memref<10240x128xf32, #tpu.memory_space<vmem_shared>>) target(%arg13 : memref<64x128xf32, #tpu.memory_space<vmem>>) offsets(%dma_start3A_320 : memref<64xi32, #tpu.memory_space<vmem>>) semaphore(%arg16 : memref<!tpu.dma_semaphore, #tpu.memory_space<semaphore_mem>>)
    %dma_wait3A_324 = arith.constant 4 : i32
    %dma_wait3A_325 = arith.constant 0 : i32
    %dma_wait3A_326 = tpu.memref_slice %arg12[%dma_wait3A_324, %dma_wait3A_325] : memref<10x64xi32, #tpu.memory_space<vmem>> -> memref<1x64xi32, #tpu.memory_space<vmem>>
    %dma_wait3A_327 = tpu.memref_squeeze %dma_wait3A_326 : memref<1x64xi32, #tpu.memory_space<vmem>> -> memref<64xi32, #tpu.memory_space<vmem>>
    %dma_wait3A_328 = arith.constant 0 : i32
    %dma_wait3A_329 = arith.constant 0 : i32
    %dma_wait3A_330 = tpu.memref_slice %arg15[%dma_wait3A_328, %dma_wait3A_329] : memref<10240x128xf32, #tpu.memory_space<vmem_shared>> -> memref<10240x128xf32, #tpu.memory_space<vmem_shared>>
    tpu.wait_indirect_dma semaphore(%arg16 : memref<!tpu.dma_semaphore, #tpu.memory_space<semaphore_mem>>) src(%dma_wait3A_330 : memref<10240x128xf32, #tpu.memory_space<vmem_shared>>) dst(%arg13 : memref<64x128xf32, #tpu.memory_space<vmem>>)
    "tpu.region"() ({
      %run_scoped3A_431 = tpu.sem_alloc : memref<!tpu.dma_semaphore, #tpu.memory_space<semaphore_mem>>
      %dma_start3A_432 = arith.constant 0 : i32
      %dma_start3A_433 = tpu.memref_slice %arg9[%arg0, %mul3A_316, %dma_start3A_432] : memref<2x10240x128xf32, #tpu.memory_space<hbm>> -> memref<1x64x128xf32, #tpu.memory_space<hbm>>
      %dma_start3A_434 = tpu.memref_squeeze %dma_start3A_433 : memref<1x64x128xf32, #tpu.memory_space<hbm>> -> memref<64x128xf32, #tpu.memory_space<hbm>>
      %dma_start3A_435 = arith.constant 0 : i32
      %dma_start3A_436 = tpu.memref_slice %arg9[%arg0, %mul3A_316, %dma_start3A_435] : memref<2x10240x128xf32, #tpu.memory_space<hbm>> -> memref<1x64x128xf32, #tpu.memory_space<hbm>>
      %dma_start3A_437 = tpu.memref_squeeze %dma_start3A_436 : memref<1x64x128xf32, #tpu.memory_space<hbm>> -> memref<64x128xf32, #tpu.memory_space<hbm>>
      tpu.enqueue_dma source(%arg13 : memref<64x128xf32, #tpu.memory_space<vmem>>) target(%dma_start3A_437 : memref<64x128xf32, #tpu.memory_space<hbm>>) target_semaphore(%run_scoped3A_431 : memref<!tpu.dma_semaphore, #tpu.memory_space<semaphore_mem>>)
      %dma_wait3A_438 = arith.constant 0 : i32
      %dma_wait3A_439 = tpu.memref_slice %arg9[%arg0, %mul3A_316, %dma_wait3A_438] : memref<2x10240x128xf32, #tpu.memory_space<hbm>> -> memref<1x64x128xf32, #tpu.memory_space<hbm>>
      %dma_wait3A_440 = tpu.memref_squeeze %dma_wait3A_439 : memref<1x64x128xf32, #tpu.memory_space<hbm>> -> memref<64x128xf32, #tpu.memory_space<hbm>>
      %dma_wait3A_441 = arith.constant 0 : i32
      %dma_wait3A_442 = tpu.memref_slice %arg9[%arg0, %mul3A_316, %dma_wait3A_441] : memref<2x10240x128xf32, #tpu.memory_space<hbm>> -> memref<1x64x128xf32, #tpu.memory_space<hbm>>
      %dma_wait3A_443 = tpu.memref_squeeze %dma_wait3A_442 : memref<1x64x128xf32, #tpu.memory_space<hbm>> -> memref<64x128xf32, #tpu.memory_space<hbm>>
      tpu.wait_dma2 semaphore(%run_scoped3A_431 : memref<!tpu.dma_semaphore, #tpu.memory_space<semaphore_mem>>) src(%arg13 : memref<64x128xf32, #tpu.memory_space<vmem>>) dst(%dma_wait3A_443 : memref<64x128xf32, #tpu.memory_space<hbm>>)
      tpu.yield
    }) : () -> ()
    %mul3A_331 = arith.constant 10 : i32
    %mul3A_332 = arith.muli %arg1, %mul3A_331 : i32
    %add3A_333 = arith.constant 5 : i32
    %add3A_334 = arith.addi %mul3A_332, %add3A_333 : i32
    %mul3A_335 = arith.constant 64 : i32
    %mul3A_336 = arith.muli %add3A_334, %mul3A_335 : i32
    %dma_start3A_337 = arith.constant 5 : i32
    %dma_start3A_338 = arith.constant 0 : i32
    %dma_start3A_339 = tpu.memref_slice %arg12[%dma_start3A_337, %dma_start3A_338] : memref<10x64xi32, #tpu.memory_space<vmem>> -> memref<1x64xi32, #tpu.memory_space<vmem>>
    %dma_start3A_340 = tpu.memref_squeeze %dma_start3A_339 : memref<1x64xi32, #tpu.memory_space<vmem>> -> memref<64xi32, #tpu.memory_space<vmem>>
    %dma_start3A_341 = arith.constant 0 : i32
    %dma_start3A_342 = arith.constant 0 : i32
    %dma_start3A_343 = tpu.memref_slice %arg15[%dma_start3A_341, %dma_start3A_342] : memref<10240x128xf32, #tpu.memory_space<vmem_shared>> -> memref<10240x128xf32, #tpu.memory_space<vmem_shared>>
    tpu.enqueue_indirect_dma source(%dma_start3A_343 : memref<10240x128xf32, #tpu.memory_space<vmem_shared>>) target(%arg13 : memref<64x128xf32, #tpu.memory_space<vmem>>) offsets(%dma_start3A_340 : memref<64xi32, #tpu.memory_space<vmem>>) semaphore(%arg16 : memref<!tpu.dma_semaphore, #tpu.memory_space<semaphore_mem>>)
    %dma_wait3A_344 = arith.constant 5 : i32
    %dma_wait3A_345 = arith.constant 0 : i32
    %dma_wait3A_346 = tpu.memref_slice %arg12[%dma_wait3A_344, %dma_wait3A_345] : memref<10x64xi32, #tpu.memory_space<vmem>> -> memref<1x64xi32, #tpu.memory_space<vmem>>
    %dma_wait3A_347 = tpu.memref_squeeze %dma_wait3A_346 : memref<1x64xi32, #tpu.memory_space<vmem>> -> memref<64xi32, #tpu.memory_space<vmem>>
    %dma_wait3A_348 = arith.constant 0 : i32
    %dma_wait3A_349 = arith.constant 0 : i32
    %dma_wait3A_350 = tpu.memref_slice %arg15[%dma_wait3A_348, %dma_wait3A_349] : memref<10240x128xf32, #tpu.memory_space<vmem_shared>> -> memref<10240x128xf32, #tpu.memory_space<vmem_shared>>
    tpu.wait_indirect_dma semaphore(%arg16 : memref<!tpu.dma_semaphore, #tpu.memory_space<semaphore_mem>>) src(%dma_wait3A_350 : memref<10240x128xf32, #tpu.memory_space<vmem_shared>>) dst(%arg13 : memref<64x128xf32, #tpu.memory_space<vmem>>)
    "tpu.region"() ({
      %run_scoped3A_431 = tpu.sem_alloc : memref<!tpu.dma_semaphore, #tpu.memory_space<semaphore_mem>>
      %dma_start3A_432 = arith.constant 0 : i32
      %dma_start3A_433 = tpu.memref_slice %arg9[%arg0, %mul3A_336, %dma_start3A_432] : memref<2x10240x128xf32, #tpu.memory_space<hbm>> -> memref<1x64x128xf32, #tpu.memory_space<hbm>>
      %dma_start3A_434 = tpu.memref_squeeze %dma_start3A_433 : memref<1x64x128xf32, #tpu.memory_space<hbm>> -> memref<64x128xf32, #tpu.memory_space<hbm>>
      %dma_start3A_435 = arith.constant 0 : i32
      %dma_start3A_436 = tpu.memref_slice %arg9[%arg0, %mul3A_336, %dma_start3A_435] : memref<2x10240x128xf32, #tpu.memory_space<hbm>> -> memref<1x64x128xf32, #tpu.memory_space<hbm>>
      %dma_start3A_437 = tpu.memref_squeeze %dma_start3A_436 : memref<1x64x128xf32, #tpu.memory_space<hbm>> -> memref<64x128xf32, #tpu.memory_space<hbm>>
      tpu.enqueue_dma source(%arg13 : memref<64x128xf32, #tpu.memory_space<vmem>>) target(%dma_start3A_437 : memref<64x128xf32, #tpu.memory_space<hbm>>) target_semaphore(%run_scoped3A_431 : memref<!tpu.dma_semaphore, #tpu.memory_space<semaphore_mem>>)
      %dma_wait3A_438 = arith.constant 0 : i32
      %dma_wait3A_439 = tpu.memref_slice %arg9[%arg0, %mul3A_336, %dma_wait3A_438] : memref<2x10240x128xf32, #tpu.memory_space<hbm>> -> memref<1x64x128xf32, #tpu.memory_space<hbm>>
      %dma_wait3A_440 = tpu.memref_squeeze %dma_wait3A_439 : memref<1x64x128xf32, #tpu.memory_space<hbm>> -> memref<64x128xf32, #tpu.memory_space<hbm>>
      %dma_wait3A_441 = arith.constant 0 : i32
      %dma_wait3A_442 = tpu.memref_slice %arg9[%arg0, %mul3A_336, %dma_wait3A_441] : memref<2x10240x128xf32, #tpu.memory_space<hbm>> -> memref<1x64x128xf32, #tpu.memory_space<hbm>>
      %dma_wait3A_443 = tpu.memref_squeeze %dma_wait3A_442 : memref<1x64x128xf32, #tpu.memory_space<hbm>> -> memref<64x128xf32, #tpu.memory_space<hbm>>
      tpu.wait_dma2 semaphore(%run_scoped3A_431 : memref<!tpu.dma_semaphore, #tpu.memory_space<semaphore_mem>>) src(%arg13 : memref<64x128xf32, #tpu.memory_space<vmem>>) dst(%dma_wait3A_443 : memref<64x128xf32, #tpu.memory_space<hbm>>)
      tpu.yield
    }) : () -> ()
    %mul3A_351 = arith.constant 10 : i32
    %mul3A_352 = arith.muli %arg1, %mul3A_351 : i32
    %add3A_353 = arith.constant 6 : i32
    %add3A_354 = arith.addi %mul3A_352, %add3A_353 : i32
    %mul3A_355 = arith.constant 64 : i32
    %mul3A_356 = arith.muli %add3A_354, %mul3A_355 : i32
    %dma_start3A_357 = arith.constant 6 : i32
    %dma_start3A_358 = arith.constant 0 : i32
    %dma_start3A_359 = tpu.memref_slice %arg12[%dma_start3A_357, %dma_start3A_358] : memref<10x64xi32, #tpu.memory_space<vmem>> -> memref<1x64xi32, #tpu.memory_space<vmem>>
    %dma_start3A_360 = tpu.memref_squeeze %dma_start3A_359 : memref<1x64xi32, #tpu.memory_space<vmem>> -> memref<64xi32, #tpu.memory_space<vmem>>
    %dma_start3A_361 = arith.constant 0 : i32
    %dma_start3A_362 = arith.constant 0 : i32
    %dma_start3A_363 = tpu.memref_slice %arg15[%dma_start3A_361, %dma_start3A_362] : memref<10240x128xf32, #tpu.memory_space<vmem_shared>> -> memref<10240x128xf32, #tpu.memory_space<vmem_shared>>
    tpu.enqueue_indirect_dma source(%dma_start3A_363 : memref<10240x128xf32, #tpu.memory_space<vmem_shared>>) target(%arg13 : memref<64x128xf32, #tpu.memory_space<vmem>>) offsets(%dma_start3A_360 : memref<64xi32, #tpu.memory_space<vmem>>) semaphore(%arg16 : memref<!tpu.dma_semaphore, #tpu.memory_space<semaphore_mem>>)
    %dma_wait3A_364 = arith.constant 6 : i32
    %dma_wait3A_365 = arith.constant 0 : i32
    %dma_wait3A_366 = tpu.memref_slice %arg12[%dma_wait3A_364, %dma_wait3A_365] : memref<10x64xi32, #tpu.memory_space<vmem>> -> memref<1x64xi32, #tpu.memory_space<vmem>>
    %dma_wait3A_367 = tpu.memref_squeeze %dma_wait3A_366 : memref<1x64xi32, #tpu.memory_space<vmem>> -> memref<64xi32, #tpu.memory_space<vmem>>
    %dma_wait3A_368 = arith.constant 0 : i32
    %dma_wait3A_369 = arith.constant 0 : i32
    %dma_wait3A_370 = tpu.memref_slice %arg15[%dma_wait3A_368, %dma_wait3A_369] : memref<10240x128xf32, #tpu.memory_space<vmem_shared>> -> memref<10240x128xf32, #tpu.memory_space<vmem_shared>>
    tpu.wait_indirect_dma semaphore(%arg16 : memref<!tpu.dma_semaphore, #tpu.memory_space<semaphore_mem>>) src(%dma_wait3A_370 : memref<10240x128xf32, #tpu.memory_space<vmem_shared>>) dst(%arg13 : memref<64x128xf32, #tpu.memory_space<vmem>>)
    "tpu.region"() ({
      %run_scoped3A_431 = tpu.sem_alloc : memref<!tpu.dma_semaphore, #tpu.memory_space<semaphore_mem>>
      %dma_start3A_432 = arith.constant 0 : i32
      %dma_start3A_433 = tpu.memref_slice %arg9[%arg0, %mul3A_356, %dma_start3A_432] : memref<2x10240x128xf32, #tpu.memory_space<hbm>> -> memref<1x64x128xf32, #tpu.memory_space<hbm>>
      %dma_start3A_434 = tpu.memref_squeeze %dma_start3A_433 : memref<1x64x128xf32, #tpu.memory_space<hbm>> -> memref<64x128xf32, #tpu.memory_space<hbm>>
      %dma_start3A_435 = arith.constant 0 : i32
      %dma_start3A_436 = tpu.memref_slice %arg9[%arg0, %mul3A_356, %dma_start3A_435] : memref<2x10240x128xf32, #tpu.memory_space<hbm>> -> memref<1x64x128xf32, #tpu.memory_space<hbm>>
      %dma_start3A_437 = tpu.memref_squeeze %dma_start3A_436 : memref<1x64x128xf32, #tpu.memory_space<hbm>> -> memref<64x128xf32, #tpu.memory_space<hbm>>
      tpu.enqueue_dma source(%arg13 : memref<64x128xf32, #tpu.memory_space<vmem>>) target(%dma_start3A_437 : memref<64x128xf32, #tpu.memory_space<hbm>>) target_semaphore(%run_scoped3A_431 : memref<!tpu.dma_semaphore, #tpu.memory_space<semaphore_mem>>)
      %dma_wait3A_438 = arith.constant 0 : i32
      %dma_wait3A_439 = tpu.memref_slice %arg9[%arg0, %mul3A_356, %dma_wait3A_438] : memref<2x10240x128xf32, #tpu.memory_space<hbm>> -> memref<1x64x128xf32, #tpu.memory_space<hbm>>
      %dma_wait3A_440 = tpu.memref_squeeze %dma_wait3A_439 : memref<1x64x128xf32, #tpu.memory_space<hbm>> -> memref<64x128xf32, #tpu.memory_space<hbm>>
      %dma_wait3A_441 = arith.constant 0 : i32
      %dma_wait3A_442 = tpu.memref_slice %arg9[%arg0, %mul3A_356, %dma_wait3A_441] : memref<2x10240x128xf32, #tpu.memory_space<hbm>> -> memref<1x64x128xf32, #tpu.memory_space<hbm>>
      %dma_wait3A_443 = tpu.memref_squeeze %dma_wait3A_442 : memref<1x64x128xf32, #tpu.memory_space<hbm>> -> memref<64x128xf32, #tpu.memory_space<hbm>>
      tpu.wait_dma2 semaphore(%run_scoped3A_431 : memref<!tpu.dma_semaphore, #tpu.memory_space<semaphore_mem>>) src(%arg13 : memref<64x128xf32, #tpu.memory_space<vmem>>) dst(%dma_wait3A_443 : memref<64x128xf32, #tpu.memory_space<hbm>>)
      tpu.yield
    }) : () -> ()
    %mul3A_371 = arith.constant 10 : i32
    %mul3A_372 = arith.muli %arg1, %mul3A_371 : i32
    %add3A_373 = arith.constant 7 : i32
    %add3A_374 = arith.addi %mul3A_372, %add3A_373 : i32
    %mul3A_375 = arith.constant 64 : i32
    %mul3A_376 = arith.muli %add3A_374, %mul3A_375 : i32
    %dma_start3A_377 = arith.constant 7 : i32
    %dma_start3A_378 = arith.constant 0 : i32
    %dma_start3A_379 = tpu.memref_slice %arg12[%dma_start3A_377, %dma_start3A_378] : memref<10x64xi32, #tpu.memory_space<vmem>> -> memref<1x64xi32, #tpu.memory_space<vmem>>
    %dma_start3A_380 = tpu.memref_squeeze %dma_start3A_379 : memref<1x64xi32, #tpu.memory_space<vmem>> -> memref<64xi32, #tpu.memory_space<vmem>>
    %dma_start3A_381 = arith.constant 0 : i32
    %dma_start3A_382 = arith.constant 0 : i32
    %dma_start3A_383 = tpu.memref_slice %arg15[%dma_start3A_381, %dma_start3A_382] : memref<10240x128xf32, #tpu.memory_space<vmem_shared>> -> memref<10240x128xf32, #tpu.memory_space<vmem_shared>>
    tpu.enqueue_indirect_dma source(%dma_start3A_383 : memref<10240x128xf32, #tpu.memory_space<vmem_shared>>) target(%arg13 : memref<64x128xf32, #tpu.memory_space<vmem>>) offsets(%dma_start3A_380 : memref<64xi32, #tpu.memory_space<vmem>>) semaphore(%arg16 : memref<!tpu.dma_semaphore, #tpu.memory_space<semaphore_mem>>)
    %dma_wait3A_384 = arith.constant 7 : i32
    %dma_wait3A_385 = arith.constant 0 : i32
    %dma_wait3A_386 = tpu.memref_slice %arg12[%dma_wait3A_384, %dma_wait3A_385] : memref<10x64xi32, #tpu.memory_space<vmem>> -> memref<1x64xi32, #tpu.memory_space<vmem>>
    %dma_wait3A_387 = tpu.memref_squeeze %dma_wait3A_386 : memref<1x64xi32, #tpu.memory_space<vmem>> -> memref<64xi32, #tpu.memory_space<vmem>>
    %dma_wait3A_388 = arith.constant 0 : i32
    %dma_wait3A_389 = arith.constant 0 : i32
    %dma_wait3A_390 = tpu.memref_slice %arg15[%dma_wait3A_388, %dma_wait3A_389] : memref<10240x128xf32, #tpu.memory_space<vmem_shared>> -> memref<10240x128xf32, #tpu.memory_space<vmem_shared>>
    tpu.wait_indirect_dma semaphore(%arg16 : memref<!tpu.dma_semaphore, #tpu.memory_space<semaphore_mem>>) src(%dma_wait3A_390 : memref<10240x128xf32, #tpu.memory_space<vmem_shared>>) dst(%arg13 : memref<64x128xf32, #tpu.memory_space<vmem>>)
    "tpu.region"() ({
      %run_scoped3A_431 = tpu.sem_alloc : memref<!tpu.dma_semaphore, #tpu.memory_space<semaphore_mem>>
      %dma_start3A_432 = arith.constant 0 : i32
      %dma_start3A_433 = tpu.memref_slice %arg9[%arg0, %mul3A_376, %dma_start3A_432] : memref<2x10240x128xf32, #tpu.memory_space<hbm>> -> memref<1x64x128xf32, #tpu.memory_space<hbm>>
      %dma_start3A_434 = tpu.memref_squeeze %dma_start3A_433 : memref<1x64x128xf32, #tpu.memory_space<hbm>> -> memref<64x128xf32, #tpu.memory_space<hbm>>
      %dma_start3A_435 = arith.constant 0 : i32
      %dma_start3A_436 = tpu.memref_slice %arg9[%arg0, %mul3A_376, %dma_start3A_435] : memref<2x10240x128xf32, #tpu.memory_space<hbm>> -> memref<1x64x128xf32, #tpu.memory_space<hbm>>
      %dma_start3A_437 = tpu.memref_squeeze %dma_start3A_436 : memref<1x64x128xf32, #tpu.memory_space<hbm>> -> memref<64x128xf32, #tpu.memory_space<hbm>>
      tpu.enqueue_dma source(%arg13 : memref<64x128xf32, #tpu.memory_space<vmem>>) target(%dma_start3A_437 : memref<64x128xf32, #tpu.memory_space<hbm>>) target_semaphore(%run_scoped3A_431 : memref<!tpu.dma_semaphore, #tpu.memory_space<semaphore_mem>>)
      %dma_wait3A_438 = arith.constant 0 : i32
      %dma_wait3A_439 = tpu.memref_slice %arg9[%arg0, %mul3A_376, %dma_wait3A_438] : memref<2x10240x128xf32, #tpu.memory_space<hbm>> -> memref<1x64x128xf32, #tpu.memory_space<hbm>>
      %dma_wait3A_440 = tpu.memref_squeeze %dma_wait3A_439 : memref<1x64x128xf32, #tpu.memory_space<hbm>> -> memref<64x128xf32, #tpu.memory_space<hbm>>
      %dma_wait3A_441 = arith.constant 0 : i32
      %dma_wait3A_442 = tpu.memref_slice %arg9[%arg0, %mul3A_376, %dma_wait3A_441] : memref<2x10240x128xf32, #tpu.memory_space<hbm>> -> memref<1x64x128xf32, #tpu.memory_space<hbm>>
      %dma_wait3A_443 = tpu.memref_squeeze %dma_wait3A_442 : memref<1x64x128xf32, #tpu.memory_space<hbm>> -> memref<64x128xf32, #tpu.memory_space<hbm>>
      tpu.wait_dma2 semaphore(%run_scoped3A_431 : memref<!tpu.dma_semaphore, #tpu.memory_space<semaphore_mem>>) src(%arg13 : memref<64x128xf32, #tpu.memory_space<vmem>>) dst(%dma_wait3A_443 : memref<64x128xf32, #tpu.memory_space<hbm>>)
      tpu.yield
    }) : () -> ()
    %mul3A_391 = arith.constant 10 : i32
    %mul3A_392 = arith.muli %arg1, %mul3A_391 : i32
    %add3A_393 = arith.constant 8 : i32
    %add3A_394 = arith.addi %mul3A_392, %add3A_393 : i32
    %mul3A_395 = arith.constant 64 : i32
    %mul3A_396 = arith.muli %add3A_394, %mul3A_395 : i32
    %dma_start3A_397 = arith.constant 8 : i32
    %dma_start3A_398 = arith.constant 0 : i32
    %dma_start3A_399 = tpu.memref_slice %arg12[%dma_start3A_397, %dma_start3A_398] : memref<10x64xi32, #tpu.memory_space<vmem>> -> memref<1x64xi32, #tpu.memory_space<vmem>>
    %dma_start3A_400 = tpu.memref_squeeze %dma_start3A_399 : memref<1x64xi32, #tpu.memory_space<vmem>> -> memref<64xi32, #tpu.memory_space<vmem>>
    %dma_start3A_401 = arith.constant 0 : i32
    %dma_start3A_402 = arith.constant 0 : i32
    %dma_start3A_403 = tpu.memref_slice %arg15[%dma_start3A_401, %dma_start3A_402] : memref<10240x128xf32, #tpu.memory_space<vmem_shared>> -> memref<10240x128xf32, #tpu.memory_space<vmem_shared>>
    tpu.enqueue_indirect_dma source(%dma_start3A_403 : memref<10240x128xf32, #tpu.memory_space<vmem_shared>>) target(%arg13 : memref<64x128xf32, #tpu.memory_space<vmem>>) offsets(%dma_start3A_400 : memref<64xi32, #tpu.memory_space<vmem>>) semaphore(%arg16 : memref<!tpu.dma_semaphore, #tpu.memory_space<semaphore_mem>>)
    %dma_wait3A_404 = arith.constant 8 : i32
    %dma_wait3A_405 = arith.constant 0 : i32
    %dma_wait3A_406 = tpu.memref_slice %arg12[%dma_wait3A_404, %dma_wait3A_405] : memref<10x64xi32, #tpu.memory_space<vmem>> -> memref<1x64xi32, #tpu.memory_space<vmem>>
    %dma_wait3A_407 = tpu.memref_squeeze %dma_wait3A_406 : memref<1x64xi32, #tpu.memory_space<vmem>> -> memref<64xi32, #tpu.memory_space<vmem>>
    %dma_wait3A_408 = arith.constant 0 : i32
    %dma_wait3A_409 = arith.constant 0 : i32
    %dma_wait3A_410 = tpu.memref_slice %arg15[%dma_wait3A_408, %dma_wait3A_409] : memref<10240x128xf32, #tpu.memory_space<vmem_shared>> -> memref<10240x128xf32, #tpu.memory_space<vmem_shared>>
    tpu.wait_indirect_dma semaphore(%arg16 : memref<!tpu.dma_semaphore, #tpu.memory_space<semaphore_mem>>) src(%dma_wait3A_410 : memref<10240x128xf32, #tpu.memory_space<vmem_shared>>) dst(%arg13 : memref<64x128xf32, #tpu.memory_space<vmem>>)
    "tpu.region"() ({
      %run_scoped3A_431 = tpu.sem_alloc : memref<!tpu.dma_semaphore, #tpu.memory_space<semaphore_mem>>
      %dma_start3A_432 = arith.constant 0 : i32
      %dma_start3A_433 = tpu.memref_slice %arg9[%arg0, %mul3A_396, %dma_start3A_432] : memref<2x10240x128xf32, #tpu.memory_space<hbm>> -> memref<1x64x128xf32, #tpu.memory_space<hbm>>
      %dma_start3A_434 = tpu.memref_squeeze %dma_start3A_433 : memref<1x64x128xf32, #tpu.memory_space<hbm>> -> memref<64x128xf32, #tpu.memory_space<hbm>>
      %dma_start3A_435 = arith.constant 0 : i32
      %dma_start3A_436 = tpu.memref_slice %arg9[%arg0, %mul3A_396, %dma_start3A_435] : memref<2x10240x128xf32, #tpu.memory_space<hbm>> -> memref<1x64x128xf32, #tpu.memory_space<hbm>>
      %dma_start3A_437 = tpu.memref_squeeze %dma_start3A_436 : memref<1x64x128xf32, #tpu.memory_space<hbm>> -> memref<64x128xf32, #tpu.memory_space<hbm>>
      tpu.enqueue_dma source(%arg13 : memref<64x128xf32, #tpu.memory_space<vmem>>) target(%dma_start3A_437 : memref<64x128xf32, #tpu.memory_space<hbm>>) target_semaphore(%run_scoped3A_431 : memref<!tpu.dma_semaphore, #tpu.memory_space<semaphore_mem>>)
      %dma_wait3A_438 = arith.constant 0 : i32
      %dma_wait3A_439 = tpu.memref_slice %arg9[%arg0, %mul3A_396, %dma_wait3A_438] : memref<2x10240x128xf32, #tpu.memory_space<hbm>> -> memref<1x64x128xf32, #tpu.memory_space<hbm>>
      %dma_wait3A_440 = tpu.memref_squeeze %dma_wait3A_439 : memref<1x64x128xf32, #tpu.memory_space<hbm>> -> memref<64x128xf32, #tpu.memory_space<hbm>>
      %dma_wait3A_441 = arith.constant 0 : i32
      %dma_wait3A_442 = tpu.memref_slice %arg9[%arg0, %mul3A_396, %dma_wait3A_441] : memref<2x10240x128xf32, #tpu.memory_space<hbm>> -> memref<1x64x128xf32, #tpu.memory_space<hbm>>
      %dma_wait3A_443 = tpu.memref_squeeze %dma_wait3A_442 : memref<1x64x128xf32, #tpu.memory_space<hbm>> -> memref<64x128xf32, #tpu.memory_space<hbm>>
      tpu.wait_dma2 semaphore(%run_scoped3A_431 : memref<!tpu.dma_semaphore, #tpu.memory_space<semaphore_mem>>) src(%arg13 : memref<64x128xf32, #tpu.memory_space<vmem>>) dst(%dma_wait3A_443 : memref<64x128xf32, #tpu.memory_space<hbm>>)
      tpu.yield
    }) : () -> ()
    %mul3A_411 = arith.constant 10 : i32
    %mul3A_412 = arith.muli %arg1, %mul3A_411 : i32
    %add3A_413 = arith.constant 9 : i32
    %add3A_414 = arith.addi %mul3A_412, %add3A_413 : i32
    %mul3A_415 = arith.constant 64 : i32
    %mul3A_416 = arith.muli %add3A_414, %mul3A_415 : i32
    %dma_start3A_417 = arith.constant 9 : i32
    %dma_start3A_418 = arith.constant 0 : i32
    %dma_start3A_419 = tpu.memref_slice %arg12[%dma_start3A_417, %dma_start3A_418] : memref<10x64xi32, #tpu.memory_space<vmem>> -> memref<1x64xi32, #tpu.memory_space<vmem>>
    %dma_start3A_420 = tpu.memref_squeeze %dma_start3A_419 : memref<1x64xi32, #tpu.memory_space<vmem>> -> memref<64xi32, #tpu.memory_space<vmem>>
    %dma_start3A_421 = arith.constant 0 : i32
    %dma_start3A_422 = arith.constant 0 : i32
    %dma_start3A_423 = tpu.memref_slice %arg15[%dma_start3A_421, %dma_start3A_422] : memref<10240x128xf32, #tpu.memory_space<vmem_shared>> -> memref<10240x128xf32, #tpu.memory_space<vmem_shared>>
    tpu.enqueue_indirect_dma source(%dma_start3A_423 : memref<10240x128xf32, #tpu.memory_space<vmem_shared>>) target(%arg13 : memref<64x128xf32, #tpu.memory_space<vmem>>) offsets(%dma_start3A_420 : memref<64xi32, #tpu.memory_space<vmem>>) semaphore(%arg16 : memref<!tpu.dma_semaphore, #tpu.memory_space<semaphore_mem>>)
    %dma_wait3A_424 = arith.constant 9 : i32
    %dma_wait3A_425 = arith.constant 0 : i32
    %dma_wait3A_426 = tpu.memref_slice %arg12[%dma_wait3A_424, %dma_wait3A_425] : memref<10x64xi32, #tpu.memory_space<vmem>> -> memref<1x64xi32, #tpu.memory_space<vmem>>
    %dma_wait3A_427 = tpu.memref_squeeze %dma_wait3A_426 : memref<1x64xi32, #tpu.memory_space<vmem>> -> memref<64xi32, #tpu.memory_space<vmem>>
    %dma_wait3A_428 = arith.constant 0 : i32
    %dma_wait3A_429 = arith.constant 0 : i32
    %dma_wait3A_430 = tpu.memref_slice %arg15[%dma_wait3A_428, %dma_wait3A_429] : memref<10240x128xf32, #tpu.memory_space<vmem_shared>> -> memref<10240x128xf32, #tpu.memory_space<vmem_shared>>
    tpu.wait_indirect_dma semaphore(%arg16 : memref<!tpu.dma_semaphore, #tpu.memory_space<semaphore_mem>>) src(%dma_wait3A_430 : memref<10240x128xf32, #tpu.memory_space<vmem_shared>>) dst(%arg13 : memref<64x128xf32, #tpu.memory_space<vmem>>)
    "tpu.region"() ({
      %run_scoped3A_431 = tpu.sem_alloc : memref<!tpu.dma_semaphore, #tpu.memory_space<semaphore_mem>>
      %dma_start3A_432 = arith.constant 0 : i32
      %dma_start3A_433 = tpu.memref_slice %arg9[%arg0, %mul3A_416, %dma_start3A_432] : memref<2x10240x128xf32, #tpu.memory_space<hbm>> -> memref<1x64x128xf32, #tpu.memory_space<hbm>>
      %dma_start3A_434 = tpu.memref_squeeze %dma_start3A_433 : memref<1x64x128xf32, #tpu.memory_space<hbm>> -> memref<64x128xf32, #tpu.memory_space<hbm>>
      %dma_start3A_435 = arith.constant 0 : i32
      %dma_start3A_436 = tpu.memref_slice %arg9[%arg0, %mul3A_416, %dma_start3A_435] : memref<2x10240x128xf32, #tpu.memory_space<hbm>> -> memref<1x64x128xf32, #tpu.memory_space<hbm>>
      %dma_start3A_437 = tpu.memref_squeeze %dma_start3A_436 : memref<1x64x128xf32, #tpu.memory_space<hbm>> -> memref<64x128xf32, #tpu.memory_space<hbm>>
      tpu.enqueue_dma source(%arg13 : memref<64x128xf32, #tpu.memory_space<vmem>>) target(%dma_start3A_437 : memref<64x128xf32, #tpu.memory_space<hbm>>) target_semaphore(%run_scoped3A_431 : memref<!tpu.dma_semaphore, #tpu.memory_space<semaphore_mem>>)
      %dma_wait3A_438 = arith.constant 0 : i32
      %dma_wait3A_439 = tpu.memref_slice %arg9[%arg0, %mul3A_416, %dma_wait3A_438] : memref<2x10240x128xf32, #tpu.memory_space<hbm>> -> memref<1x64x128xf32, #tpu.memory_space<hbm>>
      %dma_wait3A_440 = tpu.memref_squeeze %dma_wait3A_439 : memref<1x64x128xf32, #tpu.memory_space<hbm>> -> memref<64x128xf32, #tpu.memory_space<hbm>>
      %dma_wait3A_441 = arith.constant 0 : i32
      %dma_wait3A_442 = tpu.memref_slice %arg9[%arg0, %mul3A_416, %dma_wait3A_441] : memref<2x10240x128xf32, #tpu.memory_space<hbm>> -> memref<1x64x128xf32, #tpu.memory_space<hbm>>
      %dma_wait3A_443 = tpu.memref_squeeze %dma_wait3A_442 : memref<1x64x128xf32, #tpu.memory_space<hbm>> -> memref<64x128xf32, #tpu.memory_space<hbm>>
      tpu.wait_dma2 semaphore(%run_scoped3A_431 : memref<!tpu.dma_semaphore, #tpu.memory_space<semaphore_mem>>) src(%arg13 : memref<64x128xf32, #tpu.memory_space<vmem>>) dst(%dma_wait3A_443 : memref<64x128xf32, #tpu.memory_space<hbm>>)
      tpu.yield
    }) : () -> ()
    return
  }
}

module attributes {stable_mosaic.version = 14 : i64} {
  func.func @_relmm_body(%arg0: i32, %arg1: i32, %arg2: memref<1024x128xf32, #tpu.memory_space<vmem>>, %arg3: memref<1x128x128xf32, #tpu.memory_space<vmem>>, %arg4: memref<1x1024x128xf32, #tpu.memory_space<vmem>>) attributes {dimension_semantics = [#tpu.dimension_semantics<arbitrary>, #tpu.dimension_semantics<arbitrary>], iteration_bounds = array<i64: 8, 10>, scalar_prefetch = 0 : i64, scratch_operands = 0 : i64, tpu.core_type = #tpu.core_type<tc>, window_params = [{transform_indices = @transform_0, window_bounds = array<i64: 1024, 128>}, {transform_indices = @transform_1, window_bounds = array<i64: 1, 128, 128>}, {transform_indices = @transform_2, window_bounds = array<i64: 1, 1024, 128>}]} {
    %get3A = arith.constant 0 : index
    %get3A_0 = arith.constant 0 : index
    %get3A_1 = vector.load %arg2[%get3A, %get3A_0] : memref<1024x128xf32, #tpu.memory_space<vmem>>, vector<1024x128xf32>
    %get3A_2 = arith.constant 0 : index
    %get3A_3 = arith.constant 0 : index
    %get3A_4 = arith.constant 0 : index
    %get3A_5 = vector.load %arg3[%get3A_2, %get3A_3, %get3A_4] : memref<1x128x128xf32, #tpu.memory_space<vmem>>, vector<1x128x128xf32>
    %get3A_6 = vector.shape_cast %get3A_5 : vector<1x128x128xf32> to vector<128x128xf32>
    %dot_general3A = arith.constant dense<0.000000e+00> : vector<1024x128xf32>
    %dot_general3A_7 = tpu.matmul %get3A_1, %get3A_6, %dot_general3A {dimension_numbers = #tpu.dot_dimension_numbers<[1], [0], [0], [1], [0, 0, 1, 1], [], []>, transpose_lhs_hint = false} : vector<1024x128xf32>, vector<128x128xf32>, vector<1024x128xf32> -> vector<1024x128xf32>
    %swap3A = arith.constant 0 : index
    %swap3A_8 = arith.constant 0 : index
    %swap3A_9 = arith.constant 0 : index
    %swap3A_10 = vector.load %arg4[%swap3A, %swap3A_8, %swap3A_9] : memref<1x1024x128xf32, #tpu.memory_space<vmem>>, vector<1x1024x128xf32>
    %swap3A_11 = vector.shape_cast %swap3A_10 : vector<1x1024x128xf32> to vector<1024x128xf32>
    %swap3A_12 = vector.shape_cast %dot_general3A_7 : vector<1024x128xf32> to vector<1x1024x128xf32>
    tpu.vector_store %arg4[%swap3A, %swap3A_8, %swap3A_9], %swap3A_12 {strides = array<i32>} : memref<1x1024x128xf32, #tpu.memory_space<vmem>>, vector<1x1024x128xf32>,
    return
  }
  func.func @transform_0(%arg0: i32, %arg1: i32) -> (i32, i32) {
    %c0_i32 = arith.constant 0 : i32
    %c0_i32_0 = arith.constant 0 : i32
    return %arg1, %c0_i32 : i32, i32
  }
  func.func @transform_1(%arg0: i32, %arg1: i32) -> (i32, i32, i32) {
    %c0_i32 = arith.constant 0 : i32
    %c0_i32_0 = arith.constant 0 : i32
    %c0_i32_1 = arith.constant 0 : i32
    return %arg0, %c0_i32, %c0_i32_0 : i32, i32, i32
  }
  func.func @transform_2(%arg0: i32, %arg1: i32) -> (i32, i32, i32) {
    %c0_i32 = arith.constant 0 : i32
    %c0_i32_0 = arith.constant 0 : i32
    return %arg0, %arg1, %c0_i32 : i32, i32, i32
  }
}

module attributes {stable_mosaic.version = 14 : i64} {
  func.func @_final_body(%arg0: i32, %arg1: memref<2x1024x128xf32, #tpu.memory_space<vmem>>, %arg2: memref<2x1024x128xf32, #tpu.memory_space<vmem>>, %arg3: memref<1024x128xf32, #tpu.memory_space<vmem>>, %arg4: memref<128x128xf32, #tpu.memory_space<vmem>>, %arg5: memref<1x128xf32, #tpu.memory_space<vmem>>, %arg6: memref<1024x128xf32, #tpu.memory_space<vmem>>) attributes {dimension_semantics = [#tpu.dimension_semantics<arbitrary>], iteration_bounds = array<i64: 10>, scalar_prefetch = 0 : i64, scratch_operands = 0 : i64, tpu.core_type = #tpu.core_type<tc>, window_params = [{transform_indices = @transform_0, window_bounds = array<i64: 2, 1024, 128>}, {transform_indices = @transform_1, window_bounds = array<i64: 2, 1024, 128>}, {transform_indices = @transform_2, window_bounds = array<i64: 1024, 128>}, {pipeline_mode = #tpu.pipeline_mode<synchronous>, transform_indices = @transform_3, window_bounds = array<i64: 128, 128>}, {pipeline_mode = #tpu.pipeline_mode<synchronous>, transform_indices = @transform_4, window_bounds = array<i64: 1, 128>}, {transform_indices = @transform_5, window_bounds = array<i64: 1024, 128>}]} {
    %get3A = arith.constant 0 : index
    %get3A_0 = arith.constant 0 : index
    %get3A_1 = vector.load %arg3[%get3A, %get3A_0] : memref<1024x128xf32, #tpu.memory_space<vmem>>, vector<1024x128xf32>
    %get3A_2 = arith.constant 0 : index
    %get3A_3 = arith.constant 0 : index
    %get3A_4 = vector.load %arg4[%get3A_2, %get3A_3] : memref<128x128xf32, #tpu.memory_space<vmem>>, vector<128x128xf32>
    %dot_general3A = arith.constant dense<0.000000e+00> : vector<1024x128xf32>
    %dot_general3A_5 = tpu.matmul %get3A_1, %get3A_4, %dot_general3A {dimension_numbers = #tpu.dot_dimension_numbers<[1], [0], [0], [1], [0, 0, 1, 1], [], []>, transpose_lhs_hint = false} : vector<1024x128xf32>, vector<128x128xf32>, vector<1024x128xf32> -> vector<1024x128xf32>
    %get3A_6 = arith.constant 0 : index
    %get3A_7 = arith.constant 0 : index
    %get3A_8 = arith.constant 0 : index
    %get3A_9 = vector.load %arg1[%get3A_6, %get3A_7, %get3A_8] : memref<2x1024x128xf32, #tpu.memory_space<vmem>>, vector<1x1024x128xf32>
    %get3A_10 = vector.shape_cast %get3A_9 : vector<1x1024x128xf32> to vector<1024x128xf32>
    %get3A_11 = arith.constant 1 : index
    %get3A_12 = arith.constant 0 : index
    %get3A_13 = arith.constant 0 : index
    %get3A_14 = vector.load %arg1[%get3A_11, %get3A_12, %get3A_13] : memref<2x1024x128xf32, #tpu.memory_space<vmem>>, vector<1x1024x128xf32>
    %get3A_15 = vector.shape_cast %get3A_14 : vector<1x1024x128xf32> to vector<1024x128xf32>
    %add3A = arith.addf %get3A_10, %get3A_15 : vector<1024x128xf32>
    %add3A_16 = arith.addf %add3A, %dot_general3A_5 : vector<1024x128xf32>
    %get3A_17 = arith.constant 0 : index
    %get3A_18 = arith.constant 0 : index
    %get3A_19 = arith.constant 0 : index
    %get3A_20 = vector.load %arg2[%get3A_17, %get3A_18, %get3A_19] : memref<2x1024x128xf32, #tpu.memory_space<vmem>>, vector<1x1024x1xf32>
    %get3A_21 = vector.shape_cast %get3A_20 : vector<1x1024x1xf32> to vector<1024x1xf32>
    %get3A_22 = arith.constant 1 : index
    %get3A_23 = arith.constant 0 : index
    %get3A_24 = arith.constant 0 : index
    %get3A_25 = vector.load %arg2[%get3A_22, %get3A_23, %get3A_24] : memref<2x1024x128xf32, #tpu.memory_space<vmem>>, vector<1x1024x1xf32>
    %get3A_26 = vector.shape_cast %get3A_25 : vector<1x1024x1xf32> to vector<1024x1xf32>
    %add3A_27 = arith.addf %get3A_21, %get3A_26 : vector<1024x1xf32>
    %add3A_28 = arith.constant 1.000000e+00 : f32
    %add3A_29 = vector.broadcast %add3A_28 : f32 to vector<1024x1xf32>
    %add3A_30 = arith.addf %add3A_27, %add3A_29 : vector<1024x1xf32>
    %div3A = arith.constant 1.000000e+00 : f32
    %div3A_31 = vector.broadcast %div3A : f32 to vector<1024x1xf32>
    %div3A_32 = arith.divf %div3A_31, %add3A_30 : vector<1024x1xf32>
    %mul3A = vector.broadcast %div3A_32 : vector<1024x1xf32> to vector<1024x128xf32>
    %mul3A_33 = arith.mulf %add3A_16, %mul3A : vector<1024x128xf32>
    %get3A_34 = arith.constant 0 : index
    %get3A_35 = arith.constant 0 : index
    %get3A_36 = vector.load %arg5[%get3A_34, %get3A_35] : memref<1x128xf32, #tpu.memory_space<vmem>>, vector<1x128xf32>
    %add3A_37 = vector.broadcast %get3A_36 : vector<1x128xf32> to vector<1024x128xf32>
    %add3A_38 = arith.addf %mul3A_33, %add3A_37 : vector<1024x128xf32>
    %max3A = arith.constant 0.000000e+00 : f32
    %max3A_39 = vector.broadcast %max3A : f32 to vector<1024x128xf32>
    %max3A_40 = arith.maximumf %add3A_38, %max3A_39 : vector<1024x128xf32>
    %swap3A = arith.constant 0 : index
    %swap3A_41 = arith.constant 0 : index
    %swap3A_42 = vector.load %arg6[%swap3A, %swap3A_41] : memref<1024x128xf32, #tpu.memory_space<vmem>>, vector<1024x128xf32>
    tpu.vector_store %arg6[%swap3A, %swap3A_41], %max3A_40 {strides = array<i32>} : memref<1024x128xf32, #tpu.memory_space<vmem>>, vector<1024x128xf32>,
    return
  }
  func.func @transform_0(%arg0: i32) -> (i32, i32, i32) {
    %c0_i32 = arith.constant 0 : i32
    %c0_i32_0 = arith.constant 0 : i32
    %c0_i32_1 = arith.constant 0 : i32
    return %c0_i32, %arg0, %c0_i32_0 : i32, i32, i32
  }
  func.func @transform_1(%arg0: i32) -> (i32, i32, i32) {
    %c0_i32 = arith.constant 0 : i32
    %c0_i32_0 = arith.constant 0 : i32
    %c0_i32_1 = arith.constant 0 : i32
    return %c0_i32, %arg0, %c0_i32_0 : i32, i32, i32
  }
  func.func @transform_2(%arg0: i32) -> (i32, i32) {
    %c0_i32 = arith.constant 0 : i32
    %c0_i32_0 = arith.constant 0 : i32
    return %arg0, %c0_i32 : i32, i32
  }
  func.func @transform_3(%arg0: i32) -> (i32, i32) {
    %c0_i32 = arith.constant 0 : i32
    %c0_i32_0 = arith.constant 0 : i32
    %c0_i32_1 = arith.constant 0 : i32
    return %c0_i32, %c0_i32_0 : i32, i32
  }
  func.func @transform_4(%arg0: i32) -> (i32, i32) {
    %c0_i32 = arith.constant 0 : i32
    %c0_i32_0 = arith.constant 0 : i32
    %c0_i32_1 = arith.constant 0 : i32
    return %c0_i32, %c0_i32_0 : i32, i32
  }
  func.func @transform_5(%arg0: i32) -> (i32, i32) {
    %c0_i32 = arith.constant 0 : i32
    %c0_i32_0 = arith.constant 0 : i32
    return %arg0, %c0_i32 : i32, i32
  }
}

</mosaic_0001>

<sc_bundles>
// kernel: kernel.5.cloned.1.call-start
scs
__scs_entry_jumppad:
0x0: {  	(pc) =	sbr.rel $0x88, $3  }
0x1: {  	(tag) =	ssettag $0x0;
	lr =	simm.s32 $0x1  }
0x2: {  	[smem:$0x3F9B] =	sst lr;
	_ =	strace $0xD0000000  }
0x3: {  	_ = 	snop  }
0x4: {  	_ = 	snop  }
0x5: {  	_ = 	snop  }
0x6: {  	_ = 	snop  }
0x7: {  	_ = 	snop  }
__scs_overlays_trampoline_lowered:
0x8: {  	[smem:$0x3FAA] =	sst s0  }
0x9: {  	[smem:$0x3FAB] =	sst s1  }
0xa: {  	[smem:$0x3FAC] =	sst s2  }
0xb: {  	[smem:$0x3FAD] =	sst s3  }
0xc: {  	[smem:$0x3FAE] =	sst s4  }
0xd: {  	[smem:$0x3FAF] =	sst s5  }
0xe: {  	[smem:$0x3FB0] =	sst s6  }
0xf: {  	[smem:$0x3FB1] =	sst s7  }
0x10: {  	[smem:$0x3FB2] =	sst s8  }
0x11: {  	[smem:$0x3FB3] =	sst s9;
	s0 =	simm.s32 @!p0 $0x0  }
0x12: {  	s1 =	sld [smem:$0x3F99];
	s0 =	simm.s32 @p0 $0x1  }
0x13: {  	[smem:$0x3FB4] =	sst s0;
	s0 =	simm.s32 @!p1 $0x0  }
0x14: {  	s2 =	sld [smem:$0x3F98];
	s0 =	simm.s32 @p1 $0x1  }
0x15: {  	[smem:$0x3FB5] =	sst s0;
	s0 =	simm.s32 @!p2 $0x0  }
0x16: {  	s3 =	sld [smem:$0x3FDB];
	s0 =	simm.s32 @p2 $0x1  }
0x17: {  	s4 =	simm.s32 $0x1BF5;
	[smem:$0x3FB7] =	sst s0  }
0x18: {  	s0 =	sld [smem:$0x3F9A];
	_ =	swait.ge [sflag:s4], $0x0  }
0x19: {  	s7 =	sld [smem:$0x3F9B]  }
0x1a: {  	s8 =	sadd.s32 $0xFFFFE003, lr  }
0x1b: {  	s9 =	sadd.s32 $0xFFFFFEF7, lr;
	s5 =	simm.s32 $0xFFFFFFFF;
	p2 =	slt.u32 s8, $0xFFFFF086  }
0x1c: {  	p1 =	slt.u32 s9, $0xF7A;
	s5 =	simm.s32 @!p2 $0x0  }
0x1d: {  	s5 =	simm.s32 @p1 $0x1;
	p0 =	seq.s32 s7, s2  }
0x1e: {  	s7 =	smul.u32 @!p0 $0xF7A, s2;
	p2 =	seq.s32 @!p0 s5, $0x0  }
0x1f: {  	s9 =	smul.u32 $0xF7A, s1;
	s8 =	simm.s32 @!p0 $0x1BF5;
	p2 =	por !p2, p0  }
0x20: {  	[sflag:s8] =	ssyncset.s32 @!p0 $0xFFFFF086;
	s6 =	sadd.s32 @!p0 s3, s7;
	s7 =	simm.s32 @!p0 $0x108  }
0x21: {  	s3 =	sadd.s32 s3, s9;
	s6 =	sadd.s32 @!p0 $0x88, s6;
	s7 =	simm.s32 @p2 $0x1082  }
0x22: {  	[simem:s7], [sflag:s8] =	dma.local @!p0 [hbm:s6], $0xF7A  }
0x23: {  	s9 =	sor.u32 $0xD0000000, s2;
	s6 =	simm.s32 $0x108;
	_ =	swait.ge @!p0 [sflag:s8], $0x0  }
0x24: {  	s3 =	sadd.s32 $0x88, s3;
	s6 =	simm.s32 @!p1 $0x1082;
	[sflag:s4] =	ssyncset.s32 $0xFFFFF086  }
0x25: {  	[simem:s6], [sflag:s4] =	dma.local [hbm:s3], $0xF7A  }
0x26: {  	[smem:$0x3F9B] =	sst s1;
	(tag) =	ssettag s2;
	_ =	strace s9  }
0x27: {  	s1 =	sld [smem:$0x3FAB]  }
0x28: {  	s2 =	sld [smem:$0x3FAC]  }
0x29: {  	s4 =	sld [smem:$0x3FAE]  }
0x2a: {  	p0 =	seq.s32 s5, $0x0;
	s5 =	sld [smem:$0x3FAF]  }
0x2b: {  	s6 =	sld [smem:$0x3FB0]  }
0x2c: {  	s7 =	sld [smem:$0x3FB1]  }
0x2d: {  	s3 =	simm.s32 $0x108;
	s8 =	sld [smem:$0x3FB2]  }
0x2e: {  	s3 =	simm.s32 @!p0 $0x1082;
	s9 =	sld [smem:$0x3FB3]  }
0x2f: {  	lr =	sadd.s32 s0, s3;
	s0 =	sld [smem:$0x3FAA]  }
0x30: {  	s3 =	sld [smem:$0x3FAD]  }
0x31: {  	[smem:$0x3FB6] =	sst s10  }
0x32: {  	s10 =	sld [smem:$0x3FB4];
	_ =	sdelay $0x3  }
0x33: {  	p0 =	seq.s32 s10, $0x1;
	s10 =	sld [smem:$0x3FB6];
	_ =	sdelay $0x3  }
0x34: {  	[smem:$0x3FB6] =	sst s10  }
0x35: {  	s10 =	sld [smem:$0x3FB5];
	_ =	sdelay $0x3  }
0x36: {  	p1 =	seq.s32 s10, $0x1;
	s10 =	sld [smem:$0x3FB6];
	_ =	sdelay $0x3  }
0x37: {  	[smem:$0x3FB6] =	sst s10  }
0x38: {  	s10 =	sld [smem:$0x3FB7]  }
0x39: {  	_ = 	snop;
	(pc) =	sbr.ind lr, $3  }
0x3a: {  	_ = 	snop  }
0x3b: {  	_ = 	snop  }
0x3c: {  	p2 =	seq.s32 s10, $0x1;
	s10 =	sld [smem:$0x3FB6]  }
0x3d: {  	_ =	shalt  }
0x3e: {  	_ =	shalt  }
0x3f: {  	_ =	shalt  }
0x40: {  	_ =	shalt  }
0x41: {  	_ =	shalt  }
0x42: {  	_ =	shalt  }
0x43: {  	_ =	shalt  }
0x44: {  	_ =	shalt  }
0x45: {  	_ =	shalt  }
0x46: {  	_ =	shalt  }
0x47: {  	_ =	shalt  }
0x48: {  	_ =	shalt  }
0x49: {  	_ =	shalt  }
0x4a: {  	_ =	shalt  }
0x4b: {  	_ =	shalt  }
0x4c: {  	_ =	shalt  }
0x4d: {  	_ =	shalt  }
0x4e: {  	_ =	shalt  }
0x4f: {  	_ =	shalt  }
0x50: {  	_ =	shalt  }
0x51: {  	_ =	shalt  }
0x52: {  	_ =	shalt  }
0x53: {  	_ =	shalt  }
0x54: {  	_ =	shalt  }
0x55: {  	_ =	shalt  }
0x56: {  	_ =	shalt  }
0x57: {  	_ =	shalt  }
0x58: {  	_ =	shalt  }
0x59: {  	_ =	shalt  }
0x5a: {  	_ =	shalt  }
0x5b: {  	_ =	shalt  }
0x5c: {  	_ =	shalt  }
0x5d: {  	_ =	shalt  }
0x5e: {  	_ =	shalt  }
0x5f: {  	_ =	shalt  }
0x60: {  	_ =	shalt  }
0x61: {  	_ =	shalt  }
0x62: {  	_ =	shalt  }
0x63: {  	_ =	shalt  }
0x64: {  	_ =	shalt  }
0x65: {  	_ =	shalt  }
0x66: {  	_ =	shalt  }
0x67: {  	_ =	shalt  }
0x68: {  	_ =	shalt  }
0x69: {  	_ =	shalt  }
0x6a: {  	_ =	shalt  }
0x6b: {  	_ =	shalt  }
0x6c: {  	_ =	shalt  }
0x6d: {  	_ =	shalt  }
0x6e: {  	_ =	shalt  }
0x6f: {  	_ =	shalt  }
0x70: {  	_ =	shalt  }
0x71: {  	_ =	shalt  }
0x72: {  	_ =	shalt  }
0x73: {  	_ =	shalt  }
0x74: {  	_ =	shalt  }
0x75: {  	_ =	shalt  }
0x76: {  	_ =	shalt  }
0x77: {  	_ =	shalt  }
0x78: {  	_ =	shalt  }
0x79: {  	_ =	shalt  }
0x7a: {  	_ =	shalt  }
0x7b: {  	_ =	shalt  }
0x7c: {  	_ =	shalt  }
0x7d: {  	_ =	shalt  }
0x7e: {  	_ =	shalt  }
0x7f: {  	_ =	shalt  }
0x80: {  	_ =	shalt  }
0x81: {  	_ =	shalt  }
0x82: {  	_ =	shalt  }
0x83: {  	_ =	shalt  }
0x84: {  	_ =	shalt  }
0x85: {  	_ =	shalt  }
0x86: {  	_ =	shalt  }
0x87: {  	_ =	shalt  }
.Lfunc_end0:
.L_simem_size_0:
called_computation_lowered:
.L_overlay_start_0:
0x88: {  	s2 =	sld [smem:$0x3FD9]  }
0x89: {  	s3 =	sld [smem:$0x3FFE];
	_ =	sdelay $0x1  }
0x8a: {  	s1 =	srdreg.scid  }
0x8b: {  	s0 =	sand.u32 $0x1, s1  }
0x8c: {  	s14 =	sshll.u32 s0, $0xA;
	s2 =	sadd.s32 s3, s2  }
0x8d: {  	s2 =	sadd.s32 s2, s14  }
0x8e: {  	[smem:$0x3FC2] =	sst s2  }
0x8f: {  	_ = 	snop  }
0x90: {  	s2 =	sld [smem:$0x3FD0];
	_ =	sdelay $0x2  }
0x91: {  	s15 =	simm.s32 $0xA;
	s4 =	simm.s32 $0x10  }
0x92: {  	[smem:s4], [sflag:s15] =	dma.local [hbm:s2], $0x1  }
0x93: {  	_ =	swait.eq [sflag:s15], $0x1  }
0x94: {  	[sflag:s15] =	ssyncset.done $0x0  }
0x95: {  	s16 =	sld [smem:$0x10];
	[sflag:s15] =	ssyncadd.s32 $0xFFFFFFFF  }
0x96: {  	s17 =	sld [smem:$0x11];
	(tm) =	ssettm $0x1  }
0x97: {  	s18 =	sld [smem:$0x3FFB];
	_ =	sdelay $0x3  }
0x98: {  	_ =	strace s18  }
0x99: {  	s4 =	sld [smem:$0x3FFC];
	_ =	sdelay $0x3  }
0x9a: {  	_ =	strace s4  }
0x9b: {  	s4 =	sld [smem:$0x3FFD];
	_ =	sdelay $0x3  }
0x9c: {  	_ =	strace s4  }
0x9d: {  	_ =	strace $0x8FFFFFFF  }
0x9e: {  	s19 =	sld [smem:$0x3FDB];
	_ =	sdelay $0x1  }
0x9f: {  	s5 =	simm.s32 $_scs_section_size  }
0xa0: {  	s6 =	simm.s32 $_size__tile_overlayer_lowered;
	s7 =	simm.s32 $_tile_overlayer_lowered  }
0xa1: {  	s22 =	simm.s32 $0x1BFF;
	s21 =	sshll.u32 s7, $0x1;
	s4 =	sadd.s32 s5, s19  }
0xa2: {  	s8 =	simm.s32 $0x0;
	s20 =	sshll.u32 s6, $0x1;
	s6 =	sadd.s32 s21, s4  }
0xa3: {  	[timem:s8], [sflag:s22] =	dma.local [hbm:s6], s20  }
0xa4: {  	_ =	swait.ge [sflag:s22], s20  }
0xa5: {  	s5 =	ssub.s32 $0x0, s20;
	[sflag:s22] =	ssyncset.done $0x0  }
0xa6: {  	[sflag:s22] =	ssyncadd.s32 s5;
	_ =	sdelay $0x1  }
0xa7: {  	s23 =	simm.s32 $0x1B8B  }
0xa8: {  	_ =	swait.ge [sflag:s23], $0x1  }
0xa9: {  	[sflag:s23] =	ssyncset.done $0x0  }
0xaa: {  	s25 =	simm.s32 $0x1B8E;
	s24 =	sld [smem:$0x3FFE];
	[sflag:s23] =	ssyncadd.s32 $0xFFFFFFFF  }
0xab: {  	s26 =	simm.s32 $execute0_lowered;
	[smem:$0x3FD2] =	sst s25  }
0xac: {  	s6 =	sshll.u32 s26, $0x1;
	_ =	strace $0x80000046;
	[dreg:$0x1] =	wrdreg $0xFFFFFFFF  }
0xad: {  	s28 =	simm.s32 $_size_execute0_lowered;
	s4 =	sadd.s32 s4, s6;
	[dreg:$0x0] =	wrdreg $0x0  }
0xae: {  	s6 =	sshll.u32 s28, $0x1;
	[dreg:$0x2] =	wrdreg s4  }
0xaf: {  	[dreg:$0x3] =	wrdreg s6  }
0xb0: {  	[dreg:$0x4] =	wrdreg $0xC0  }
0xb1: {  	_ =	task [dreg:s8], $0x5FFFF  }
0xb2: {  	[dreg:$0x1] =	wrdreg $0xFFFFFFFF  }
0xb3: {  	[dreg:$0x0] =	wrdreg $0x60  }
0xb4: {  	[dreg:$0x2] =	wrdreg s24  }
0xb5: {  	[dreg:$0x3] =	wrdreg s16  }
0xb6: {  	[dreg:$0x4] =	wrdreg s17  }
0xb7: {  	[dreg:$0x5] =	wrdreg $0x50000  }
0xb8: {  	[dreg:$0x6] =	wrdreg $0x9  }
0xb9: {  	_ =	task.clear_ibuf [dreg:s8], $0x7FFFF;
	_ =	strace $0x90000046  }
0xba: {  	s29 =	simm.s32 $0x9;
	_ =	strace $0x80000048  }
0xbb: {  	_ =	swait.ge [sflag:s29], $0x1  }
0xbc: {  	[sflag:s29] =	ssyncadd.s32 $0xFFFFFFFF  }
0xbd: {  	_ =	strace $0x90000048  }
0xbe: {  	_ =	sfence  }
0xbf: {  	s30 =	sld [smem:$0x0];
	_ =	sdelay $0x2  }
0xc0: {  	s31 =	sshll.u32 s1, $0xD;
	s1 =	sshrl.u32 s1, $0x2  }
0xc1: {  	s3 =	sand.u32 $0x4000, s31;
	s1 =	sadd.s32 s1, s30  }
0xc2: {  	s0 =	sor.u32 s3, s0;
	s1 =	sshll.u32 s1, $0x11  }
0xc3: {  	s0 =	sor.u32 s1, s0  }
0xc4: {  	s0 =	sadd.s32 $0x8F2B, s0  }
0xc5: {  	[sflag:s0] =	ssyncadd.remote.s32 $0x1  }
0xc6: {  	_ =	sfence.sel $0xFFFF  }
0xc7: {  	[dreg:$0x0] =	wrdreg $0xFFFFFFFF;
	(pc) =	sbr.abs _section_cstart, $3  }
0xc8: {  	[dreg:$0x1] =	wrdreg $0xFFFFFFFF  }
0xc9: {  	_ =	task.clear_ibuf [dreg:s8], $0x2FFFF;
	_ =	strace $0x9FFFFFFF  }
0xca: {  	(tm) =	ssettm $0x7FFFFFFF  }
0xcb: {  	_ =	shalt  }
tec
execute0_lowered:
.L_overlay_start_1:
0x0: {  	(tag) =	ssettag $0x1  }
0x1: {  	s0 =	srdreg.scid;
	s2 =	rddreg [dreg:$0x0]  }
0x2: {  	s15 =	stileid.u32;
	s4 =	rddreg [dreg:$0x2]  }
0x3: {  	s1 =	simm.s32 $0x0;
	s0 =	sand.u32 $0x1, s0;
	s5 =	smul.u32 $0x14000, s15  }
0x4: {  	[smem:$0x7FF] =	sst s1;
	s7 =	sadd.s32 $0x14E200, s2;
	s3 =	smul.u32 $0x140000, s0  }
0x5: {  	s26 =	sshll.u32 s15, $0x8;
	s25 =	sadd.s32 $0x19E200, s2;
	s6 =	ssub.s32 $0x2, s0  }
0x6: {  	s4 =	sadd.s32 s4, s26;
	s8 =	sshrl.u32 s6, $0x1;
	s3 =	sadd.s32 s5, s3  }
0x7: {  	[dreg:$0x5] =	wrdreg s4;
	s5 =	ssub.s32 s6, s8;
	s3 =	sshrl.u32 s3, $0x3  }
0x8: {  	s6 =	sadd.s32 s7, s3;
	s8 =	sor.u32 $0x400, s3;
	s17 =	sadd.s32 $0x800, s3  }
0x9: {  	s18 =	sadd.s32 $0xC00, s3;
	s20 =	sadd.s32 $0x1000, s3;
	s21 =	sadd.s32 $0x1400, s3  }
0xa: {  	s11 =	sadd.s32 $0x1800, s3;
	s23 =	sadd.s32 $0x1C00, s3;
	s24 =	sadd.s32 $0x2000, s3  }
0xb: {  	s14 =	sadd.s32 $0x2400, s3;
	s3 =	sadd.s32 s25, s3;
	[dreg:$0x6] =	wrdreg s6  }
0xc: {  	s16 =	sadd.s32 s7, s8;
	[dreg:$0x10] =	wrdreg s3  }
0xd: {  	s9 =	sadd.s32 s7, s17;
	[dreg:$0x7] =	wrdreg s16  }
0xe: {  	s19 =	sadd.s32 s7, s18;
	[dreg:$0x8] =	wrdreg s9  }
0xf: {  	s10 =	sadd.s32 s7, s20;
	[dreg:$0x9] =	wrdreg s19  }
0x10: {  	s12 =	sadd.s32 s7, s21;
	[dreg:$0xa] =	wrdreg s10  }
0x11: {  	s29 =	simm.s32 $0x580;
	s22 =	sadd.s32 s7, s11;
	[dreg:$0xb] =	wrdreg s12  }
0x12: {  	s30 =	simm.s32 $0x280;
	s13 =	sadd.s32 s7, s23;
	[dreg:$0xc] =	wrdreg s22  }
0x13: {  	s28 =	simm.s32 $0x600;
	s26 =	sadd.s32 s25, s8;
	[dreg:$0xd] =	wrdreg s13  }
0x14: {  	s0 =	smul.u32 $0xA00, s0;
	s4 =	sadd.s32 s25, s17;
	[dreg:$0x11] =	wrdreg s26  }
0x15: {  	s6 =	sadd.s32 s25, s18;
	s8 =	sadd.s32 s25, s20;
	[dreg:$0x12] =	wrdreg s4  }
0x16: {  	s17 =	sadd.s32 s25, s14;
	s20 =	sadd.s32 $0x14DA00, s2;
	[dreg:$0x13] =	wrdreg s6  }
0x17: {  	s16 =	sadd.s32 s7, s24;
	s7 =	sadd.s32 s7, s14;
	[dreg:$0x14] =	wrdreg s8  }
0x18: {  	s9 =	sadd.s32 s25, s21;
	s10 =	sadd.s32 s25, s11;
	[dreg:$0x19] =	wrdreg s17  }
0x19: {  	s12 =	smul.u32 $0x1400, s15;
	s15 =	sadd.s32 s25, s24;
	s24 =	rddreg [dreg:$0x3]  }
0x1a: {  	s11 =	sadd.s32 s25, s23;
	s26 =	sadd.s32 $0x15200, s2;
	[dreg:$0xe] =	wrdreg s16  }
0x1b: {  	s21 =	smax.u32 s5, $0x1;
	s13 =	simm.s32 $0x400;
	[dreg:$0xf] =	wrdreg s7  }
0x1c: {  	s14 =	simm.s32 $0x80;
	s17 =	simm.s32 $0x100;
	[dreg:$0x15] =	wrdreg s9  }
0x1d: {  	s23 =	simm.s32 $0x200;
	s4 =	simm.s32 $0x300;
	[dreg:$0x16] =	wrdreg s10  }
0x1e: {  	s5 =	simm.s32 $0x680;
	s6 =	simm.s32 $0x380;
	[dreg:$0x17] =	wrdreg s11  }
0x1f: {  	s8 =	simm.s32 $0x780;
	s22 =	simm.s32 $0x0;
	[dreg:$0x18] =	wrdreg s15  }
0x20: {  	s16 =	rddreg [dreg:$0x1];
	s10 =	simm.s32 $0xC00;
	s11 =	simm.s32 $0xC80  }
0x21: {  	s15 =	simm.s32 $0x3000;
	s7 =	simm.s32 $0x700;
	s18 =	sadd.s32 s12, s2  }
0x22: {  	s3 =	sadd.s32 s12, s16;
	_ =	strace $0x80000047;
	[dreg:$0x1b] =	wrdreg s20  }
0x23: {  	s12 =	sadd.s32 $0x14DE00, s2;
	[dreg:$0x1c] =	wrdreg s21;
	s2 =	simm.s32 $0x1000  }
0x24: {  	s16 =	simm.s32 $0x1;
	s20 =	simm.s32 $0x180;
	s21 =	simm.s32 $0x500  }
0x25: {  	[dreg:$0x1d] =	wrdreg s22;
	s19 =	sadd.s32 s0, s18;
	s25 =	sadd.s32 s0, s3  }
0x26: {  	s0 =	simm.s32 $0x3;
	s3 =	simm.s32 $0x40;
	s18 =	simm.s32 $0x2  }
0x27: {  	[dreg:$0x1a] =	wrdreg s12;
	s31 =	sadd.s32 $0x1200, s19;
	s19 =	simm.s32 $0x480  }
.LBB2_1:
0x28: {  	s9 =	rddreg [dreg:$0x5];
	s22 =	simm.s32 $0x800  }
0x29: {  	[tilespmem:s22], [sflag:$0x3] =	stream.linear.gather [hbm4b:s9+s1], $0x500, $0x38;
	[tilespmem:$0x19000] =	vst v63  }
0x2a: {  	_ =	swait.ge [sflag:s0], $0x500  }
0x2b: {  	[sflag:s0] =	ssyncset.done $0x0  }
0x2c: {  	[sflag:s0] =	ssyncadd.s32 $0xFFFFFB00  }
0x2d: {  	[tilespmem:s2], [sflag:$0x3] =	stream.linear.gather [hbm4b:s12+s1], $0x2000, $0x38;
	[tilespmem:$0x19000] =	vst v63  }
0x2e: {  	_ =	swait.ge [sflag:s0], $0x2000  }
0x2f: {  	[sflag:s0] =	ssyncset.done $0x0  }
0x30: {  	[sflag:s0] =	ssyncadd.s32 $0xFFFFE000  }
0x31: {  	[spmem:s24] =	stream.indirect.scatter [tilespmem:s2], [sflag:$0x3], $0x80, s22, s3, $0xb8;
	[tilespmem:$0x19000] =	vst v63  }
0x32: {  	_ =	swait.ge [sflag:s0], $0x2000  }
0x33: {  	[sflag:s0] =	ssyncset.done $0x0  }
0x34: {  	s22 =	simm.s32 $0x880;
	[sflag:s0] =	ssyncadd.s32 $0xFFFFE000  }
0x35: {  	[spmem:s24] =	stream.indirect.scatter [tilespmem:s2], [sflag:$0x3], $0x80, s22, s3, $0xb8;
	[tilespmem:$0x19000] =	vst v63  }
0x36: {  	_ =	swait.ge [sflag:s0], $0x2000  }
0x37: {  	[sflag:s0] =	ssyncset.done $0x0  }
0x38: {  	s12 =	simm.s32 $0x900;
	[sflag:s0] =	ssyncadd.s32 $0xFFFFE000  }
0x39: {  	[spmem:s24] =	stream.indirect.scatter [tilespmem:s2], [sflag:$0x3], $0x80, s12, s3, $0xb8;
	[tilespmem:$0x19000] =	vst v63  }
0x3a: {  	_ =	swait.ge [sflag:s0], $0x2000  }
0x3b: {  	[sflag:s0] =	ssyncset.done $0x0  }
0x3c: {  	s22 =	simm.s32 $0x980;
	[sflag:s0] =	ssyncadd.s32 $0xFFFFE000  }
0x3d: {  	[spmem:s24] =	stream.indirect.scatter [tilespmem:s2], [sflag:$0x3], $0x80, s22, s3, $0xb8;
	[tilespmem:$0x19000] =	vst v63  }
0x3e: {  	_ =	swait.ge [sflag:s0], $0x2000  }
0x3f: {  	[sflag:s0] =	ssyncset.done $0x0  }
0x40: {  	s12 =	simm.s32 $0xA00;
	[sflag:s0] =	ssyncadd.s32 $0xFFFFE000  }
0x41: {  	[spmem:s24] =	stream.indirect.scatter [tilespmem:s2], [sflag:$0x3], $0x80, s12, s3, $0xb8;
	[tilespmem:$0x19000] =	vst v63  }
0x42: {  	_ =	swait.ge [sflag:s0], $0x2000  }
0x43: {  	[sflag:s0] =	ssyncset.done $0x0  }
0x44: {  	s22 =	simm.s32 $0xA80;
	[sflag:s0] =	ssyncadd.s32 $0xFFFFE000  }
0x45: {  	[spmem:s24] =	stream.indirect.scatter [tilespmem:s2], [sflag:$0x3], $0x80, s22, s3, $0xb8;
	[tilespmem:$0x19000] =	vst v63  }
0x46: {  	_ =	swait.ge [sflag:s0], $0x2000  }
0x47: {  	[sflag:s0] =	ssyncset.done $0x0  }
0x48: {  	s12 =	simm.s32 $0xB00;
	[sflag:s0] =	ssyncadd.s32 $0xFFFFE000  }
0x49: {  	[spmem:s24] =	stream.indirect.scatter [tilespmem:s2], [sflag:$0x3], $0x80, s12, s3, $0xb8;
	[tilespmem:$0x19000] =	vst v63  }
0x4a: {  	_ =	swait.ge [sflag:s0], $0x2000  }
0x4b: {  	[sflag:s0] =	ssyncset.done $0x0  }
0x4c: {  	s22 =	simm.s32 $0xB80;
	[sflag:s0] =	ssyncadd.s32 $0xFFFFE000  }
0x4d: {  	[spmem:s24] =	stream.indirect.scatter [tilespmem:s2], [sflag:$0x3], $0x80, s22, s3, $0xb8;
	[tilespmem:$0x19000] =	vst v63  }
0x4e: {  	_ =	swait.ge [sflag:s0], $0x2000  }
0x4f: {  	[sflag:s0] =	ssyncset.done $0x0  }
0x50: {  	[sflag:s0] =	ssyncadd.s32 $0xFFFFE000  }
0x51: {  	[spmem:s24] =	stream.indirect.scatter [tilespmem:s2], [sflag:$0x3], $0x80, s10, s3, $0xb8;
	[tilespmem:$0x19000] =	vst v63  }
0x52: {  	_ =	swait.ge [sflag:s0], $0x2000  }
0x53: {  	[sflag:s0] =	ssyncset.done $0x0  }
0x54: {  	[sflag:s0] =	ssyncadd.s32 $0xFFFFE000  }
0x55: {  	[spmem:s24] =	stream.indirect.scatter [tilespmem:s2], [sflag:$0x3], $0x80, s11, s3, $0xb8;
	[tilespmem:$0x19000] =	vst v63  }
0x56: {  	_ =	swait.ge [sflag:s0], $0x2000  }
0x57: {  	[sflag:s0] =	ssyncset.done $0x0  }
0x58: {  	[sflag:s0] =	ssyncadd.s32 $0xFFFFE000  }
0x59: {  	s12 =	sadd.s32 $0x0, s25;
	[bflag:$0x0] =	sbarrier.arrive $0xFFFF  }
0x5a: {  	[tilespmem:s1], [sflag:$0x3] =	stream.linear.gather [hbm4b:s12+s1], $0x400, $0x38;
	[tilespmem:$0x19000] =	vst v63  }
0x5b: {  	_ =	swait.ge [sflag:s0], $0x400  }
0x5c: {  	[sflag:s0] =	ssyncset.done $0x0  }
0x5d: {  	s22 =	sadd.s32 $0x0, s31;
	[sflag:s0] =	ssyncadd.s32 $0xFFFFFC00  }
0x5e: {  	[tilespmem:s13], [sflag:$0x3] =	stream.linear.gather [hbm4b:s22+s1], $0x400, $0x38;
	[tilespmem:$0x19000] =	vst v63  }
0x5f: {  	_ =	swait.ge [sflag:s0], $0x400  }
0x60: {  	[sflag:s0] =	ssyncset.done $0x0  }
0x61: {  	[sflag:s0] =	ssyncadd.s32 $0xFFFFFC00  }
0x62: {  	[tilespmem:s2], [sflag:$0x1] =	stream.indirect.gather [hbm4b:s26+s3], $0x80, s1, s3, $0xb8;
	[tilespmem:$0x19000] =	vst v63  }
0x63: {  	_ = 	snop  }
0x64: {  	[tilespmem:s15], [sflag:$0x2] =	stream.indirect.gather [hbm4b:s26+s3], $0x80, s14, s3, $0xb8;
	[tilespmem:$0x19000] =	vst v63  }
0x65: {  	_ =	swait.ge [sflag:s16], $0x2000  }
0x66: {  	[sflag:s16] =	ssyncset.done $0x0  }
0x67: {  	[sflag:s16] =	ssyncadd.s32 $0xFFFFE000  }
0x68: {  	[spmem:s24] =	stream.indirect.scatter.add.f32 [tilespmem:s2], [sflag:$0x3], $0x80, s13, s3, $0xb8;
	[tilespmem:$0x19000] =	vst v63  }
0x69: {  	_ =	swait.ge [sflag:s0], $0x2000  }
0x6a: {  	[sflag:s0] =	ssyncset.done $0x0  }
0x6b: {  	[sflag:s0] =	ssyncadd.s32 $0xFFFFE000  }
0x6c: {  	[tilespmem:s2], [sflag:$0x1] =	stream.indirect.gather [hbm4b:s26+s3], $0x80, s17, s3, $0xb8;
	[tilespmem:$0x19000] =	vst v63  }
0x6d: {  	_ =	swait.ge [sflag:s18], $0x2000  }
0x6e: {  	[sflag:s18] =	ssyncset.done $0x0  }
0x6f: {  	[sflag:s18] =	ssyncadd.s32 $0xFFFFE000  }
0x70: {  	[spmem:s24] =	stream.indirect.scatter.add.f32 [tilespmem:s15], [sflag:$0x3], $0x80, s19, s3, $0xb8;
	[tilespmem:$0x19000] =	vst v63  }
0x71: {  	_ =	swait.ge [sflag:s0], $0x2000  }
0x72: {  	[sflag:s0] =	ssyncset.done $0x0  }
0x73: {  	[sflag:s0] =	ssyncadd.s32 $0xFFFFE000  }
0x74: {  	[tilespmem:s15], [sflag:$0x2] =	stream.indirect.gather [hbm4b:s26+s3], $0x80, s20, s3, $0xb8;
	[tilespmem:$0x19000] =	vst v63  }
0x75: {  	_ =	swait.ge [sflag:s16], $0x2000  }
0x76: {  	[sflag:s16] =	ssyncset.done $0x0  }
0x77: {  	[sflag:s16] =	ssyncadd.s32 $0xFFFFE000  }
0x78: {  	[spmem:s24] =	stream.indirect.scatter.add.f32 [tilespmem:s2], [sflag:$0x3], $0x80, s21, s3, $0xb8;
	[tilespmem:$0x19000] =	vst v63  }
0x79: {  	_ =	swait.ge [sflag:s0], $0x2000  }
0x7a: {  	[sflag:s0] =	ssyncset.done $0x0  }
0x7b: {  	[sflag:s0] =	ssyncadd.s32 $0xFFFFE000  }
0x7c: {  	[tilespmem:s2], [sflag:$0x1] =	stream.indirect.gather [hbm4b:s26+s3], $0x80, s23, s3, $0xb8;
	[tilespmem:$0x19000] =	vst v63  }
0x7d: {  	_ =	swait.ge [sflag:s18], $0x2000  }
0x7e: {  	[sflag:s18] =	ssyncset.done $0x0  }
0x7f: {  	[sflag:s18] =	ssyncadd.s32 $0xFFFFE000  }
0x80: {  	[spmem:s24] =	stream.indirect.scatter.add.f32 [tilespmem:s15], [sflag:$0x3], $0x80, s29, s3, $0xb8;
	[tilespmem:$0x19000] =	vst v63  }
0x81: {  	_ =	swait.ge [sflag:s0], $0x2000  }
0x82: {  	[sflag:s0] =	ssyncset.done $0x0  }
0x83: {  	[sflag:s0] =	ssyncadd.s32 $0xFFFFE000  }
0x84: {  	[tilespmem:s15], [sflag:$0x2] =	stream.indirect.gather [hbm4b:s26+s3], $0x80, s30, s3, $0xb8;
	[tilespmem:$0x19000] =	vst v63  }
0x85: {  	_ =	swait.ge [sflag:s16], $0x2000  }
0x86: {  	[sflag:s16] =	ssyncset.done $0x0  }
0x87: {  	[sflag:s16] =	ssyncadd.s32 $0xFFFFE000  }
0x88: {  	[spmem:s24] =	stream.indirect.scatter.add.f32 [tilespmem:s2], [sflag:$0x3], $0x80, s28, s3, $0xb8;
	[tilespmem:$0x19000] =	vst v63  }
0x89: {  	_ =	swait.ge [sflag:s0], $0x2000  }
0x8a: {  	[sflag:s0] =	ssyncset.done $0x0  }
0x8b: {  	[sflag:s0] =	ssyncadd.s32 $0xFFFFE000  }
0x8c: {  	[tilespmem:s2], [sflag:$0x1] =	stream.indirect.gather [hbm4b:s26+s3], $0x80, s4, s3, $0xb8;
	[tilespmem:$0x19000] =	vst v63  }
0x8d: {  	_ =	swait.ge [sflag:s18], $0x2000  }
0x8e: {  	[sflag:s18] =	ssyncset.done $0x0  }
0x8f: {  	[sflag:s18] =	ssyncadd.s32 $0xFFFFE000  }
0x90: {  	[spmem:s24] =	stream.indirect.scatter.add.f32 [tilespmem:s15], [sflag:$0x3], $0x80, s5, s3, $0xb8;
	[tilespmem:$0x19000] =	vst v63  }
0x91: {  	_ =	swait.ge [sflag:s0], $0x2000  }
0x92: {  	[sflag:s0] =	ssyncset.done $0x0  }
0x93: {  	[sflag:s0] =	ssyncadd.s32 $0xFFFFE000  }
0x94: {  	[tilespmem:s15], [sflag:$0x2] =	stream.indirect.gather [hbm4b:s26+s3], $0x80, s6, s3, $0xb8;
	[tilespmem:$0x19000] =	vst v63  }
0x95: {  	_ =	swait.ge [sflag:s16], $0x2000  }
0x96: {  	[sflag:s16] =	ssyncset.done $0x0  }
0x97: {  	[sflag:s16] =	ssyncadd.s32 $0xFFFFE000  }
0x98: {  	[spmem:s24] =	stream.indirect.scatter.add.f32 [tilespmem:s2], [sflag:$0x3], $0x80, s7, s3, $0xb8;
	[tilespmem:$0x19000] =	vst v63  }
0x99: {  	_ =	swait.ge [sflag:s0], $0x2000  }
0x9a: {  	[sflag:s0] =	ssyncset.done $0x0  }
0x9b: {  	[sflag:s0] =	ssyncadd.s32 $0xFFFFE000  }
0x9c: {  	_ =	swait.ge [sflag:s18], $0x2000  }
0x9d: {  	[sflag:s18] =	ssyncset.done $0x0  }
0x9e: {  	[sflag:s18] =	ssyncadd.s32 $0xFFFFE000  }
0x9f: {  	[spmem:s24] =	stream.indirect.scatter.add.f32 [tilespmem:s15], [sflag:$0x3], $0x80, s8, s3, $0xb8;
	[tilespmem:$0x19000] =	vst v63  }
0xa0: {  	_ =	swait.ge [sflag:s0], $0x2000  }
0xa1: {  	s10 =	simm.s32 $0x80;
	s11 =	simm.s32 $0x100;
	[sflag:s0] =	ssyncset.done $0x0  }
.LBB2_2:
0xa2: {  	s22 =	sadd.s32 s10, s25  }
0xa3: {  	[sflag:s0] =	ssyncadd.s32 $0xFFFFE000;
	s9 =	smov.u32 s11;
	s12 =	sadd.s32 $0x80, s11  }
0xa4: {  	[tilespmem:s1], [sflag:$0x3] =	stream.linear.gather [hbm4b:s22+s1], $0x400, $0x38;
	[tilespmem:$0x19000] =	vst v63  }
0xa5: {  	p0 =	sne.s32 s11, $0x980;
	_ =	swait.ge [sflag:s0], $0x400  }
0xa6: {  	[sflag:s0] =	ssyncset.done $0x0  }
0xa7: {  	s11 =	sadd.s32 s10, s31;
	s10 =	smov.u32 s9;
	[sflag:s0] =	ssyncadd.s32 $0xFFFFFC00  }
0xa8: {  	[tilespmem:s13], [sflag:$0x3] =	stream.linear.gather [hbm4b:s11+s1], $0x400, $0x38;
	[tilespmem:$0x19000] =	vst v63  }
0xa9: {  	_ =	swait.ge [sflag:s0], $0x400  }
0xaa: {  	[sflag:s0] =	ssyncset.done $0x0  }
0xab: {  	[sflag:s0] =	ssyncadd.s32 $0xFFFFFC00  }
0xac: {  	[tilespmem:s2], [sflag:$0x1] =	stream.indirect.gather [hbm4b:s26+s3], $0x80, s1, s3, $0xb8;
	[tilespmem:$0x19000] =	vst v63  }
0xad: {  	_ = 	snop  }
0xae: {  	[tilespmem:s15], [sflag:$0x2] =	stream.indirect.gather [hbm4b:s26+s3], $0x80, s14, s3, $0xb8;
	[tilespmem:$0x19000] =	vst v63  }
0xaf: {  	_ =	swait.ge [sflag:s16], $0x2000  }
0xb0: {  	[sflag:s16] =	ssyncset.done $0x0  }
0xb1: {  	[sflag:s16] =	ssyncadd.s32 $0xFFFFE000  }
0xb2: {  	[spmem:s24] =	stream.indirect.scatter.add.f32 [tilespmem:s2], [sflag:$0x3], $0x80, s13, s3, $0xb8;
	[tilespmem:$0x19000] =	vst v63  }
0xb3: {  	_ =	swait.ge [sflag:s0], $0x2000  }
0xb4: {  	[sflag:s0] =	ssyncset.done $0x0  }
0xb5: {  	[sflag:s0] =	ssyncadd.s32 $0xFFFFE000  }
0xb6: {  	[tilespmem:s2], [sflag:$0x1] =	stream.indirect.gather [hbm4b:s26+s3], $0x80, s17, s3, $0xb8;
	[tilespmem:$0x19000] =	vst v63  }
0xb7: {  	_ =	swait.ge [sflag:s18], $0x2000  }
0xb8: {  	[sflag:s18] =	ssyncset.done $0x0  }
0xb9: {  	[sflag:s18] =	ssyncadd.s32 $0xFFFFE000  }
0xba: {  	[spmem:s24] =	stream.indirect.scatter.add.f32 [tilespmem:s15], [sflag:$0x3], $0x80, s19, s3, $0xb8;
	[tilespmem:$0x19000] =	vst v63  }
0xbb: {  	_ =	swait.ge [sflag:s0], $0x2000  }
0xbc: {  	[sflag:s0] =	ssyncset.done $0x0  }
0xbd: {  	[sflag:s0] =	ssyncadd.s32 $0xFFFFE000  }
0xbe: {  	[tilespmem:s15], [sflag:$0x2] =	stream.indirect.gather [hbm4b:s26+s3], $0x80, s20, s3, $0xb8;
	[tilespmem:$0x19000] =	vst v63  }
0xbf: {  	_ =	swait.ge [sflag:s16], $0x2000  }
0xc0: {  	[sflag:s16] =	ssyncset.done $0x0  }
0xc1: {  	[sflag:s16] =	ssyncadd.s32 $0xFFFFE000  }
0xc2: {  	[spmem:s24] =	stream.indirect.scatter.add.f32 [tilespmem:s2], [sflag:$0x3], $0x80, s21, s3, $0xb8;
	[tilespmem:$0x19000] =	vst v63  }
0xc3: {  	_ =	swait.ge [sflag:s0], $0x2000  }
0xc4: {  	[sflag:s0] =	ssyncset.done $0x0  }
0xc5: {  	[sflag:s0] =	ssyncadd.s32 $0xFFFFE000  }
0xc6: {  	[tilespmem:s2], [sflag:$0x1] =	stream.indirect.gather [hbm4b:s26+s3], $0x80, s23, s3, $0xb8;
	[tilespmem:$0x19000] =	vst v63  }
0xc7: {  	_ =	swait.ge [sflag:s18], $0x2000  }
0xc8: {  	[sflag:s18] =	ssyncset.done $0x0  }
0xc9: {  	[sflag:s18] =	ssyncadd.s32 $0xFFFFE000  }
0xca: {  	[spmem:s24] =	stream.indirect.scatter.add.f32 [tilespmem:s15], [sflag:$0x3], $0x80, s29, s3, $0xb8;
	[tilespmem:$0x19000] =	vst v63  }
0xcb: {  	_ =	swait.ge [sflag:s0], $0x2000  }
0xcc: {  	[sflag:s0] =	ssyncset.done $0x0  }
0xcd: {  	[sflag:s0] =	ssyncadd.s32 $0xFFFFE000  }
0xce: {  	[tilespmem:s15], [sflag:$0x2] =	stream.indirect.gather [hbm4b:s26+s3], $0x80, s30, s3, $0xb8;
	[tilespmem:$0x19000] =	vst v63  }
0xcf: {  	_ =	swait.ge [sflag:s16], $0x2000  }
0xd0: {  	[sflag:s16] =	ssyncset.done $0x0  }
0xd1: {  	[sflag:s16] =	ssyncadd.s32 $0xFFFFE000  }
0xd2: {  	[spmem:s24] =	stream.indirect.scatter.add.f32 [tilespmem:s2], [sflag:$0x3], $0x80, s28, s3, $0xb8;
	[tilespmem:$0x19000] =	vst v63  }
0xd3: {  	_ =	swait.ge [sflag:s0], $0x2000  }
0xd4: {  	[sflag:s0] =	ssyncset.done $0x0  }
0xd5: {  	[sflag:s0] =	ssyncadd.s32 $0xFFFFE000  }
0xd6: {  	[tilespmem:s2], [sflag:$0x1] =	stream.indirect.gather [hbm4b:s26+s3], $0x80, s4, s3, $0xb8;
	[tilespmem:$0x19000] =	vst v63  }
0xd7: {  	_ =	swait.ge [sflag:s18], $0x2000  }
0xd8: {  	[sflag:s18] =	ssyncset.done $0x0  }
0xd9: {  	[sflag:s18] =	ssyncadd.s32 $0xFFFFE000  }
0xda: {  	[spmem:s24] =	stream.indirect.scatter.add.f32 [tilespmem:s15], [sflag:$0x3], $0x80, s5, s3, $0xb8;
	[tilespmem:$0x19000] =	vst v63  }
0xdb: {  	_ =	swait.ge [sflag:s0], $0x2000  }
0xdc: {  	[sflag:s0] =	ssyncset.done $0x0  }
0xdd: {  	[sflag:s0] =	ssyncadd.s32 $0xFFFFE000  }
0xde: {  	[tilespmem:s15], [sflag:$0x2] =	stream.indirect.gather [hbm4b:s26+s3], $0x80, s6, s3, $0xb8;
	[tilespmem:$0x19000] =	vst v63  }
0xdf: {  	_ =	swait.ge [sflag:s16], $0x2000  }
0xe0: {  	[sflag:s16] =	ssyncset.done $0x0  }
0xe1: {  	[sflag:s16] =	ssyncadd.s32 $0xFFFFE000  }
0xe2: {  	[spmem:s24] =	stream.indirect.scatter.add.f32 [tilespmem:s2], [sflag:$0x3], $0x80, s7, s3, $0xb8;
	[tilespmem:$0x19000] =	vst v63  }
0xe3: {  	_ =	swait.ge [sflag:s0], $0x2000  }
0xe4: {  	[sflag:s0] =	ssyncset.done $0x0  }
0xe5: {  	[sflag:s0] =	ssyncadd.s32 $0xFFFFE000  }
0xe6: {  	_ =	swait.ge [sflag:s18], $0x2000  }
.Ltmp0:
0xe7: {  	[sflag:s18] =	ssyncset.done $0x0;
	(pc) =	sbr.rel @p0 .LBB2_2-.Ltmp0, $4  }
0xe8: {  	[sflag:s18] =	ssyncadd.s32 $0xFFFFE000  }
0xe9: {  	[spmem:s24] =	stream.indirect.scatter.add.f32 [tilespmem:s15], [sflag:$0x3], $0x80, s8, s3, $0xb8;
	[tilespmem:$0x19000] =	vst v63  }
0xea: {  	_ =	swait.ge [sflag:s0], $0x2000  }
0xeb: {  	s11 =	smov.u32 s12;
	[sflag:s0] =	ssyncset.done $0x0  }
0xec: {  	s9 =	sadd.s32 s10, s25;
	[sflag:s0] =	ssyncadd.s32 $0xFFFFE000  }
0xed: {  	[tilespmem:s1], [sflag:$0x3] =	stream.linear.gather [hbm4b:s9+s1], $0x400, $0x38;
	[tilespmem:$0x19000] =	vst v63  }
0xee: {  	_ =	swait.ge [sflag:s0], $0x400  }
0xef: {  	[sflag:s0] =	ssyncset.done $0x0  }
0xf0: {  	s22 =	sadd.s32 s10, s31;
	[sflag:s0] =	ssyncadd.s32 $0xFFFFFC00  }
0xf1: {  	[tilespmem:s13], [sflag:$0x3] =	stream.linear.gather [hbm4b:s22+s1], $0x400, $0x38;
	[tilespmem:$0x19000] =	vst v63  }
0xf2: {  	_ =	swait.ge [sflag:s0], $0x400  }
0xf3: {  	[sflag:s0] =	ssyncset.done $0x0  }
0xf4: {  	[sflag:s0] =	ssyncadd.s32 $0xFFFFFC00  }
0xf5: {  	[tilespmem:s2], [sflag:$0x1] =	stream.indirect.gather [hbm4b:s26+s3], $0x80, s1, s3, $0xb8;
	[tilespmem:$0x19000] =	vst v63  }
0xf6: {  	_ = 	snop  }
0xf7: {  	[tilespmem:s15], [sflag:$0x2] =	stream.indirect.gather [hbm4b:s26+s3], $0x80, s14, s3, $0xb8;
	[tilespmem:$0x19000] =	vst v63  }
0xf8: {  	_ =	swait.ge [sflag:s16], $0x2000  }
0xf9: {  	[sflag:s16] =	ssyncset.done $0x0  }
0xfa: {  	[sflag:s16] =	ssyncadd.s32 $0xFFFFE000  }
0xfb: {  	[spmem:s24] =	stream.indirect.scatter.add.f32 [tilespmem:s2], [sflag:$0x3], $0x80, s13, s3, $0xb8;
	[tilespmem:$0x19000] =	vst v63  }
0xfc: {  	_ =	swait.ge [sflag:s0], $0x2000  }
0xfd: {  	[sflag:s0] =	ssyncset.done $0x0  }
0xfe: {  	[sflag:s0] =	ssyncadd.s32 $0xFFFFE000  }
0xff: {  	[tilespmem:s2], [sflag:$0x1] =	stream.indirect.gather [hbm4b:s26+s3], $0x80, s17, s3, $0xb8;
	[tilespmem:$0x19000] =	vst v63  }
0x100: {  	_ =	swait.ge [sflag:s18], $0x2000  }
0x101: {  	[sflag:s18] =	ssyncset.done $0x0  }
0x102: {  	[sflag:s18] =	ssyncadd.s32 $0xFFFFE000  }
0x103: {  	[spmem:s24] =	stream.indirect.scatter.add.f32 [tilespmem:s15], [sflag:$0x3], $0x80, s19, s3, $0xb8;
	[tilespmem:$0x19000] =	vst v63  }
0x104: {  	_ =	swait.ge [sflag:s0], $0x2000  }
0x105: {  	[sflag:s0] =	ssyncset.done $0x0  }
0x106: {  	[sflag:s0] =	ssyncadd.s32 $0xFFFFE000  }
0x107: {  	[tilespmem:s15], [sflag:$0x2] =	stream.indirect.gather [hbm4b:s26+s3], $0x80, s20, s3, $0xb8;
	[tilespmem:$0x19000] =	vst v63  }
0x108: {  	_ =	swait.ge [sflag:s16], $0x2000  }
0x109: {  	[sflag:s16] =	ssyncset.done $0x0  }
0x10a: {  	[sflag:s16] =	ssyncadd.s32 $0xFFFFE000  }
0x10b: {  	[spmem:s24] =	stream.indirect.scatter.add.f32 [tilespmem:s2], [sflag:$0x3], $0x80, s21, s3, $0xb8;
	[tilespmem:$0x19000] =	vst v63  }
0x10c: {  	_ =	swait.ge [sflag:s0], $0x2000  }
0x10d: {  	[sflag:s0] =	ssyncset.done $0x0  }
0x10e: {  	[sflag:s0] =	ssyncadd.s32 $0xFFFFE000  }
0x10f: {  	[tilespmem:s2], [sflag:$0x1] =	stream.indirect.gather [hbm4b:s26+s3], $0x80, s23, s3, $0xb8;
	[tilespmem:$0x19000] =	vst v63  }
0x110: {  	_ =	swait.ge [sflag:s18], $0x2000  }
0x111: {  	[sflag:s18] =	ssyncset.done $0x0  }
0x112: {  	[sflag:s18] =	ssyncadd.s32 $0xFFFFE000  }
0x113: {  	[spmem:s24] =	stream.indirect.scatter.add.f32 [tilespmem:s15], [sflag:$0x3], $0x80, s29, s3, $0xb8;
	[tilespmem:$0x19000] =	vst v63  }
0x114: {  	_ =	swait.ge [sflag:s0], $0x2000  }
0x115: {  	[sflag:s0] =	ssyncset.done $0x0  }
0x116: {  	[sflag:s0] =	ssyncadd.s32 $0xFFFFE000  }
0x117: {  	[tilespmem:s15], [sflag:$0x2] =	stream.indirect.gather [hbm4b:s26+s3], $0x80, s30, s3, $0xb8;
	[tilespmem:$0x19000] =	vst v63  }
0x118: {  	_ =	swait.ge [sflag:s16], $0x2000  }
0x119: {  	[sflag:s16] =	ssyncset.done $0x0  }
0x11a: {  	[sflag:s16] =	ssyncadd.s32 $0xFFFFE000  }
0x11b: {  	[spmem:s24] =	stream.indirect.scatter.add.f32 [tilespmem:s2], [sflag:$0x3], $0x80, s28, s3, $0xb8;
	[tilespmem:$0x19000] =	vst v63  }
0x11c: {  	_ =	swait.ge [sflag:s0], $0x2000  }
0x11d: {  	[sflag:s0] =	ssyncset.done $0x0  }
0x11e: {  	[sflag:s0] =	ssyncadd.s32 $0xFFFFE000  }
0x11f: {  	[tilespmem:s2], [sflag:$0x1] =	stream.indirect.gather [hbm4b:s26+s3], $0x80, s4, s3, $0xb8;
	[tilespmem:$0x19000] =	vst v63  }
0x120: {  	_ =	swait.ge [sflag:s18], $0x2000  }
0x121: {  	[sflag:s18] =	ssyncset.done $0x0  }
0x122: {  	[sflag:s18] =	ssyncadd.s32 $0xFFFFE000  }
0x123: {  	[spmem:s24] =	stream.indirect.scatter.add.f32 [tilespmem:s15], [sflag:$0x3], $0x80, s5, s3, $0xb8;
	[tilespmem:$0x19000] =	vst v63  }
0x124: {  	_ =	swait.ge [sflag:s0], $0x2000  }
0x125: {  	[sflag:s0] =	ssyncset.done $0x0  }
0x126: {  	[sflag:s0] =	ssyncadd.s32 $0xFFFFE000  }
0x127: {  	[tilespmem:s15], [sflag:$0x2] =	stream.indirect.gather [hbm4b:s26+s3], $0x80, s6, s3, $0xb8;
	[tilespmem:$0x19000] =	vst v63  }
0x128: {  	_ =	swait.ge [sflag:s16], $0x2000  }
0x129: {  	[sflag:s16] =	ssyncset.done $0x0  }
0x12a: {  	[sflag:s16] =	ssyncadd.s32 $0xFFFFE000  }
0x12b: {  	[spmem:s24] =	stream.indirect.scatter.add.f32 [tilespmem:s2], [sflag:$0x3], $0x80, s7, s3, $0xb8;
	[tilespmem:$0x19000] =	vst v63  }
0x12c: {  	_ =	swait.ge [sflag:s0], $0x2000  }
0x12d: {  	[sflag:s0] =	ssyncset.done $0x0  }
0x12e: {  	[sflag:s0] =	ssyncadd.s32 $0xFFFFE000  }
0x12f: {  	_ =	swait.ge [sflag:s18], $0x2000  }
0x130: {  	[sflag:s18] =	ssyncset.done $0x0  }
0x131: {  	[sflag:s18] =	ssyncadd.s32 $0xFFFFE000  }
0x132: {  	[spmem:s24] =	stream.indirect.scatter.add.f32 [tilespmem:s15], [sflag:$0x3], $0x80, s8, s3, $0xb8;
	[tilespmem:$0x19000] =	vst v63  }
0x133: {  	_ =	swait.ge [sflag:s0], $0x2000  }
0x134: {  	[sflag:s0] =	ssyncset.done $0x0  }
0x135: {  	[sflag:s0] =	ssyncadd.s32 $0xFFFFE000  }
0x136: {  	s10 =	simm.s32 $0x800;
	[bflag:$0x0] =	sbarrier.arrive $0xFFFF  }
0x137: {  	[tilespmem:s2], [sflag:$0x1] =	stream.indirect.gather [spmem:s24], $0x80, s10, s3, $0xb8;
	[tilespmem:$0x19000] =	vst v63  }
0x138: {  	_ =	swait.ge [sflag:s16], $0x2000  }
0x139: {  	[sflag:s16] =	ssyncset.done $0x0  }
0x13a: {  	s10 =	simm.s32 $0x0;
	s11 =	rddreg [dreg:$0x6];
	[sflag:s16] =	ssyncadd.s32 $0xFFFFE000  }
0x13b: {  	[hbm4b:s11+s10] =	stream.linear.scatter [tilespmem:s2], [sflag:$0x3], $0x2000, $0x38;
	[tilespmem:$0x19000] =	vst v63  }
0x13c: {  	_ =	swait.ge [sflag:s0], $0x2000  }
0x13d: {  	[sflag:s0] =	ssyncset.done $0x0  }
0x13e: {  	s12 =	simm.s32 $0x880;
	[sflag:s0] =	ssyncadd.s32 $0xFFFFE000  }
0x13f: {  	[tilespmem:s2], [sflag:$0x1] =	stream.indirect.gather [spmem:s24], $0x80, s12, s3, $0xb8;
	[tilespmem:$0x19000] =	vst v63  }
0x140: {  	_ =	swait.ge [sflag:s16], $0x2000  }
0x141: {  	[sflag:s16] =	ssyncset.done $0x0  }
0x142: {  	s22 =	rddreg [dreg:$0x7];
	[sflag:s16] =	ssyncadd.s32 $0xFFFFE000  }
0x143: {  	[hbm4b:s22+s10] =	stream.linear.scatter [tilespmem:s2], [sflag:$0x3], $0x2000, $0x38;
	[tilespmem:$0x19000] =	vst v63  }
0x144: {  	_ =	swait.ge [sflag:s0], $0x2000  }
0x145: {  	[sflag:s0] =	ssyncset.done $0x0  }
0x146: {  	s11 =	simm.s32 $0x900;
	[sflag:s0] =	ssyncadd.s32 $0xFFFFE000  }
0x147: {  	[tilespmem:s2], [sflag:$0x1] =	stream.indirect.gather [spmem:s24], $0x80, s11, s3, $0xb8;
	[tilespmem:$0x19000] =	vst v63  }
0x148: {  	_ =	swait.ge [sflag:s16], $0x2000  }
0x149: {  	[sflag:s16] =	ssyncset.done $0x0  }
0x14a: {  	s12 =	rddreg [dreg:$0x8];
	[sflag:s16] =	ssyncadd.s32 $0xFFFFE000  }
0x14b: {  	[hbm4b:s12+s10] =	stream.linear.scatter [tilespmem:s2], [sflag:$0x3], $0x2000, $0x38;
	[tilespmem:$0x19000] =	vst v63  }
0x14c: {  	_ =	swait.ge [sflag:s0], $0x2000  }
0x14d: {  	[sflag:s0] =	ssyncset.done $0x0  }
0x14e: {  	s22 =	simm.s32 $0x980;
	[sflag:s0] =	ssyncadd.s32 $0xFFFFE000  }
0x14f: {  	[tilespmem:s2], [sflag:$0x1] =	stream.indirect.gather [spmem:s24], $0x80, s22, s3, $0xb8;
	[tilespmem:$0x19000] =	vst v63  }
0x150: {  	_ =	swait.ge [sflag:s16], $0x2000  }
0x151: {  	[sflag:s16] =	ssyncset.done $0x0  }
0x152: {  	s11 =	rddreg [dreg:$0x9];
	[sflag:s16] =	ssyncadd.s32 $0xFFFFE000  }
0x153: {  	[hbm4b:s11+s10] =	stream.linear.scatter [tilespmem:s2], [sflag:$0x3], $0x2000, $0x38;
	[tilespmem:$0x19000] =	vst v63  }
0x154: {  	_ =	swait.ge [sflag:s0], $0x2000  }
0x155: {  	[sflag:s0] =	ssyncset.done $0x0  }
0x156: {  	s12 =	simm.s32 $0xA00;
	[sflag:s0] =	ssyncadd.s32 $0xFFFFE000  }
0x157: {  	[tilespmem:s2], [sflag:$0x1] =	stream.indirect.gather [spmem:s24], $0x80, s12, s3, $0xb8;
	[tilespmem:$0x19000] =	vst v63  }
0x158: {  	_ =	swait.ge [sflag:s16], $0x2000  }
0x159: {  	[sflag:s16] =	ssyncset.done $0x0  }
0x15a: {  	s22 =	rddreg [dreg:$0xa];
	[sflag:s16] =	ssyncadd.s32 $0xFFFFE000  }
0x15b: {  	[hbm4b:s22+s10] =	stream.linear.scatter [tilespmem:s2], [sflag:$0x3], $0x2000, $0x38;
	[tilespmem:$0x19000] =	vst v63  }
0x15c: {  	_ =	swait.ge [sflag:s0], $0x2000  }
0x15d: {  	[sflag:s0] =	ssyncset.done $0x0  }
0x15e: {  	s11 =	simm.s32 $0xA80;
	[sflag:s0] =	ssyncadd.s32 $0xFFFFE000  }
0x15f: {  	[tilespmem:s2], [sflag:$0x1] =	stream.indirect.gather [spmem:s24], $0x80, s11, s3, $0xb8;
	[tilespmem:$0x19000] =	vst v63  }
0x160: {  	_ =	swait.ge [sflag:s16], $0x2000  }
0x161: {  	[sflag:s16] =	ssyncset.done $0x0  }
0x162: {  	s12 =	rddreg [dreg:$0xb];
	[sflag:s16] =	ssyncadd.s32 $0xFFFFE000  }
0x163: {  	[hbm4b:s12+s10] =	stream.linear.scatter [tilespmem:s2], [sflag:$0x3], $0x2000, $0x38;
	[tilespmem:$0x19000] =	vst v63  }
0x164: {  	_ =	swait.ge [sflag:s0], $0x2000  }
0x165: {  	[sflag:s0] =	ssyncset.done $0x0  }
0x166: {  	s22 =	simm.s32 $0xB00;
	[sflag:s0] =	ssyncadd.s32 $0xFFFFE000  }
0x167: {  	[tilespmem:s2], [sflag:$0x1] =	stream.indirect.gather [spmem:s24], $0x80, s22, s3, $0xb8;
	[tilespmem:$0x19000] =	vst v63  }
0x168: {  	_ =	swait.ge [sflag:s16], $0x2000  }
0x169: {  	[sflag:s16] =	ssyncset.done $0x0  }
0x16a: {  	s11 =	rddreg [dreg:$0xc];
	[sflag:s16] =	ssyncadd.s32 $0xFFFFE000  }
0x16b: {  	[hbm4b:s11+s10] =	stream.linear.scatter [tilespmem:s2], [sflag:$0x3], $0x2000, $0x38;
	[tilespmem:$0x19000] =	vst v63  }
0x16c: {  	_ =	swait.ge [sflag:s0], $0x2000  }
0x16d: {  	[sflag:s0] =	ssyncset.done $0x0  }
0x16e: {  	s22 =	simm.s32 $0xB80;
	[sflag:s0] =	ssyncadd.s32 $0xFFFFE000  }
0x16f: {  	[tilespmem:s2], [sflag:$0x1] =	stream.indirect.gather [spmem:s24], $0x80, s22, s3, $0xb8;
	[tilespmem:$0x19000] =	vst v63  }
0x170: {  	_ =	swait.ge [sflag:s16], $0x2000  }
0x171: {  	[sflag:s16] =	ssyncset.done $0x0  }
0x172: {  	s12 =	rddreg [dreg:$0xd];
	[sflag:s16] =	ssyncadd.s32 $0xFFFFE000  }
0x173: {  	[hbm4b:s12+s10] =	stream.linear.scatter [tilespmem:s2], [sflag:$0x3], $0x2000, $0x38;
	[tilespmem:$0x19000] =	vst v63  }
0x174: {  	_ =	swait.ge [sflag:s0], $0x2000  }
0x175: {  	[sflag:s0] =	ssyncset.done $0x0  }
0x176: {  	s12 =	simm.s32 $0xC00;
	[sflag:s0] =	ssyncadd.s32 $0xFFFFE000  }
0x177: {  	[tilespmem:s2], [sflag:$0x1] =	stream.indirect.gather [spmem:s24], $0x80, s12, s3, $0xb8;
	[tilespmem:$0x19000] =	vst v63  }
0x178: {  	_ =	swait.ge [sflag:s16], $0x2000  }
0x179: {  	[sflag:s16] =	ssyncset.done $0x0  }
0x17a: {  	s11 =	rddreg [dreg:$0xe];
	[sflag:s16] =	ssyncadd.s32 $0xFFFFE000  }
0x17b: {  	[hbm4b:s11+s10] =	stream.linear.scatter [tilespmem:s2], [sflag:$0x3], $0x2000, $0x38;
	[tilespmem:$0x19000] =	vst v63  }
0x17c: {  	_ =	swait.ge [sflag:s0], $0x2000  }
0x17d: {  	[sflag:s0] =	ssyncset.done $0x0  }
0x17e: {  	s11 =	simm.s32 $0xC80;
	[sflag:s0] =	ssyncadd.s32 $0xFFFFE000  }
0x17f: {  	[tilespmem:s2], [sflag:$0x1] =	stream.indirect.gather [spmem:s24], $0x80, s11, s3, $0xb8;
	[tilespmem:$0x19000] =	vst v63  }
0x180: {  	_ =	swait.ge [sflag:s16], $0x2000  }
0x181: {  	[sflag:s16] =	ssyncset.done $0x0  }
0x182: {  	s9 =	rddreg [dreg:$0xf];
	[sflag:s16] =	ssyncadd.s32 $0xFFFFE000  }
0x183: {  	[hbm4b:s9+s10] =	stream.linear.scatter [tilespmem:s2], [sflag:$0x3], $0x2000, $0x38;
	[tilespmem:$0x19000] =	vst v63  }
0x184: {  	_ =	swait.ge [sflag:s0], $0x2000  }
0x185: {  	[sflag:s0] =	ssyncset.done $0x0  }
0x186: {  	[sflag:s0] =	ssyncadd.s32 $0xFFFFE000  }
0x187: {  	[bflag:$0x0] =	sbarrier.arrive $0xFFFF  }
0x188: {  	s9 =	rddreg [dreg:$0x1a]  }
0x189: {  	[tilespmem:s2], [sflag:$0x3] =	stream.linear.gather [hbm4b:s9+s10], $0x2000, $0x38;
	[tilespmem:$0x19000] =	vst v63  }
0x18a: {  	_ =	swait.ge [sflag:s0], $0x2000  }
0x18b: {  	[sflag:s0] =	ssyncset.done $0x0  }
0x18c: {  	s9 =	simm.s32 $0x800;
	[sflag:s0] =	ssyncadd.s32 $0xFFFFE000  }
0x18d: {  	[spmem:s24] =	stream.indirect.scatter [tilespmem:s2], [sflag:$0x3], $0x80, s9, s3, $0xb8;
	[tilespmem:$0x19000] =	vst v63  }
0x18e: {  	_ =	swait.ge [sflag:s0], $0x2000  }
0x18f: {  	[sflag:s0] =	ssyncset.done $0x0  }
0x190: {  	s9 =	simm.s32 $0x880;
	[sflag:s0] =	ssyncadd.s32 $0xFFFFE000  }
0x191: {  	[spmem:s24] =	stream.indirect.scatter [tilespmem:s2], [sflag:$0x3], $0x80, s9, s3, $0xb8;
	[tilespmem:$0x19000] =	vst v63  }
0x192: {  	_ =	swait.ge [sflag:s0], $0x2000  }
0x193: {  	[sflag:s0] =	ssyncset.done $0x0  }
0x194: {  	s9 =	simm.s32 $0x900;
	[sflag:s0] =	ssyncadd.s32 $0xFFFFE000  }
0x195: {  	[spmem:s24] =	stream.indirect.scatter [tilespmem:s2], [sflag:$0x3], $0x80, s9, s3, $0xb8;
	[tilespmem:$0x19000] =	vst v63  }
0x196: {  	_ =	swait.ge [sflag:s0], $0x2000  }
0x197: {  	[sflag:s0] =	ssyncset.done $0x0  }
0x198: {  	s9 =	simm.s32 $0x980;
	[sflag:s0] =	ssyncadd.s32 $0xFFFFE000  }
0x199: {  	[spmem:s24] =	stream.indirect.scatter [tilespmem:s2], [sflag:$0x3], $0x80, s9, s3, $0xb8;
	[tilespmem:$0x19000] =	vst v63  }
0x19a: {  	_ =	swait.ge [sflag:s0], $0x2000  }
0x19b: {  	[sflag:s0] =	ssyncset.done $0x0  }
0x19c: {  	s9 =	simm.s32 $0xA00;
	[sflag:s0] =	ssyncadd.s32 $0xFFFFE000  }
0x19d: {  	[spmem:s24] =	stream.indirect.scatter [tilespmem:s2], [sflag:$0x3], $0x80, s9, s3, $0xb8;
	[tilespmem:$0x19000] =	vst v63  }
0x19e: {  	_ =	swait.ge [sflag:s0], $0x2000  }
0x19f: {  	[sflag:s0] =	ssyncset.done $0x0  }
0x1a0: {  	s9 =	simm.s32 $0xA80;
	[sflag:s0] =	ssyncadd.s32 $0xFFFFE000  }
0x1a1: {  	[spmem:s24] =	stream.indirect.scatter [tilespmem:s2], [sflag:$0x3], $0x80, s9, s3, $0xb8;
	[tilespmem:$0x19000] =	vst v63  }
0x1a2: {  	_ =	swait.ge [sflag:s0], $0x2000  }
0x1a3: {  	[sflag:s0] =	ssyncset.done $0x0  }
0x1a4: {  	s9 =	simm.s32 $0xB00;
	[sflag:s0] =	ssyncadd.s32 $0xFFFFE000  }
0x1a5: {  	[spmem:s24] =	stream.indirect.scatter [tilespmem:s2], [sflag:$0x3], $0x80, s9, s3, $0xb8;
	[tilespmem:$0x19000] =	vst v63  }
0x1a6: {  	_ =	swait.ge [sflag:s0], $0x2000  }
0x1a7: {  	[sflag:s0] =	ssyncset.done $0x0  }
0x1a8: {  	[sflag:s0] =	ssyncadd.s32 $0xFFFFE000  }
0x1a9: {  	[spmem:s24] =	stream.indirect.scatter [tilespmem:s2], [sflag:$0x3], $0x80, s22, s3, $0xb8;
	[tilespmem:$0x19000] =	vst v63  }
0x1aa: {  	_ =	swait.ge [sflag:s0], $0x2000  }
0x1ab: {  	[sflag:s0] =	ssyncset.done $0x0  }
0x1ac: {  	[sflag:s0] =	ssyncadd.s32 $0xFFFFE000  }
0x1ad: {  	[spmem:s24] =	stream.indirect.scatter [tilespmem:s2], [sflag:$0x3], $0x80, s12, s3, $0xb8;
	[tilespmem:$0x19000] =	vst v63  }
0x1ae: {  	_ =	swait.ge [sflag:s0], $0x2000  }
0x1af: {  	[sflag:s0] =	ssyncset.done $0x0  }
0x1b0: {  	[sflag:s0] =	ssyncadd.s32 $0xFFFFE000  }
0x1b1: {  	[spmem:s24] =	stream.indirect.scatter [tilespmem:s2], [sflag:$0x3], $0x80, s11, s3, $0xb8;
	[tilespmem:$0x19000] =	vst v63  }
0x1b2: {  	_ =	swait.ge [sflag:s0], $0x2000  }
0x1b3: {  	[sflag:s0] =	ssyncset.done $0x0  }
0x1b4: {  	[sflag:s0] =	ssyncadd.s32 $0xFFFFE000  }
0x1b5: {  	[bflag:$0x0] =	sbarrier.arrive $0xFFFF  }
0x1b6: {  	s12 =	rddreg [dreg:$0x1b]  }
0x1b7: {  	[tilespmem:s2], [sflag:$0x3] =	stream.linear.gather [hbm4b:s12+s10], $0x2000, $0x38;
	[tilespmem:$0x19000] =	vst v63  }
0x1b8: {  	_ =	swait.ge [sflag:s0], $0x2000  }
0x1b9: {  	[sflag:s0] =	ssyncset.done $0x0  }
0x1ba: {  	s22 =	sadd.s32 $0x0, s31;
	[sflag:s0] =	ssyncadd.s32 $0xFFFFE000  }
0x1bb: {  	[tilespmem:s13], [sflag:$0x3] =	stream.linear.gather [hbm4b:s22+s1], $0x400, $0x38;
	[tilespmem:$0x19000] =	vst v63  }
0x1bc: {  	_ =	swait.ge [sflag:s0], $0x400  }
0x1bd: {  	[sflag:s0] =	ssyncset.done $0x0  }
0x1be: {  	[sflag:s0] =	ssyncadd.s32 $0xFFFFFC00  }
0x1bf: {  	[spmem:s24] =	stream.indirect.scatter.add.f32 [tilespmem:s2], [sflag:$0x3], $0x80, s13, s3, $0xb8;
	[tilespmem:$0x19000] =	vst v63  }
0x1c0: {  	_ =	swait.ge [sflag:s0], $0x2000  }
0x1c1: {  	[sflag:s0] =	ssyncset.done $0x0  }
0x1c2: {  	[sflag:s0] =	ssyncadd.s32 $0xFFFFE000  }
0x1c3: {  	[spmem:s24] =	stream.indirect.scatter.add.f32 [tilespmem:s2], [sflag:$0x3], $0x80, s19, s3, $0xb8;
	[tilespmem:$0x19000] =	vst v63  }
0x1c4: {  	_ =	swait.ge [sflag:s0], $0x2000  }
0x1c5: {  	[sflag:s0] =	ssyncset.done $0x0  }
0x1c6: {  	[sflag:s0] =	ssyncadd.s32 $0xFFFFE000  }
0x1c7: {  	[spmem:s24] =	stream.indirect.scatter.add.f32 [tilespmem:s2], [sflag:$0x3], $0x80, s21, s3, $0xb8;
	[tilespmem:$0x19000] =	vst v63  }
0x1c8: {  	_ =	swait.ge [sflag:s0], $0x2000  }
0x1c9: {  	[sflag:s0] =	ssyncset.done $0x0  }
0x1ca: {  	[sflag:s0] =	ssyncadd.s32 $0xFFFFE000  }
0x1cb: {  	[spmem:s24] =	stream.indirect.scatter.add.f32 [tilespmem:s2], [sflag:$0x3], $0x80, s29, s3, $0xb8;
	[tilespmem:$0x19000] =	vst v63  }
0x1cc: {  	_ =	swait.ge [sflag:s0], $0x2000  }
0x1cd: {  	[sflag:s0] =	ssyncset.done $0x0  }
0x1ce: {  	[sflag:s0] =	ssyncadd.s32 $0xFFFFE000  }
0x1cf: {  	[spmem:s24] =	stream.indirect.scatter.add.f32 [tilespmem:s2], [sflag:$0x3], $0x80, s28, s3, $0xb8;
	[tilespmem:$0x19000] =	vst v63  }
0x1d0: {  	_ =	swait.ge [sflag:s0], $0x2000  }
0x1d1: {  	[sflag:s0] =	ssyncset.done $0x0  }
0x1d2: {  	[sflag:s0] =	ssyncadd.s32 $0xFFFFE000  }
0x1d3: {  	[spmem:s24] =	stream.indirect.scatter.add.f32 [tilespmem:s2], [sflag:$0x3], $0x80, s5, s3, $0xb8;
	[tilespmem:$0x19000] =	vst v63  }
0x1d4: {  	_ =	swait.ge [sflag:s0], $0x2000  }
0x1d5: {  	[sflag:s0] =	ssyncset.done $0x0  }
0x1d6: {  	[sflag:s0] =	ssyncadd.s32 $0xFFFFE000  }
0x1d7: {  	[spmem:s24] =	stream.indirect.scatter.add.f32 [tilespmem:s2], [sflag:$0x3], $0x80, s7, s3, $0xb8;
	[tilespmem:$0x19000] =	vst v63  }
0x1d8: {  	_ =	swait.ge [sflag:s0], $0x2000  }
0x1d9: {  	[sflag:s0] =	ssyncset.done $0x0  }
0x1da: {  	[sflag:s0] =	ssyncadd.s32 $0xFFFFE000  }
0x1db: {  	[spmem:s24] =	stream.indirect.scatter.add.f32 [tilespmem:s2], [sflag:$0x3], $0x80, s8, s3, $0xb8;
	[tilespmem:$0x19000] =	vst v63  }
0x1dc: {  	_ =	swait.ge [sflag:s0], $0x2000  }
0x1dd: {  	s10 =	simm.s32 $0x80;
	s12 =	simm.s32 $0x100;
	[sflag:s0] =	ssyncset.done $0x0  }
.LBB2_4:
0x1de: {  	s9 =	sadd.s32 s10, s31  }
0x1df: {  	[sflag:s0] =	ssyncadd.s32 $0xFFFFE000;
	s10 =	smov.u32 s12;
	s11 =	sadd.s32 $0x80, s12  }
0x1e0: {  	[tilespmem:s13], [sflag:$0x3] =	stream.linear.gather [hbm4b:s9+s1], $0x400, $0x38;
	[tilespmem:$0x19000] =	vst v63  }
0x1e1: {  	p0 =	sne.s32 s12, $0x980;
	_ =	swait.ge [sflag:s0], $0x400  }
0x1e2: {  	[sflag:s0] =	ssyncset.done $0x0  }
0x1e3: {  	[sflag:s0] =	ssyncadd.s32 $0xFFFFFC00  }
0x1e4: {  	[spmem:s24] =	stream.indirect.scatter.add.f32 [tilespmem:s2], [sflag:$0x3], $0x80, s13, s3, $0xb8;
	[tilespmem:$0x19000] =	vst v63  }
0x1e5: {  	_ =	swait.ge [sflag:s0], $0x2000  }
0x1e6: {  	[sflag:s0] =	ssyncset.done $0x0  }
0x1e7: {  	[sflag:s0] =	ssyncadd.s32 $0xFFFFE000  }
0x1e8: {  	[spmem:s24] =	stream.indirect.scatter.add.f32 [tilespmem:s2], [sflag:$0x3], $0x80, s19, s3, $0xb8;
	[tilespmem:$0x19000] =	vst v63  }
0x1e9: {  	_ =	swait.ge [sflag:s0], $0x2000  }
0x1ea: {  	[sflag:s0] =	ssyncset.done $0x0  }
0x1eb: {  	[sflag:s0] =	ssyncadd.s32 $0xFFFFE000  }
0x1ec: {  	[spmem:s24] =	stream.indirect.scatter.add.f32 [tilespmem:s2], [sflag:$0x3], $0x80, s21, s3, $0xb8;
	[tilespmem:$0x19000] =	vst v63  }
0x1ed: {  	_ =	swait.ge [sflag:s0], $0x2000  }
0x1ee: {  	[sflag:s0] =	ssyncset.done $0x0  }
0x1ef: {  	[sflag:s0] =	ssyncadd.s32 $0xFFFFE000  }
0x1f0: {  	[spmem:s24] =	stream.indirect.scatter.add.f32 [tilespmem:s2], [sflag:$0x3], $0x80, s29, s3, $0xb8;
	[tilespmem:$0x19000] =	vst v63  }
0x1f1: {  	_ =	swait.ge [sflag:s0], $0x2000  }
0x1f2: {  	[sflag:s0] =	ssyncset.done $0x0  }
0x1f3: {  	[sflag:s0] =	ssyncadd.s32 $0xFFFFE000  }
0x1f4: {  	[spmem:s24] =	stream.indirect.scatter.add.f32 [tilespmem:s2], [sflag:$0x3], $0x80, s28, s3, $0xb8;
	[tilespmem:$0x19000] =	vst v63  }
0x1f5: {  	_ =	swait.ge [sflag:s0], $0x2000  }
0x1f6: {  	[sflag:s0] =	ssyncset.done $0x0  }
0x1f7: {  	[sflag:s0] =	ssyncadd.s32 $0xFFFFE000  }
0x1f8: {  	[spmem:s24] =	stream.indirect.scatter.add.f32 [tilespmem:s2], [sflag:$0x3], $0x80, s5, s3, $0xb8;
	[tilespmem:$0x19000] =	vst v63  }
0x1f9: {  	_ =	swait.ge [sflag:s0], $0x2000  }
0x1fa: {  	[sflag:s0] =	ssyncset.done $0x0  }
0x1fb: {  	[sflag:s0] =	ssyncadd.s32 $0xFFFFE000  }
0x1fc: {  	[spmem:s24] =	stream.indirect.scatter.add.f32 [tilespmem:s2], [sflag:$0x3], $0x80, s7, s3, $0xb8;
	[tilespmem:$0x19000] =	vst v63  }
0x1fd: {  	_ =	swait.ge [sflag:s0], $0x2000  }
.Ltmp1:
0x1fe: {  	[sflag:s0] =	ssyncset.done $0x0;
	(pc) =	sbr.rel @p0 .LBB2_4-.Ltmp1, $4  }
0x1ff: {  	[sflag:s0] =	ssyncadd.s32 $0xFFFFE000  }
0x200: {  	[spmem:s24] =	stream.indirect.scatter.add.f32 [tilespmem:s2], [sflag:$0x3], $0x80, s8, s3, $0xb8;
	[tilespmem:$0x19000] =	vst v63  }
0x201: {  	_ =	swait.ge [sflag:s0], $0x2000  }
0x202: {  	s12 =	smov.u32 s11;
	[sflag:s0] =	ssyncset.done $0x0  }
0x203: {  	s9 =	sadd.s32 s10, s31;
	[sflag:s0] =	ssyncadd.s32 $0xFFFFE000  }
0x204: {  	[tilespmem:s13], [sflag:$0x3] =	stream.linear.gather [hbm4b:s9+s1], $0x400, $0x38;
	[tilespmem:$0x19000] =	vst v63  }
0x205: {  	_ =	swait.ge [sflag:s0], $0x400  }
0x206: {  	[sflag:s0] =	ssyncset.done $0x0  }
0x207: {  	[sflag:s0] =	ssyncadd.s32 $0xFFFFFC00  }
0x208: {  	[spmem:s24] =	stream.indirect.scatter.add.f32 [tilespmem:s2], [sflag:$0x3], $0x80, s13, s3, $0xb8;
	[tilespmem:$0x19000] =	vst v63  }
0x209: {  	_ =	swait.ge [sflag:s0], $0x2000  }
0x20a: {  	[sflag:s0] =	ssyncset.done $0x0  }
0x20b: {  	[sflag:s0] =	ssyncadd.s32 $0xFFFFE000  }
0x20c: {  	[spmem:s24] =	stream.indirect.scatter.add.f32 [tilespmem:s2], [sflag:$0x3], $0x80, s19, s3, $0xb8;
	[tilespmem:$0x19000] =	vst v63  }
0x20d: {  	_ =	swait.ge [sflag:s0], $0x2000  }
0x20e: {  	[sflag:s0] =	ssyncset.done $0x0  }
0x20f: {  	[sflag:s0] =	ssyncadd.s32 $0xFFFFE000  }
0x210: {  	[spmem:s24] =	stream.indirect.scatter.add.f32 [tilespmem:s2], [sflag:$0x3], $0x80, s21, s3, $0xb8;
	[tilespmem:$0x19000] =	vst v63  }
0x211: {  	_ =	swait.ge [sflag:s0], $0x2000  }
0x212: {  	[sflag:s0] =	ssyncset.done $0x0  }
0x213: {  	[sflag:s0] =	ssyncadd.s32 $0xFFFFE000  }
0x214: {  	[spmem:s24] =	stream.indirect.scatter.add.f32 [tilespmem:s2], [sflag:$0x3], $0x80, s29, s3, $0xb8;
	[tilespmem:$0x19000] =	vst v63  }
0x215: {  	_ =	swait.ge [sflag:s0], $0x2000  }
0x216: {  	[sflag:s0] =	ssyncset.done $0x0  }
0x217: {  	[sflag:s0] =	ssyncadd.s32 $0xFFFFE000  }
0x218: {  	[spmem:s24] =	stream.indirect.scatter.add.f32 [tilespmem:s2], [sflag:$0x3], $0x80, s28, s3, $0xb8;
	[tilespmem:$0x19000] =	vst v63  }
0x219: {  	_ =	swait.ge [sflag:s0], $0x2000  }
0x21a: {  	[sflag:s0] =	ssyncset.done $0x0  }
0x21b: {  	[sflag:s0] =	ssyncadd.s32 $0xFFFFE000  }
0x21c: {  	[spmem:s24] =	stream.indirect.scatter.add.f32 [tilespmem:s2], [sflag:$0x3], $0x80, s5, s3, $0xb8;
	[tilespmem:$0x19000] =	vst v63  }
0x21d: {  	_ =	swait.ge [sflag:s0], $0x2000  }
0x21e: {  	[sflag:s0] =	ssyncset.done $0x0  }
0x21f: {  	[sflag:s0] =	ssyncadd.s32 $0xFFFFE000  }
0x220: {  	[spmem:s24] =	stream.indirect.scatter.add.f32 [tilespmem:s2], [sflag:$0x3], $0x80, s7, s3, $0xb8;
	[tilespmem:$0x19000] =	vst v63  }
0x221: {  	_ =	swait.ge [sflag:s0], $0x2000  }
0x222: {  	[sflag:s0] =	ssyncset.done $0x0  }
0x223: {  	[sflag:s0] =	ssyncadd.s32 $0xFFFFE000  }
0x224: {  	[spmem:s24] =	stream.indirect.scatter.add.f32 [tilespmem:s2], [sflag:$0x3], $0x80, s8, s3, $0xb8;
	[tilespmem:$0x19000] =	vst v63  }
0x225: {  	_ =	swait.ge [sflag:s0], $0x2000  }
0x226: {  	[sflag:s0] =	ssyncset.done $0x0  }
0x227: {  	[sflag:s0] =	ssyncadd.s32 $0xFFFFE000  }
0x228: {  	s11 =	simm.s32 $0x800;
	[bflag:$0x0] =	sbarrier.arrive $0xFFFF  }
0x229: {  	[tilespmem:s2], [sflag:$0x1] =	stream.indirect.gather [spmem:s24], $0x80, s11, s3, $0xb8;
	[tilespmem:$0x19000] =	vst v63  }
0x22a: {  	_ =	swait.ge [sflag:s16], $0x2000  }
0x22b: {  	[sflag:s16] =	ssyncset.done $0x0  }
0x22c: {  	s12 =	rddreg [dreg:$0x10];
	[sflag:s16] =	ssyncadd.s32 $0xFFFFE000  }
0x22d: {  	[hbm4b:s12+s1] =	stream.linear.scatter [tilespmem:s2], [sflag:$0x3], $0x2000, $0x38;
	[tilespmem:$0x19000] =	vst v63  }
0x22e: {  	_ =	swait.ge [sflag:s0], $0x2000  }
0x22f: {  	[sflag:s0] =	ssyncset.done $0x0  }
0x230: {  	s22 =	simm.s32 $0x880;
	[sflag:s0] =	ssyncadd.s32 $0xFFFFE000  }
0x231: {  	[tilespmem:s2], [sflag:$0x1] =	stream.indirect.gather [spmem:s24], $0x80, s22, s3, $0xb8;
	[tilespmem:$0x19000] =	vst v63  }
0x232: {  	_ =	swait.ge [sflag:s16], $0x2000  }
0x233: {  	[sflag:s16] =	ssyncset.done $0x0  }
0x234: {  	s10 =	rddreg [dreg:$0x11];
	[sflag:s16] =	ssyncadd.s32 $0xFFFFE000  }
0x235: {  	[hbm4b:s10+s1] =	stream.linear.scatter [tilespmem:s2], [sflag:$0x3], $0x2000, $0x38;
	[tilespmem:$0x19000] =	vst v63  }
0x236: {  	_ =	swait.ge [sflag:s0], $0x2000  }
0x237: {  	[sflag:s0] =	ssyncset.done $0x0  }
0x238: {  	s11 =	simm.s32 $0x900;
	[sflag:s0] =	ssyncadd.s32 $0xFFFFE000  }
0x239: {  	[tilespmem:s2], [sflag:$0x1] =	stream.indirect.gather [spmem:s24], $0x80, s11, s3, $0xb8;
	[tilespmem:$0x19000] =	vst v63  }
0x23a: {  	_ =	swait.ge [sflag:s16], $0x2000  }
0x23b: {  	[sflag:s16] =	ssyncset.done $0x0  }
0x23c: {  	s12 =	rddreg [dreg:$0x12];
	[sflag:s16] =	ssyncadd.s32 $0xFFFFE000  }
0x23d: {  	[hbm4b:s12+s1] =	stream.linear.scatter [tilespmem:s2], [sflag:$0x3], $0x2000, $0x38;
	[tilespmem:$0x19000] =	vst v63  }
0x23e: {  	_ =	swait.ge [sflag:s0], $0x2000  }
0x23f: {  	[sflag:s0] =	ssyncset.done $0x0  }
0x240: {  	s22 =	simm.s32 $0x980;
	[sflag:s0] =	ssyncadd.s32 $0xFFFFE000  }
0x241: {  	[tilespmem:s2], [sflag:$0x1] =	stream.indirect.gather [spmem:s24], $0x80, s22, s3, $0xb8;
	[tilespmem:$0x19000] =	vst v63  }
0x242: {  	_ =	swait.ge [sflag:s16], $0x2000  }
0x243: {  	[sflag:s16] =	ssyncset.done $0x0  }
0x244: {  	s10 =	rddreg [dreg:$0x13];
	[sflag:s16] =	ssyncadd.s32 $0xFFFFE000  }
0x245: {  	[hbm4b:s10+s1] =	stream.linear.scatter [tilespmem:s2], [sflag:$0x3], $0x2000, $0x38;
	[tilespmem:$0x19000] =	vst v63  }
0x246: {  	_ =	swait.ge [sflag:s0], $0x2000  }
0x247: {  	[sflag:s0] =	ssyncset.done $0x0  }
0x248: {  	s11 =	simm.s32 $0xA00;
	[sflag:s0] =	ssyncadd.s32 $0xFFFFE000  }
0x249: {  	[tilespmem:s2], [sflag:$0x1] =	stream.indirect.gather [spmem:s24], $0x80, s11, s3, $0xb8;
	[tilespmem:$0x19000] =	vst v63  }
0x24a: {  	_ =	swait.ge [sflag:s16], $0x2000  }
0x24b: {  	[sflag:s16] =	ssyncset.done $0x0  }
0x24c: {  	s12 =	rddreg [dreg:$0x14];
	[sflag:s16] =	ssyncadd.s32 $0xFFFFE000  }
0x24d: {  	[hbm4b:s12+s1] =	stream.linear.scatter [tilespmem:s2], [sflag:$0x3], $0x2000, $0x38;
	[tilespmem:$0x19000] =	vst v63  }
0x24e: {  	_ =	swait.ge [sflag:s0], $0x2000  }
0x24f: {  	[sflag:s0] =	ssyncset.done $0x0  }
0x250: {  	s22 =	simm.s32 $0xA80;
	[sflag:s0] =	ssyncadd.s32 $0xFFFFE000  }
0x251: {  	[tilespmem:s2], [sflag:$0x1] =	stream.indirect.gather [spmem:s24], $0x80, s22, s3, $0xb8;
	[tilespmem:$0x19000] =	vst v63  }
0x252: {  	_ =	swait.ge [sflag:s16], $0x2000  }
0x253: {  	[sflag:s16] =	ssyncset.done $0x0  }
0x254: {  	s10 =	rddreg [dreg:$0x15];
	[sflag:s16] =	ssyncadd.s32 $0xFFFFE000  }
0x255: {  	[hbm4b:s10+s1] =	stream.linear.scatter [tilespmem:s2], [sflag:$0x3], $0x2000, $0x38;
	[tilespmem:$0x19000] =	vst v63  }
0x256: {  	_ =	swait.ge [sflag:s0], $0x2000  }
0x257: {  	[sflag:s0] =	ssyncset.done $0x0  }
0x258: {  	s11 =	simm.s32 $0xB00;
	[sflag:s0] =	ssyncadd.s32 $0xFFFFE000  }
0x259: {  	[tilespmem:s2], [sflag:$0x1] =	stream.indirect.gather [spmem:s24], $0x80, s11, s3, $0xb8;
	[tilespmem:$0x19000] =	vst v63  }
0x25a: {  	_ =	swait.ge [sflag:s16], $0x2000  }
0x25b: {  	[sflag:s16] =	ssyncset.done $0x0  }
0x25c: {  	s12 =	rddreg [dreg:$0x16];
	[sflag:s16] =	ssyncadd.s32 $0xFFFFE000  }
0x25d: {  	[hbm4b:s12+s1] =	stream.linear.scatter [tilespmem:s2], [sflag:$0x3], $0x2000, $0x38;
	[tilespmem:$0x19000] =	vst v63  }
0x25e: {  	_ =	swait.ge [sflag:s0], $0x2000  }
0x25f: {  	[sflag:s0] =	ssyncset.done $0x0  }
0x260: {  	s22 =	simm.s32 $0xB80;
	[sflag:s0] =	ssyncadd.s32 $0xFFFFE000  }
0x261: {  	[tilespmem:s2], [sflag:$0x1] =	stream.indirect.gather [spmem:s24], $0x80, s22, s3, $0xb8;
	[tilespmem:$0x19000] =	vst v63  }
0x262: {  	_ =	swait.ge [sflag:s16], $0x2000  }
0x263: {  	[sflag:s16] =	ssyncset.done $0x0  }
0x264: {  	s10 =	rddreg [dreg:$0x17];
	[sflag:s16] =	ssyncadd.s32 $0xFFFFE000  }
0x265: {  	[hbm4b:s10+s1] =	stream.linear.scatter [tilespmem:s2], [sflag:$0x3], $0x2000, $0x38;
	[tilespmem:$0x19000] =	vst v63  }
0x266: {  	_ =	swait.ge [sflag:s0], $0x2000  }
0x267: {  	[sflag:s0] =	ssyncset.done $0x0  }
0x268: {  	s10 =	simm.s32 $0xC00;
	[sflag:s0] =	ssyncadd.s32 $0xFFFFE000  }
0x269: {  	[tilespmem:s2], [sflag:$0x1] =	stream.indirect.gather [spmem:s24], $0x80, s10, s3, $0xb8;
	[tilespmem:$0x19000] =	vst v63  }
0x26a: {  	_ =	swait.ge [sflag:s16], $0x2000  }
0x26b: {  	[sflag:s16] =	ssyncset.done $0x0  }
0x26c: {  	s11 =	rddreg [dreg:$0x18];
	[sflag:s16] =	ssyncadd.s32 $0xFFFFE000  }
0x26d: {  	[hbm4b:s11+s1] =	stream.linear.scatter [tilespmem:s2], [sflag:$0x3], $0x2000, $0x38;
	[tilespmem:$0x19000] =	vst v63  }
0x26e: {  	_ =	swait.ge [sflag:s0], $0x2000  }
0x26f: {  	[sflag:s0] =	ssyncset.done $0x0  }
0x270: {  	s11 =	simm.s32 $0xC80;
	[sflag:s0] =	ssyncadd.s32 $0xFFFFE000  }
0x271: {  	[tilespmem:s2], [sflag:$0x1] =	stream.indirect.gather [spmem:s24], $0x80, s11, s3, $0xb8;
	[tilespmem:$0x19000] =	vst v63  }
0x272: {  	_ =	swait.ge [sflag:s16], $0x2000  }
0x273: {  	[sflag:s16] =	ssyncset.done $0x0  }
0x274: {  	s12 =	rddreg [dreg:$0x19];
	[sflag:s16] =	ssyncadd.s32 $0xFFFFE000  }
0x275: {  	[hbm4b:s12+s1] =	stream.linear.scatter [tilespmem:s2], [sflag:$0x3], $0x2000, $0x38;
	[tilespmem:$0x19000] =	vst v63  }
0x276: {  	_ =	swait.ge [sflag:s0], $0x2000  }
0x277: {  	s12 =	rddreg [dreg:$0x1d]  }
0x278: {  	s22 =	rddreg [dreg:$0x1c];
	s12 =	sadd.s32 $0x1, s12  }
0x279: {  	p0 =	sne.s32 s12, s22  }
.Ltmp2:
0x27a: {  	_ = 	snop;
	(pc) =	sbr.rel @p0 .LBB2_1-.Ltmp2, $3  }
0x27b: {  	_ =	sdelay $0x1  }
0x27c: {  	[sflag:s0] =	ssyncset.done $0x0;
	[dreg:$0x1d] =	wrdreg s12  }
0x27d: {  	[sflag:s0] =	ssyncadd.s32 $0xFFFFE000;
	s12 =	rddreg [dreg:$0x1a]  }
0x27e: {  	_ =	sfence.sel $0x180000  }
0x27f: {  	[bflag:$0x0] =	sbarrier.arrive $0xFFFF  }
0x280: {  	_ =	strace $0x90000047  }
0x281: {  	s0 =	stileid.u32;
	[bflag:$0x2] =	sbarrier.arrive $0xFFFF  }
0x282: {  	p0 =	sne.s32 s0, $0x0;
	s0 =	rddreg [dreg:$0x4]  }
0x283: {  	s0 =	sadd.s32 @!p0 $0x100000, s0  }
0x284: {  	[sflag:s0] =	ssyncadd.tile.s32 @!p0 $0x1;
	_ =	shalt  }
.Lfunc_end2:
_tile_overlayer_lowered:
.L_overlay_start_2:
0x285: {  	(tag) =	ssettag $0x2  }
0x286: {  	s0 =	rddreg [dreg:$0x0];
	s2 =	stileid.u32  }
0x287: {  	s1 =	rddreg [dreg:$0x1];
	p0 =	sne.s32 s2, $0x0  }
0x288: {  	s3 =	rddreg [dreg:$0x2];
	[bflag:$0x3] =	sbarrier.arrive $0xFFFF;
	s2 =	simm.s32 @!p0 $0x1C03  }
0x289: {  	[timem:s3], [sflag:s2] =	dma.local @!p0 [hbm:s0], s1  }
0x28a: {  	s0 =	simm.s32 @!p0 $0x3  }
0x28b: {  	_ =	swait.ge @!p0 [sflag:s0], s1  }
0x28c: {  	s1 =	ssub.s32 @!p0 $0x0, s1;
	[sflag:s0] =	ssyncset.done @!p0 $0x0  }
0x28d: {  	[sflag:s0] =	ssyncadd.s32 @!p0 s1  }
0x28e: {  	[bflag:$0x3] =	sbarrier.arrive $0xFFFF  }
0x28f: {  	_ =	shalt  }

</sc_bundles>
